<compile_context>
chip_gen: v7x
topology: tpu7x:2x2x1
jax: 0.10.2.dev20260603
libtpu: 0.0.44.dev20260713+nightly
codegen_flags: <defaults>
</compile_context>

<pallas_src>
import functools
import math

import jax
import jax.numpy as jnp
from jax import lax
from jax.experimental import pallas as pl
from jax.experimental.pallas import tpu as pltpu
from jax.experimental.pallas import tpu_sc as plsc

_NUM_ROWS = 1024
_RPB = 16
_NUM_BLOCKS = 64
_D = 4096
_SCALE = math.sqrt(_NUM_ROWS / _RPB)
_LANES = 16

_NW = 32
_ROWS_PER_W = _NUM_ROWS // _NW
_CHUNK_ROWS = 2
_NCHUNKS = _ROWS_PER_W // _CHUNK_ROWS
_CPB = _RPB // _CHUNK_ROWS
_NBUF = 12
_UNROLL = 8


def _make_sc_kernel():
    mesh = plsc.VectorSubcoreMesh(core_axis_name="c", subcore_axis_name="s")

    @functools.partial(
        pl.kernel,
        mesh=mesh,
        out_type=jax.ShapeDtypeStruct((_NUM_BLOCKS, _RPB, _D), jnp.float32),
        scratch_types=(
            [pltpu.VMEM((_CHUNK_ROWS, _D), jnp.float32)] * _NBUF
            + [pltpu.SemaphoreType.DMA] * (2 * _NBUF)
        ),
    )
    def sc_kernel(in_hbm, out_hbm, *scratch):
        bufs = scratch[:_NBUF]
        in_sems = scratch[_NBUF:2 * _NBUF]
        out_sems = scratch[2 * _NBUF:]
        wid = lax.axis_index("s") * 2 + lax.axis_index("c")
        row0 = wid * _ROWS_PER_W
        even_scale = jnp.where((wid % 4) == 0, 0.0, _SCALE).astype(jnp.float32)

        def start_in(g):
            src = in_hbm.at[pl.ds(row0 + g * _CHUNK_ROWS, _CHUNK_ROWS), :]
            return pltpu.async_copy(src, bufs[g % _NBUF], in_sems[g % _NBUF])

        def start_out(g):
            block = wid * 2 + (g // _CPB)
            dst = out_hbm.at[block, pl.ds((g % _CPB) * _CHUNK_ROWS, _CHUNK_ROWS), :]
            return pltpu.async_copy(bufs[g % _NBUF], dst, out_sems[g % _NBUF])

        in_handles = {g: start_in(g) for g in range(_NBUF)}
        out_handles = {}
        waited_out = set()
        for g in range(_NCHUNKS):
            nxt = g + _NBUF - 1
            if nxt >= _NBUF and nxt < _NCHUNKS:
                out_handles[nxt - _NBUF].wait()
                waited_out.add(nxt - _NBUF)
                in_handles[nxt] = start_in(nxt)
            in_handles[g].wait()
            buf = bufs[g % _NBUF]
            scale = even_scale if g < _CPB else jnp.float32(_SCALE)

            @plsc.parallel_loop(0, _D, step=_LANES, unroll=_UNROLL)
            def scale_body(i, buf=buf, scale=scale):
                for r in range(_CHUNK_ROWS):
                    sl = pl.ds(i, _LANES)
                    buf[r, sl] = buf[r, sl] * scale

            out_handles[g] = start_out(g)
        for g in range(_NCHUNKS):
            if g not in waited_out:
                out_handles[g].wait()

    return sc_kernel


_sc_kernel = _make_sc_kernel()


@jax.jit
def kernel(inputs):
    return _sc_kernel(inputs)

# --- scband reference (transcript-rebuilt; emitter-appended) ---
"""Pipeline reference for scband-dynamic-81819126989473 (READ-ONLY COPY).

The authoritative reference and input builder live on the scoring server;
editing this copy changes nothing except your own understanding.
"""

import math
import jax, jax.numpy as jnp
import numpy as np

MAXIMUM_RANK = 1024
NUM_RANK_PER_BLOCK = 16
MAXIMUM_BLOCK = MAXIMUM_RANK // NUM_RANK_PER_BLOCK  # 64
NO_LORA = -100
# The torch module requires LORA_BLOCK_MAPPING to be populated externally before forward.
# We use a deterministic mapping: every 8th layer has no LoRA block, others map to their block id.
LORA_BLOCK_MAPPING = [NO_LORA if (i % 8 == 0) else i for i in range(MAXIMUM_BLOCK)]
SCALE = math.sqrt(MAXIMUM_RANK / NUM_RANK_PER_BLOCK)


def setup_inputs(seed: int = 0) -> dict:
    key = jax.random.key(seed)
    inputs = jax.random.normal(key, (MAXIMUM_RANK, 4096), dtype=jnp.float32)
    return {"inputs": inputs}


def reference(inputs):
    # Faithful translation: for each block_id in LORA_BLOCK_MAPPING, either take
    # rows [start:end] of inputs or a zero block, stack, and scale.
    bids = jnp.array(LORA_BLOCK_MAPPING, dtype=jnp.int32)  # [B]
    valid = (bids != NO_LORA)  # [B]
    starts = bids * NUM_RANK_PER_BLOCK  # [B]
    row_idx = starts[:, None] + jnp.arange(NUM_RANK_PER_BLOCK, dtype=jnp.int32)[None, :]  # [B, R]
    safe_idx = jnp.clip(row_idx, 0, MAXIMUM_RANK - 1)
    gathered = jnp.take(inputs, safe_idx.reshape(-1), axis=0)
    gathered = gathered.reshape(len(LORA_BLOCK_MAPPING), NUM_RANK_PER_BLOCK, inputs.shape[1])
    zeroed = jnp.where(valid[:, None, None], gathered, jnp.zeros_like(gathered))
    return zeroed * SCALE

if __name__ == "__main__":
    import jax
    _d = setup_inputs()
    print(jax.jit(kernel)(*tuple(_d.values())))

</pallas_src>

<mosaic_0001>
#map = affine_map<(d0, d1) -> (0, 0)>
#map1 = affine_map<(d0, d1) -> (0, 0, 0)>
module attributes {stable_mosaic.version = 14 : i64} {
  func.func @sc_kernel(%arg0: i32, %arg1: i32, %arg2: memref<1024x4096xf32, #tpu.memory_space<hbm>>, %arg3: memref<64x16x4096xf32, #tpu.memory_space<hbm>>, %arg4: memref<2x4096xf32, #tpu.memory_space<vmem>>, %arg5: memref<2x4096xf32, #tpu.memory_space<vmem>>, %arg6: memref<2x4096xf32, #tpu.memory_space<vmem>>, %arg7: memref<2x4096xf32, #tpu.memory_space<vmem>>, %arg8: memref<2x4096xf32, #tpu.memory_space<vmem>>, %arg9: memref<2x4096xf32, #tpu.memory_space<vmem>>, %arg10: memref<2x4096xf32, #tpu.memory_space<vmem>>, %arg11: memref<2x4096xf32, #tpu.memory_space<vmem>>, %arg12: memref<2x4096xf32, #tpu.memory_space<vmem>>, %arg13: memref<2x4096xf32, #tpu.memory_space<vmem>>, %arg14: memref<2x4096xf32, #tpu.memory_space<vmem>>, %arg15: memref<2x4096xf32, #tpu.memory_space<vmem>>, %arg16: memref<!tpu.dma_semaphore, #tpu.memory_space<semaphore_mem>>, %arg17: memref<!tpu.dma_semaphore, #tpu.memory_space<semaphore_mem>>, %arg18: memref<!tpu.dma_semaphore, #tpu.memory_space<semaphore_mem>>, %arg19: memref<!tpu.dma_semaphore, #tpu.memory_space<semaphore_mem>>, %arg20: memref<!tpu.dma_semaphore, #tpu.memory_space<semaphore_mem>>, %arg21: memref<!tpu.dma_semaphore, #tpu.memory_space<semaphore_mem>>, %arg22: memref<!tpu.dma_semaphore, #tpu.memory_space<semaphore_mem>>, %arg23: memref<!tpu.dma_semaphore, #tpu.memory_space<semaphore_mem>>, %arg24: memref<!tpu.dma_semaphore, #tpu.memory_space<semaphore_mem>>, %arg25: memref<!tpu.dma_semaphore, #tpu.memory_space<semaphore_mem>>, %arg26: memref<!tpu.dma_semaphore, #tpu.memory_space<semaphore_mem>>, %arg27: memref<!tpu.dma_semaphore, #tpu.memory_space<semaphore_mem>>, %arg28: memref<!tpu.dma_semaphore, #tpu.memory_space<semaphore_mem>>, %arg29: memref<!tpu.dma_semaphore, #tpu.memory_space<semaphore_mem>>, %arg30: memref<!tpu.dma_semaphore, #tpu.memory_space<semaphore_mem>>, %arg31: memref<!tpu.dma_semaphore, #tpu.memory_space<semaphore_mem>>, %arg32: memref<!tpu.dma_semaphore, #tpu.memory_space<semaphore_mem>>, %arg33: memref<!tpu.dma_semaphore, #tpu.memory_space<semaphore_mem>>, %arg34: memref<!tpu.dma_semaphore, #tpu.memory_space<semaphore_mem>>, %arg35: memref<!tpu.dma_semaphore, #tpu.memory_space<semaphore_mem>>, %arg36: memref<!tpu.dma_semaphore, #tpu.memory_space<semaphore_mem>>, %arg37: memref<!tpu.dma_semaphore, #tpu.memory_space<semaphore_mem>>, %arg38: memref<!tpu.dma_semaphore, #tpu.memory_space<semaphore_mem>>, %arg39: memref<!tpu.dma_semaphore, #tpu.memory_space<semaphore_mem>>) attributes {dimension_semantics = [#tpu.dimension_semantics<core_parallel>, #tpu.dimension_semantics<subcore_parallel>], iteration_bounds = array<i64: 2, 16>, scalar_prefetch = 0 : i64, scratch_operands = 36 : i64, tpu.core_type = #tpu.core_type<sc_vector_subcore>, window_params = [{transform_indices = #map}, {transform_indices = #map1}]} {
    %mul3A = arith.constant 2 : i32
    %mul3A_0 = arith.muli %arg1, %mul3A : i32
    %add3A = arith.addi %mul3A_0, %arg0 : i32
    %mul3A_1 = arith.constant 32 : i32
    %mul3A_2 = arith.muli %add3A, %mul3A_1 : i32
    %jit3A = arith.constant 4 : i32
    %eq3A = arith.constant 0 : i32
    %eq3A_3 = arith.cmpi eq, %jit3A, %eq3A : i32
    %jit3A_4 = arith.constant 1 : i32
    %select_n3A = arith.select %eq3A_3, %jit3A_4, %jit3A : i32
    %rem3A = arith.remsi %add3A, %select_n3A : i32
    %ne3A = arith.constant 0 : i32
    %ne3A_5 = arith.cmpi ne, %rem3A, %ne3A : i32
    %lt3A = arith.constant 0 : i32
    %lt3A_6 = arith.cmpi slt, %rem3A, %lt3A : i32
    %lt3A_7 = arith.constant 0 : i32
    %lt3A_8 = arith.cmpi slt, %select_n3A, %lt3A_7 : i32
    %ne3A_9 = arith.xori %lt3A_6, %lt3A_8 : i1
    %and3A = arith.andi %ne3A_9, %ne3A_5 : i1
    %add3A_10 = arith.addi %rem3A, %select_n3A : i32
    %select_n3A_11 = arith.select %and3A, %add3A_10, %rem3A : i32
    %eq3A_12 = arith.constant 0 : i32
    %eq3A_13 = arith.cmpi eq, %select_n3A_11, %eq3A_12 : i32
    %jit3A_14 = arith.constant 0.000000e+00 : f32
    %jit3A_15 = arith.constant 8.000000e+00 : f32
    %select_n3A_16 = arith.select %eq3A_13, %jit3A_14, %jit3A_15 : f32
    %add3A_17 = arith.constant 0 : i32
    %add3A_18 = arith.addi %mul3A_2, %add3A_17 : i32
    %dma_start3A = arith.constant 0 : i32
    %dma_start3A_19 = tpu.memref_slice %arg2[%add3A_18, %dma_start3A] : memref<1024x4096xf32, #tpu.memory_space<hbm>> -> memref<2x4096xf32, #tpu.memory_space<hbm>>
    %dma_start3A_20 = arith.constant 0 : i32
    %dma_start3A_21 = tpu.memref_slice %arg2[%add3A_18, %dma_start3A_20] : memref<1024x4096xf32, #tpu.memory_space<hbm>> -> memref<2x4096xf32, #tpu.memory_space<hbm>>
    tpu.enqueue_dma source(%dma_start3A_21 : memref<2x4096xf32, #tpu.memory_space<hbm>>) target(%arg4 : memref<2x4096xf32, #tpu.memory_space<vmem>>) target_semaphore(%arg16 : memref<!tpu.dma_semaphore, #tpu.memory_space<semaphore_mem>>)
    %add3A_22 = arith.constant 2 : i32
    %add3A_23 = arith.addi %mul3A_2, %add3A_22 : i32
    %dma_start3A_24 = arith.constant 0 : i32
    %dma_start3A_25 = tpu.memref_slice %arg2[%add3A_23, %dma_start3A_24] : memref<1024x4096xf32, #tpu.memory_space<hbm>> -> memref<2x4096xf32, #tpu.memory_space<hbm>>
    %dma_start3A_26 = arith.constant 0 : i32
    %dma_start3A_27 = tpu.memref_slice %arg2[%add3A_23, %dma_start3A_26] : memref<1024x4096xf32, #tpu.memory_space<hbm>> -> memref<2x4096xf32, #tpu.memory_space<hbm>>
    tpu.enqueue_dma source(%dma_start3A_27 : memref<2x4096xf32, #tpu.memory_space<hbm>>) target(%arg5 : memref<2x4096xf32, #tpu.memory_space<vmem>>) target_semaphore(%arg17 : memref<!tpu.dma_semaphore, #tpu.memory_space<semaphore_mem>>)
    %add3A_28 = arith.constant 4 : i32
    %add3A_29 = arith.addi %mul3A_2, %add3A_28 : i32
    %dma_start3A_30 = arith.constant 0 : i32
    %dma_start3A_31 = tpu.memref_slice %arg2[%add3A_29, %dma_start3A_30] : memref<1024x4096xf32, #tpu.memory_space<hbm>> -> memref<2x4096xf32, #tpu.memory_space<hbm>>
    %dma_start3A_32 = arith.constant 0 : i32
    %dma_start3A_33 = tpu.memref_slice %arg2[%add3A_29, %dma_start3A_32] : memref<1024x4096xf32, #tpu.memory_space<hbm>> -> memref<2x4096xf32, #tpu.memory_space<hbm>>
    tpu.enqueue_dma source(%dma_start3A_33 : memref<2x4096xf32, #tpu.memory_space<hbm>>) target(%arg6 : memref<2x4096xf32, #tpu.memory_space<vmem>>) target_semaphore(%arg18 : memref<!tpu.dma_semaphore, #tpu.memory_space<semaphore_mem>>)
    %add3A_34 = arith.constant 6 : i32
    %add3A_35 = arith.addi %mul3A_2, %add3A_34 : i32
    %dma_start3A_36 = arith.constant 0 : i32
    %dma_start3A_37 = tpu.memref_slice %arg2[%add3A_35, %dma_start3A_36] : memref<1024x4096xf32, #tpu.memory_space<hbm>> -> memref<2x4096xf32, #tpu.memory_space<hbm>>
    %dma_start3A_38 = arith.constant 0 : i32
    %dma_start3A_39 = tpu.memref_slice %arg2[%add3A_35, %dma_start3A_38] : memref<1024x4096xf32, #tpu.memory_space<hbm>> -> memref<2x4096xf32, #tpu.memory_space<hbm>>
    tpu.enqueue_dma source(%dma_start3A_39 : memref<2x4096xf32, #tpu.memory_space<hbm>>) target(%arg7 : memref<2x4096xf32, #tpu.memory_space<vmem>>) target_semaphore(%arg19 : memref<!tpu.dma_semaphore, #tpu.memory_space<semaphore_mem>>)
    %add3A_40 = arith.constant 8 : i32
    %add3A_41 = arith.addi %mul3A_2, %add3A_40 : i32
    %dma_start3A_42 = arith.constant 0 : i32
    %dma_start3A_43 = tpu.memref_slice %arg2[%add3A_41, %dma_start3A_42] : memref<1024x4096xf32, #tpu.memory_space<hbm>> -> memref<2x4096xf32, #tpu.memory_space<hbm>>
    %dma_start3A_44 = arith.constant 0 : i32
    %dma_start3A_45 = tpu.memref_slice %arg2[%add3A_41, %dma_start3A_44] : memref<1024x4096xf32, #tpu.memory_space<hbm>> -> memref<2x4096xf32, #tpu.memory_space<hbm>>
    tpu.enqueue_dma source(%dma_start3A_45 : memref<2x4096xf32, #tpu.memory_space<hbm>>) target(%arg8 : memref<2x4096xf32, #tpu.memory_space<vmem>>) target_semaphore(%arg20 : memref<!tpu.dma_semaphore, #tpu.memory_space<semaphore_mem>>)
    %add3A_46 = arith.constant 10 : i32
    %add3A_47 = arith.addi %mul3A_2, %add3A_46 : i32
    %dma_start3A_48 = arith.constant 0 : i32
    %dma_start3A_49 = tpu.memref_slice %arg2[%add3A_47, %dma_start3A_48] : memref<1024x4096xf32, #tpu.memory_space<hbm>> -> memref<2x4096xf32, #tpu.memory_space<hbm>>
    %dma_start3A_50 = arith.constant 0 : i32
    %dma_start3A_51 = tpu.memref_slice %arg2[%add3A_47, %dma_start3A_50] : memref<1024x4096xf32, #tpu.memory_space<hbm>> -> memref<2x4096xf32, #tpu.memory_space<hbm>>
    tpu.enqueue_dma source(%dma_start3A_51 : memref<2x4096xf32, #tpu.memory_space<hbm>>) target(%arg9 : memref<2x4096xf32, #tpu.memory_space<vmem>>) target_semaphore(%arg21 : memref<!tpu.dma_semaphore, #tpu.memory_space<semaphore_mem>>)
    %add3A_52 = arith.constant 12 : i32
    %add3A_53 = arith.addi %mul3A_2, %add3A_52 : i32
    %dma_start3A_54 = arith.constant 0 : i32
    %dma_start3A_55 = tpu.memref_slice %arg2[%add3A_53, %dma_start3A_54] : memref<1024x4096xf32, #tpu.memory_space<hbm>> -> memref<2x4096xf32, #tpu.memory_space<hbm>>
    %dma_start3A_56 = arith.constant 0 : i32
    %dma_start3A_57 = tpu.memref_slice %arg2[%add3A_53, %dma_start3A_56] : memref<1024x4096xf32, #tpu.memory_space<hbm>> -> memref<2x4096xf32, #tpu.memory_space<hbm>>
    tpu.enqueue_dma source(%dma_start3A_57 : memref<2x4096xf32, #tpu.memory_space<hbm>>) target(%arg10 : memref<2x4096xf32, #tpu.memory_space<vmem>>) target_semaphore(%arg22 : memref<!tpu.dma_semaphore, #tpu.memory_space<semaphore_mem>>)
    %add3A_58 = arith.constant 14 : i32
    %add3A_59 = arith.addi %mul3A_2, %add3A_58 : i32
    %dma_start3A_60 = arith.constant 0 : i32
    %dma_start3A_61 = tpu.memref_slice %arg2[%add3A_59, %dma_start3A_60] : memref<1024x4096xf32, #tpu.memory_space<hbm>> -> memref<2x4096xf32, #tpu.memory_space<hbm>>
    %dma_start3A_62 = arith.constant 0 : i32
    %dma_start3A_63 = tpu.memref_slice %arg2[%add3A_59, %dma_start3A_62] : memref<1024x4096xf32, #tpu.memory_space<hbm>> -> memref<2x4096xf32, #tpu.memory_space<hbm>>
    tpu.enqueue_dma source(%dma_start3A_63 : memref<2x4096xf32, #tpu.memory_space<hbm>>) target(%arg11 : memref<2x4096xf32, #tpu.memory_space<vmem>>) target_semaphore(%arg23 : memref<!tpu.dma_semaphore, #tpu.memory_space<semaphore_mem>>)
    %add3A_64 = arith.constant 16 : i32
    %add3A_65 = arith.addi %mul3A_2, %add3A_64 : i32
    %dma_start3A_66 = arith.constant 0 : i32
    %dma_start3A_67 = tpu.memref_slice %arg2[%add3A_65, %dma_start3A_66] : memref<1024x4096xf32, #tpu.memory_space<hbm>> -> memref<2x4096xf32, #tpu.memory_space<hbm>>
    %dma_start3A_68 = arith.constant 0 : i32
    %dma_start3A_69 = tpu.memref_slice %arg2[%add3A_65, %dma_start3A_68] : memref<1024x4096xf32, #tpu.memory_space<hbm>> -> memref<2x4096xf32, #tpu.memory_space<hbm>>
    tpu.enqueue_dma source(%dma_start3A_69 : memref<2x4096xf32, #tpu.memory_space<hbm>>) target(%arg12 : memref<2x4096xf32, #tpu.memory_space<vmem>>) target_semaphore(%arg24 : memref<!tpu.dma_semaphore, #tpu.memory_space<semaphore_mem>>)
    %add3A_70 = arith.constant 18 : i32
    %add3A_71 = arith.addi %mul3A_2, %add3A_70 : i32
    %dma_start3A_72 = arith.constant 0 : i32
    %dma_start3A_73 = tpu.memref_slice %arg2[%add3A_71, %dma_start3A_72] : memref<1024x4096xf32, #tpu.memory_space<hbm>> -> memref<2x4096xf32, #tpu.memory_space<hbm>>
    %dma_start3A_74 = arith.constant 0 : i32
    %dma_start3A_75 = tpu.memref_slice %arg2[%add3A_71, %dma_start3A_74] : memref<1024x4096xf32, #tpu.memory_space<hbm>> -> memref<2x4096xf32, #tpu.memory_space<hbm>>
    tpu.enqueue_dma source(%dma_start3A_75 : memref<2x4096xf32, #tpu.memory_space<hbm>>) target(%arg13 : memref<2x4096xf32, #tpu.memory_space<vmem>>) target_semaphore(%arg25 : memref<!tpu.dma_semaphore, #tpu.memory_space<semaphore_mem>>)
    %add3A_76 = arith.constant 20 : i32
    %add3A_77 = arith.addi %mul3A_2, %add3A_76 : i32
    %dma_start3A_78 = arith.constant 0 : i32
    %dma_start3A_79 = tpu.memref_slice %arg2[%add3A_77, %dma_start3A_78] : memref<1024x4096xf32, #tpu.memory_space<hbm>> -> memref<2x4096xf32, #tpu.memory_space<hbm>>
    %dma_start3A_80 = arith.constant 0 : i32
    %dma_start3A_81 = tpu.memref_slice %arg2[%add3A_77, %dma_start3A_80] : memref<1024x4096xf32, #tpu.memory_space<hbm>> -> memref<2x4096xf32, #tpu.memory_space<hbm>>
    tpu.enqueue_dma source(%dma_start3A_81 : memref<2x4096xf32, #tpu.memory_space<hbm>>) target(%arg14 : memref<2x4096xf32, #tpu.memory_space<vmem>>) target_semaphore(%arg26 : memref<!tpu.dma_semaphore, #tpu.memory_space<semaphore_mem>>)
    %add3A_82 = arith.constant 22 : i32
    %add3A_83 = arith.addi %mul3A_2, %add3A_82 : i32
    %dma_start3A_84 = arith.constant 0 : i32
    %dma_start3A_85 = tpu.memref_slice %arg2[%add3A_83, %dma_start3A_84] : memref<1024x4096xf32, #tpu.memory_space<hbm>> -> memref<2x4096xf32, #tpu.memory_space<hbm>>
    %dma_start3A_86 = arith.constant 0 : i32
    %dma_start3A_87 = tpu.memref_slice %arg2[%add3A_83, %dma_start3A_86] : memref<1024x4096xf32, #tpu.memory_space<hbm>> -> memref<2x4096xf32, #tpu.memory_space<hbm>>
    tpu.enqueue_dma source(%dma_start3A_87 : memref<2x4096xf32, #tpu.memory_space<hbm>>) target(%arg15 : memref<2x4096xf32, #tpu.memory_space<vmem>>) target_semaphore(%arg27 : memref<!tpu.dma_semaphore, #tpu.memory_space<semaphore_mem>>)
    %dma_wait3A = arith.constant 0 : i32
    %dma_wait3A_88 = tpu.memref_slice %arg2[%add3A_18, %dma_wait3A] : memref<1024x4096xf32, #tpu.memory_space<hbm>> -> memref<2x4096xf32, #tpu.memory_space<hbm>>
    %dma_wait3A_89 = arith.constant 0 : i32
    %dma_wait3A_90 = tpu.memref_slice %arg2[%add3A_18, %dma_wait3A_89] : memref<1024x4096xf32, #tpu.memory_space<hbm>> -> memref<2x4096xf32, #tpu.memory_space<hbm>>
    tpu.wait_dma2 semaphore(%arg16 : memref<!tpu.dma_semaphore, #tpu.memory_space<semaphore_mem>>) src(%dma_wait3A_90 : memref<2x4096xf32, #tpu.memory_space<hbm>>) dst(%arg4 : memref<2x4096xf32, #tpu.memory_space<vmem>>)
    %parallel_loop3A = arith.constant 0 : i32
    %parallel_loop3A_91 = arith.constant 4096 : i32
    %parallel_loop3A_92 = arith.constant 16 : i32
    scf.for %parallel_loop3A_550 = %parallel_loop3A to %parallel_loop3A_91 step %parallel_loop3A_92  : i32 {
      %parallel_loop3A_551 = arith.constant 0 : i32
      %parallel_loop3A_552 = arith.index_cast %parallel_loop3A_551 : i32 to index
      %parallel_loop3A_553 = arith.index_cast %parallel_loop3A_550 : i32 to index
      %parallel_loop3A_554 = tpu.vector_load %arg4[%parallel_loop3A_552, %parallel_loop3A_553] {strides = array<i32>} : memref<2x4096xf32, #tpu.memory_space<vmem>>, vector<1x16xf32>,
      %parallel_loop3A_555 = vector.shape_cast %parallel_loop3A_554 : vector<1x16xf32> to vector<16xf32>
      %parallel_loop3A_556 = vector.broadcast %select_n3A_16 : f32 to vector<16xf32>
      %parallel_loop3A_557 = arith.mulf %parallel_loop3A_555, %parallel_loop3A_556 : vector<16xf32>
      %parallel_loop3A_558 = arith.constant 0 : i32
      %parallel_loop3A_559 = arith.index_cast %parallel_loop3A_558 : i32 to index
      %parallel_loop3A_560 = arith.index_cast %parallel_loop3A_550 : i32 to index
      %parallel_loop3A_561 = tpu.vector_load %arg4[%parallel_loop3A_559, %parallel_loop3A_560] {strides = array<i32>} : memref<2x4096xf32, #tpu.memory_space<vmem>>, vector<1x16xf32>,
      %parallel_loop3A_562 = vector.shape_cast %parallel_loop3A_561 : vector<1x16xf32> to vector<16xf32>
      %parallel_loop3A_563 = vector.shape_cast %parallel_loop3A_557 : vector<16xf32> to vector<1x16xf32>
      tpu.vector_store %arg4[%parallel_loop3A_559, %parallel_loop3A_560], %parallel_loop3A_563 {strides = array<i32>} : memref<2x4096xf32, #tpu.memory_space<vmem>>, vector<1x16xf32>,
      %parallel_loop3A_564 = arith.constant 1 : i32
      %parallel_loop3A_565 = arith.index_cast %parallel_loop3A_564 : i32 to index
      %parallel_loop3A_566 = arith.index_cast %parallel_loop3A_550 : i32 to index
      %parallel_loop3A_567 = tpu.vector_load %arg4[%parallel_loop3A_565, %parallel_loop3A_566] {strides = array<i32>} : memref<2x4096xf32, #tpu.memory_space<vmem>>, vector<1x16xf32>,
      %parallel_loop3A_568 = vector.shape_cast %parallel_loop3A_567 : vector<1x16xf32> to vector<16xf32>
      %parallel_loop3A_569 = vector.broadcast %select_n3A_16 : f32 to vector<16xf32>
      %parallel_loop3A_570 = arith.mulf %parallel_loop3A_568, %parallel_loop3A_569 : vector<16xf32>
      %parallel_loop3A_571 = arith.constant 1 : i32
      %parallel_loop3A_572 = arith.index_cast %parallel_loop3A_571 : i32 to index
      %parallel_loop3A_573 = arith.index_cast %parallel_loop3A_550 : i32 to index
      %parallel_loop3A_574 = tpu.vector_load %arg4[%parallel_loop3A_572, %parallel_loop3A_573] {strides = array<i32>} : memref<2x4096xf32, #tpu.memory_space<vmem>>, vector<1x16xf32>,
      %parallel_loop3A_575 = vector.shape_cast %parallel_loop3A_574 : vector<1x16xf32> to vector<16xf32>
      %parallel_loop3A_576 = vector.shape_cast %parallel_loop3A_570 : vector<16xf32> to vector<1x16xf32>
      tpu.vector_store %arg4[%parallel_loop3A_572, %parallel_loop3A_573], %parallel_loop3A_576 {strides = array<i32>} : memref<2x4096xf32, #tpu.memory_space<vmem>>, vector<1x16xf32>,
    } {sc.loop_unroll_factor = 8 : i64, sc.parallel_access}
    %mul3A_93 = arith.constant 2 : i32
    %mul3A_94 = arith.muli %add3A, %mul3A_93 : i32
    %add3A_95 = arith.constant 0 : i32
    %add3A_96 = arith.addi %mul3A_94, %add3A_95 : i32
    %dma_start3A_97 = arith.constant 0 : i32
    %dma_start3A_98 = arith.constant 0 : i32
    %dma_start3A_99 = tpu.memref_slice %arg3[%add3A_96, %dma_start3A_97, %dma_start3A_98] : memref<64x16x4096xf32, #tpu.memory_space<hbm>> -> memref<1x2x4096xf32, #tpu.memory_space<hbm>>
    %dma_start3A_100 = tpu.memref_squeeze %dma_start3A_99 : memref<1x2x4096xf32, #tpu.memory_space<hbm>> -> memref<2x4096xf32, #tpu.memory_space<hbm>>
    %dma_start3A_101 = arith.constant 0 : i32
    %dma_start3A_102 = arith.constant 0 : i32
    %dma_start3A_103 = tpu.memref_slice %arg3[%add3A_96, %dma_start3A_101, %dma_start3A_102] : memref<64x16x4096xf32, #tpu.memory_space<hbm>> -> memref<1x2x4096xf32, #tpu.memory_space<hbm>>
    %dma_start3A_104 = tpu.memref_squeeze %dma_start3A_103 : memref<1x2x4096xf32, #tpu.memory_space<hbm>> -> memref<2x4096xf32, #tpu.memory_space<hbm>>
    tpu.enqueue_dma source(%arg4 : memref<2x4096xf32, #tpu.memory_space<vmem>>) target(%dma_start3A_104 : memref<2x4096xf32, #tpu.memory_space<hbm>>) target_semaphore(%arg28 : memref<!tpu.dma_semaphore, #tpu.memory_space<semaphore_mem>>)
    %dma_wait3A_105 = arith.constant 0 : i32
    %dma_wait3A_106 = arith.constant 0 : i32
    %dma_wait3A_107 = tpu.memref_slice %arg3[%add3A_96, %dma_wait3A_105, %dma_wait3A_106] : memref<64x16x4096xf32, #tpu.memory_space<hbm>> -> memref<1x2x4096xf32, #tpu.memory_space<hbm>>
    %dma_wait3A_108 = tpu.memref_squeeze %dma_wait3A_107 : memref<1x2x4096xf32, #tpu.memory_space<hbm>> -> memref<2x4096xf32, #tpu.memory_space<hbm>>
    %dma_wait3A_109 = arith.constant 0 : i32
    %dma_wait3A_110 = arith.constant 0 : i32
    %dma_wait3A_111 = tpu.memref_slice %arg3[%add3A_96, %dma_wait3A_109, %dma_wait3A_110] : memref<64x16x4096xf32, #tpu.memory_space<hbm>> -> memref<1x2x4096xf32, #tpu.memory_space<hbm>>
    %dma_wait3A_112 = tpu.memref_squeeze %dma_wait3A_111 : memref<1x2x4096xf32, #tpu.memory_space<hbm>> -> memref<2x4096xf32, #tpu.memory_space<hbm>>
    tpu.wait_dma2 semaphore(%arg28 : memref<!tpu.dma_semaphore, #tpu.memory_space<semaphore_mem>>) src(%arg4 : memref<2x4096xf32, #tpu.memory_space<vmem>>) dst(%dma_wait3A_112 : memref<2x4096xf32, #tpu.memory_space<hbm>>)
    %add3A_113 = arith.constant 24 : i32
    %add3A_114 = arith.addi %mul3A_2, %add3A_113 : i32
    %dma_start3A_115 = arith.constant 0 : i32
    %dma_start3A_116 = tpu.memref_slice %arg2[%add3A_114, %dma_start3A_115] : memref<1024x4096xf32, #tpu.memory_space<hbm>> -> memref<2x4096xf32, #tpu.memory_space<hbm>>
    %dma_start3A_117 = arith.constant 0 : i32
    %dma_start3A_118 = tpu.memref_slice %arg2[%add3A_114, %dma_start3A_117] : memref<1024x4096xf32, #tpu.memory_space<hbm>> -> memref<2x4096xf32, #tpu.memory_space<hbm>>
    tpu.enqueue_dma source(%dma_start3A_118 : memref<2x4096xf32, #tpu.memory_space<hbm>>) target(%arg4 : memref<2x4096xf32, #tpu.memory_space<vmem>>) target_semaphore(%arg16 : memref<!tpu.dma_semaphore, #tpu.memory_space<semaphore_mem>>)
    %dma_wait3A_119 = arith.constant 0 : i32
    %dma_wait3A_120 = tpu.memref_slice %arg2[%add3A_23, %dma_wait3A_119] : memref<1024x4096xf32, #tpu.memory_space<hbm>> -> memref<2x4096xf32, #tpu.memory_space<hbm>>
    %dma_wait3A_121 = arith.constant 0 : i32
    %dma_wait3A_122 = tpu.memref_slice %arg2[%add3A_23, %dma_wait3A_121] : memref<1024x4096xf32, #tpu.memory_space<hbm>> -> memref<2x4096xf32, #tpu.memory_space<hbm>>
    tpu.wait_dma2 semaphore(%arg17 : memref<!tpu.dma_semaphore, #tpu.memory_space<semaphore_mem>>) src(%dma_wait3A_122 : memref<2x4096xf32, #tpu.memory_space<hbm>>) dst(%arg5 : memref<2x4096xf32, #tpu.memory_space<vmem>>)
    %parallel_loop3A_123 = arith.constant 0 : i32
    %parallel_loop3A_124 = arith.constant 4096 : i32
    %parallel_loop3A_125 = arith.constant 16 : i32
    scf.for %parallel_loop3A_550 = %parallel_loop3A_123 to %parallel_loop3A_124 step %parallel_loop3A_125  : i32 {
      %parallel_loop3A_551 = arith.constant 0 : i32
      %parallel_loop3A_552 = arith.index_cast %parallel_loop3A_551 : i32 to index
      %parallel_loop3A_553 = arith.index_cast %parallel_loop3A_550 : i32 to index
      %parallel_loop3A_554 = tpu.vector_load %arg5[%parallel_loop3A_552, %parallel_loop3A_553] {strides = array<i32>} : memref<2x4096xf32, #tpu.memory_space<vmem>>, vector<1x16xf32>,
      %parallel_loop3A_555 = vector.shape_cast %parallel_loop3A_554 : vector<1x16xf32> to vector<16xf32>
      %parallel_loop3A_556 = vector.broadcast %select_n3A_16 : f32 to vector<16xf32>
      %parallel_loop3A_557 = arith.mulf %parallel_loop3A_555, %parallel_loop3A_556 : vector<16xf32>
      %parallel_loop3A_558 = arith.constant 0 : i32
      %parallel_loop3A_559 = arith.index_cast %parallel_loop3A_558 : i32 to index
      %parallel_loop3A_560 = arith.index_cast %parallel_loop3A_550 : i32 to index
      %parallel_loop3A_561 = tpu.vector_load %arg5[%parallel_loop3A_559, %parallel_loop3A_560] {strides = array<i32>} : memref<2x4096xf32, #tpu.memory_space<vmem>>, vector<1x16xf32>,
      %parallel_loop3A_562 = vector.shape_cast %parallel_loop3A_561 : vector<1x16xf32> to vector<16xf32>
      %parallel_loop3A_563 = vector.shape_cast %parallel_loop3A_557 : vector<16xf32> to vector<1x16xf32>
      tpu.vector_store %arg5[%parallel_loop3A_559, %parallel_loop3A_560], %parallel_loop3A_563 {strides = array<i32>} : memref<2x4096xf32, #tpu.memory_space<vmem>>, vector<1x16xf32>,
      %parallel_loop3A_564 = arith.constant 1 : i32
      %parallel_loop3A_565 = arith.index_cast %parallel_loop3A_564 : i32 to index
      %parallel_loop3A_566 = arith.index_cast %parallel_loop3A_550 : i32 to index
      %parallel_loop3A_567 = tpu.vector_load %arg5[%parallel_loop3A_565, %parallel_loop3A_566] {strides = array<i32>} : memref<2x4096xf32, #tpu.memory_space<vmem>>, vector<1x16xf32>,
      %parallel_loop3A_568 = vector.shape_cast %parallel_loop3A_567 : vector<1x16xf32> to vector<16xf32>
      %parallel_loop3A_569 = vector.broadcast %select_n3A_16 : f32 to vector<16xf32>
      %parallel_loop3A_570 = arith.mulf %parallel_loop3A_568, %parallel_loop3A_569 : vector<16xf32>
      %parallel_loop3A_571 = arith.constant 1 : i32
      %parallel_loop3A_572 = arith.index_cast %parallel_loop3A_571 : i32 to index
      %parallel_loop3A_573 = arith.index_cast %parallel_loop3A_550 : i32 to index
      %parallel_loop3A_574 = tpu.vector_load %arg5[%parallel_loop3A_572, %parallel_loop3A_573] {strides = array<i32>} : memref<2x4096xf32, #tpu.memory_space<vmem>>, vector<1x16xf32>,
      %parallel_loop3A_575 = vector.shape_cast %parallel_loop3A_574 : vector<1x16xf32> to vector<16xf32>
      %parallel_loop3A_576 = vector.shape_cast %parallel_loop3A_570 : vector<16xf32> to vector<1x16xf32>
      tpu.vector_store %arg5[%parallel_loop3A_572, %parallel_loop3A_573], %parallel_loop3A_576 {strides = array<i32>} : memref<2x4096xf32, #tpu.memory_space<vmem>>, vector<1x16xf32>,
    } {sc.loop_unroll_factor = 8 : i64, sc.parallel_access}
    %mul3A_126 = arith.constant 2 : i32
    %mul3A_127 = arith.muli %add3A, %mul3A_126 : i32
    %add3A_128 = arith.constant 0 : i32
    %add3A_129 = arith.addi %mul3A_127, %add3A_128 : i32
    %dma_start3A_130 = arith.constant 2 : i32
    %dma_start3A_131 = arith.constant 0 : i32
    %dma_start3A_132 = tpu.memref_slice %arg3[%add3A_129, %dma_start3A_130, %dma_start3A_131] : memref<64x16x4096xf32, #tpu.memory_space<hbm>> -> memref<1x2x4096xf32, #tpu.memory_space<hbm>>
    %dma_start3A_133 = tpu.memref_squeeze %dma_start3A_132 : memref<1x2x4096xf32, #tpu.memory_space<hbm>> -> memref<2x4096xf32, #tpu.memory_space<hbm>>
    %dma_start3A_134 = arith.constant 2 : i32
    %dma_start3A_135 = arith.constant 0 : i32
    %dma_start3A_136 = tpu.memref_slice %arg3[%add3A_129, %dma_start3A_134, %dma_start3A_135] : memref<64x16x4096xf32, #tpu.memory_space<hbm>> -> memref<1x2x4096xf32, #tpu.memory_space<hbm>>
    %dma_start3A_137 = tpu.memref_squeeze %dma_start3A_136 : memref<1x2x4096xf32, #tpu.memory_space<hbm>> -> memref<2x4096xf32, #tpu.memory_space<hbm>>
    tpu.enqueue_dma source(%arg5 : memref<2x4096xf32, #tpu.memory_space<vmem>>) target(%dma_start3A_137 : memref<2x4096xf32, #tpu.memory_space<hbm>>) target_semaphore(%arg29 : memref<!tpu.dma_semaphore, #tpu.memory_space<semaphore_mem>>)
    %dma_wait3A_138 = arith.constant 2 : i32
    %dma_wait3A_139 = arith.constant 0 : i32
    %dma_wait3A_140 = tpu.memref_slice %arg3[%add3A_129, %dma_wait3A_138, %dma_wait3A_139] : memref<64x16x4096xf32, #tpu.memory_space<hbm>> -> memref<1x2x4096xf32, #tpu.memory_space<hbm>>
    %dma_wait3A_141 = tpu.memref_squeeze %dma_wait3A_140 : memref<1x2x4096xf32, #tpu.memory_space<hbm>> -> memref<2x4096xf32, #tpu.memory_space<hbm>>
    %dma_wait3A_142 = arith.constant 2 : i32
    %dma_wait3A_143 = arith.constant 0 : i32
    %dma_wait3A_144 = tpu.memref_slice %arg3[%add3A_129, %dma_wait3A_142, %dma_wait3A_143] : memref<64x16x4096xf32, #tpu.memory_space<hbm>> -> memref<1x2x4096xf32, #tpu.memory_space<hbm>>
    %dma_wait3A_145 = tpu.memref_squeeze %dma_wait3A_144 : memref<1x2x4096xf32, #tpu.memory_space<hbm>> -> memref<2x4096xf32, #tpu.memory_space<hbm>>
    tpu.wait_dma2 semaphore(%arg29 : memref<!tpu.dma_semaphore, #tpu.memory_space<semaphore_mem>>) src(%arg5 : memref<2x4096xf32, #tpu.memory_space<vmem>>) dst(%dma_wait3A_145 : memref<2x4096xf32, #tpu.memory_space<hbm>>)
    %add3A_146 = arith.constant 26 : i32
    %add3A_147 = arith.addi %mul3A_2, %add3A_146 : i32
    %dma_start3A_148 = arith.constant 0 : i32
    %dma_start3A_149 = tpu.memref_slice %arg2[%add3A_147, %dma_start3A_148] : memref<1024x4096xf32, #tpu.memory_space<hbm>> -> memref<2x4096xf32, #tpu.memory_space<hbm>>
    %dma_start3A_150 = arith.constant 0 : i32
    %dma_start3A_151 = tpu.memref_slice %arg2[%add3A_147, %dma_start3A_150] : memref<1024x4096xf32, #tpu.memory_space<hbm>> -> memref<2x4096xf32, #tpu.memory_space<hbm>>
    tpu.enqueue_dma source(%dma_start3A_151 : memref<2x4096xf32, #tpu.memory_space<hbm>>) target(%arg5 : memref<2x4096xf32, #tpu.memory_space<vmem>>) target_semaphore(%arg17 : memref<!tpu.dma_semaphore, #tpu.memory_space<semaphore_mem>>)
    %dma_wait3A_152 = arith.constant 0 : i32
    %dma_wait3A_153 = tpu.memref_slice %arg2[%add3A_29, %dma_wait3A_152] : memref<1024x4096xf32, #tpu.memory_space<hbm>> -> memref<2x4096xf32, #tpu.memory_space<hbm>>
    %dma_wait3A_154 = arith.constant 0 : i32
    %dma_wait3A_155 = tpu.memref_slice %arg2[%add3A_29, %dma_wait3A_154] : memref<1024x4096xf32, #tpu.memory_space<hbm>> -> memref<2x4096xf32, #tpu.memory_space<hbm>>
    tpu.wait_dma2 semaphore(%arg18 : memref<!tpu.dma_semaphore, #tpu.memory_space<semaphore_mem>>) src(%dma_wait3A_155 : memref<2x4096xf32, #tpu.memory_space<hbm>>) dst(%arg6 : memref<2x4096xf32, #tpu.memory_space<vmem>>)
    %parallel_loop3A_156 = arith.constant 0 : i32
    %parallel_loop3A_157 = arith.constant 4096 : i32
    %parallel_loop3A_158 = arith.constant 16 : i32
    scf.for %parallel_loop3A_550 = %parallel_loop3A_156 to %parallel_loop3A_157 step %parallel_loop3A_158  : i32 {
      %parallel_loop3A_551 = arith.constant 0 : i32
      %parallel_loop3A_552 = arith.index_cast %parallel_loop3A_551 : i32 to index
      %parallel_loop3A_553 = arith.index_cast %parallel_loop3A_550 : i32 to index
      %parallel_loop3A_554 = tpu.vector_load %arg6[%parallel_loop3A_552, %parallel_loop3A_553] {strides = array<i32>} : memref<2x4096xf32, #tpu.memory_space<vmem>>, vector<1x16xf32>,
      %parallel_loop3A_555 = vector.shape_cast %parallel_loop3A_554 : vector<1x16xf32> to vector<16xf32>
      %parallel_loop3A_556 = vector.broadcast %select_n3A_16 : f32 to vector<16xf32>
      %parallel_loop3A_557 = arith.mulf %parallel_loop3A_555, %parallel_loop3A_556 : vector<16xf32>
      %parallel_loop3A_558 = arith.constant 0 : i32
      %parallel_loop3A_559 = arith.index_cast %parallel_loop3A_558 : i32 to index
      %parallel_loop3A_560 = arith.index_cast %parallel_loop3A_550 : i32 to index
      %parallel_loop3A_561 = tpu.vector_load %arg6[%parallel_loop3A_559, %parallel_loop3A_560] {strides = array<i32>} : memref<2x4096xf32, #tpu.memory_space<vmem>>, vector<1x16xf32>,
      %parallel_loop3A_562 = vector.shape_cast %parallel_loop3A_561 : vector<1x16xf32> to vector<16xf32>
      %parallel_loop3A_563 = vector.shape_cast %parallel_loop3A_557 : vector<16xf32> to vector<1x16xf32>
      tpu.vector_store %arg6[%parallel_loop3A_559, %parallel_loop3A_560], %parallel_loop3A_563 {strides = array<i32>} : memref<2x4096xf32, #tpu.memory_space<vmem>>, vector<1x16xf32>,
      %parallel_loop3A_564 = arith.constant 1 : i32
      %parallel_loop3A_565 = arith.index_cast %parallel_loop3A_564 : i32 to index
      %parallel_loop3A_566 = arith.index_cast %parallel_loop3A_550 : i32 to index
      %parallel_loop3A_567 = tpu.vector_load %arg6[%parallel_loop3A_565, %parallel_loop3A_566] {strides = array<i32>} : memref<2x4096xf32, #tpu.memory_space<vmem>>, vector<1x16xf32>,
      %parallel_loop3A_568 = vector.shape_cast %parallel_loop3A_567 : vector<1x16xf32> to vector<16xf32>
      %parallel_loop3A_569 = vector.broadcast %select_n3A_16 : f32 to vector<16xf32>
      %parallel_loop3A_570 = arith.mulf %parallel_loop3A_568, %parallel_loop3A_569 : vector<16xf32>
      %parallel_loop3A_571 = arith.constant 1 : i32
      %parallel_loop3A_572 = arith.index_cast %parallel_loop3A_571 : i32 to index
      %parallel_loop3A_573 = arith.index_cast %parallel_loop3A_550 : i32 to index
      %parallel_loop3A_574 = tpu.vector_load %arg6[%parallel_loop3A_572, %parallel_loop3A_573] {strides = array<i32>} : memref<2x4096xf32, #tpu.memory_space<vmem>>, vector<1x16xf32>,
      %parallel_loop3A_575 = vector.shape_cast %parallel_loop3A_574 : vector<1x16xf32> to vector<16xf32>
      %parallel_loop3A_576 = vector.shape_cast %parallel_loop3A_570 : vector<16xf32> to vector<1x16xf32>
      tpu.vector_store %arg6[%parallel_loop3A_572, %parallel_loop3A_573], %parallel_loop3A_576 {strides = array<i32>} : memref<2x4096xf32, #tpu.memory_space<vmem>>, vector<1x16xf32>,
    } {sc.loop_unroll_factor = 8 : i64, sc.parallel_access}
    %mul3A_159 = arith.constant 2 : i32
    %mul3A_160 = arith.muli %add3A, %mul3A_159 : i32
    %add3A_161 = arith.constant 0 : i32
    %add3A_162 = arith.addi %mul3A_160, %add3A_161 : i32
    %dma_start3A_163 = arith.constant 4 : i32
    %dma_start3A_164 = arith.constant 0 : i32
    %dma_start3A_165 = tpu.memref_slice %arg3[%add3A_162, %dma_start3A_163, %dma_start3A_164] : memref<64x16x4096xf32, #tpu.memory_space<hbm>> -> memref<1x2x4096xf32, #tpu.memory_space<hbm>>
    %dma_start3A_166 = tpu.memref_squeeze %dma_start3A_165 : memref<1x2x4096xf32, #tpu.memory_space<hbm>> -> memref<2x4096xf32, #tpu.memory_space<hbm>>
    %dma_start3A_167 = arith.constant 4 : i32
    %dma_start3A_168 = arith.constant 0 : i32
    %dma_start3A_169 = tpu.memref_slice %arg3[%add3A_162, %dma_start3A_167, %dma_start3A_168] : memref<64x16x4096xf32, #tpu.memory_space<hbm>> -> memref<1x2x4096xf32, #tpu.memory_space<hbm>>
    %dma_start3A_170 = tpu.memref_squeeze %dma_start3A_169 : memref<1x2x4096xf32, #tpu.memory_space<hbm>> -> memref<2x4096xf32, #tpu.memory_space<hbm>>
    tpu.enqueue_dma source(%arg6 : memref<2x4096xf32, #tpu.memory_space<vmem>>) target(%dma_start3A_170 : memref<2x4096xf32, #tpu.memory_space<hbm>>) target_semaphore(%arg30 : memref<!tpu.dma_semaphore, #tpu.memory_space<semaphore_mem>>)
    %dma_wait3A_171 = arith.constant 4 : i32
    %dma_wait3A_172 = arith.constant 0 : i32
    %dma_wait3A_173 = tpu.memref_slice %arg3[%add3A_162, %dma_wait3A_171, %dma_wait3A_172] : memref<64x16x4096xf32, #tpu.memory_space<hbm>> -> memref<1x2x4096xf32, #tpu.memory_space<hbm>>
    %dma_wait3A_174 = tpu.memref_squeeze %dma_wait3A_173 : memref<1x2x4096xf32, #tpu.memory_space<hbm>> -> memref<2x4096xf32, #tpu.memory_space<hbm>>
    %dma_wait3A_175 = arith.constant 4 : i32
    %dma_wait3A_176 = arith.constant 0 : i32
    %dma_wait3A_177 = tpu.memref_slice %arg3[%add3A_162, %dma_wait3A_175, %dma_wait3A_176] : memref<64x16x4096xf32, #tpu.memory_space<hbm>> -> memref<1x2x4096xf32, #tpu.memory_space<hbm>>
    %dma_wait3A_178 = tpu.memref_squeeze %dma_wait3A_177 : memref<1x2x4096xf32, #tpu.memory_space<hbm>> -> memref<2x4096xf32, #tpu.memory_space<hbm>>
    tpu.wait_dma2 semaphore(%arg30 : memref<!tpu.dma_semaphore, #tpu.memory_space<semaphore_mem>>) src(%arg6 : memref<2x4096xf32, #tpu.memory_space<vmem>>) dst(%dma_wait3A_178 : memref<2x4096xf32, #tpu.memory_space<hbm>>)
    %add3A_179 = arith.constant 28 : i32
    %add3A_180 = arith.addi %mul3A_2, %add3A_179 : i32
    %dma_start3A_181 = arith.constant 0 : i32
    %dma_start3A_182 = tpu.memref_slice %arg2[%add3A_180, %dma_start3A_181] : memref<1024x4096xf32, #tpu.memory_space<hbm>> -> memref<2x4096xf32, #tpu.memory_space<hbm>>
    %dma_start3A_183 = arith.constant 0 : i32
    %dma_start3A_184 = tpu.memref_slice %arg2[%add3A_180, %dma_start3A_183] : memref<1024x4096xf32, #tpu.memory_space<hbm>> -> memref<2x4096xf32, #tpu.memory_space<hbm>>
    tpu.enqueue_dma source(%dma_start3A_184 : memref<2x4096xf32, #tpu.memory_space<hbm>>) target(%arg6 : memref<2x4096xf32, #tpu.memory_space<vmem>>) target_semaphore(%arg18 : memref<!tpu.dma_semaphore, #tpu.memory_space<semaphore_mem>>)
    %dma_wait3A_185 = arith.constant 0 : i32
    %dma_wait3A_186 = tpu.memref_slice %arg2[%add3A_35, %dma_wait3A_185] : memref<1024x4096xf32, #tpu.memory_space<hbm>> -> memref<2x4096xf32, #tpu.memory_space<hbm>>
    %dma_wait3A_187 = arith.constant 0 : i32
    %dma_wait3A_188 = tpu.memref_slice %arg2[%add3A_35, %dma_wait3A_187] : memref<1024x4096xf32, #tpu.memory_space<hbm>> -> memref<2x4096xf32, #tpu.memory_space<hbm>>
    tpu.wait_dma2 semaphore(%arg19 : memref<!tpu.dma_semaphore, #tpu.memory_space<semaphore_mem>>) src(%dma_wait3A_188 : memref<2x4096xf32, #tpu.memory_space<hbm>>) dst(%arg7 : memref<2x4096xf32, #tpu.memory_space<vmem>>)
    %parallel_loop3A_189 = arith.constant 0 : i32
    %parallel_loop3A_190 = arith.constant 4096 : i32
    %parallel_loop3A_191 = arith.constant 16 : i32
    scf.for %parallel_loop3A_550 = %parallel_loop3A_189 to %parallel_loop3A_190 step %parallel_loop3A_191  : i32 {
      %parallel_loop3A_551 = arith.constant 0 : i32
      %parallel_loop3A_552 = arith.index_cast %parallel_loop3A_551 : i32 to index
      %parallel_loop3A_553 = arith.index_cast %parallel_loop3A_550 : i32 to index
      %parallel_loop3A_554 = tpu.vector_load %arg7[%parallel_loop3A_552, %parallel_loop3A_553] {strides = array<i32>} : memref<2x4096xf32, #tpu.memory_space<vmem>>, vector<1x16xf32>,
      %parallel_loop3A_555 = vector.shape_cast %parallel_loop3A_554 : vector<1x16xf32> to vector<16xf32>
      %parallel_loop3A_556 = vector.broadcast %select_n3A_16 : f32 to vector<16xf32>
      %parallel_loop3A_557 = arith.mulf %parallel_loop3A_555, %parallel_loop3A_556 : vector<16xf32>
      %parallel_loop3A_558 = arith.constant 0 : i32
      %parallel_loop3A_559 = arith.index_cast %parallel_loop3A_558 : i32 to index
      %parallel_loop3A_560 = arith.index_cast %parallel_loop3A_550 : i32 to index
      %parallel_loop3A_561 = tpu.vector_load %arg7[%parallel_loop3A_559, %parallel_loop3A_560] {strides = array<i32>} : memref<2x4096xf32, #tpu.memory_space<vmem>>, vector<1x16xf32>,
      %parallel_loop3A_562 = vector.shape_cast %parallel_loop3A_561 : vector<1x16xf32> to vector<16xf32>
      %parallel_loop3A_563 = vector.shape_cast %parallel_loop3A_557 : vector<16xf32> to vector<1x16xf32>
      tpu.vector_store %arg7[%parallel_loop3A_559, %parallel_loop3A_560], %parallel_loop3A_563 {strides = array<i32>} : memref<2x4096xf32, #tpu.memory_space<vmem>>, vector<1x16xf32>,
      %parallel_loop3A_564 = arith.constant 1 : i32
      %parallel_loop3A_565 = arith.index_cast %parallel_loop3A_564 : i32 to index
      %parallel_loop3A_566 = arith.index_cast %parallel_loop3A_550 : i32 to index
      %parallel_loop3A_567 = tpu.vector_load %arg7[%parallel_loop3A_565, %parallel_loop3A_566] {strides = array<i32>} : memref<2x4096xf32, #tpu.memory_space<vmem>>, vector<1x16xf32>,
      %parallel_loop3A_568 = vector.shape_cast %parallel_loop3A_567 : vector<1x16xf32> to vector<16xf32>
      %parallel_loop3A_569 = vector.broadcast %select_n3A_16 : f32 to vector<16xf32>
      %parallel_loop3A_570 = arith.mulf %parallel_loop3A_568, %parallel_loop3A_569 : vector<16xf32>
      %parallel_loop3A_571 = arith.constant 1 : i32
      %parallel_loop3A_572 = arith.index_cast %parallel_loop3A_571 : i32 to index
      %parallel_loop3A_573 = arith.index_cast %parallel_loop3A_550 : i32 to index
      %parallel_loop3A_574 = tpu.vector_load %arg7[%parallel_loop3A_572, %parallel_loop3A_573] {strides = array<i32>} : memref<2x4096xf32, #tpu.memory_space<vmem>>, vector<1x16xf32>,
      %parallel_loop3A_575 = vector.shape_cast %parallel_loop3A_574 : vector<1x16xf32> to vector<16xf32>
      %parallel_loop3A_576 = vector.shape_cast %parallel_loop3A_570 : vector<16xf32> to vector<1x16xf32>
      tpu.vector_store %arg7[%parallel_loop3A_572, %parallel_loop3A_573], %parallel_loop3A_576 {strides = array<i32>} : memref<2x4096xf32, #tpu.memory_space<vmem>>, vector<1x16xf32>,
    } {sc.loop_unroll_factor = 8 : i64, sc.parallel_access}
    %mul3A_192 = arith.constant 2 : i32
    %mul3A_193 = arith.muli %add3A, %mul3A_192 : i32
    %add3A_194 = arith.constant 0 : i32
    %add3A_195 = arith.addi %mul3A_193, %add3A_194 : i32
    %dma_start3A_196 = arith.constant 6 : i32
    %dma_start3A_197 = arith.constant 0 : i32
    %dma_start3A_198 = tpu.memref_slice %arg3[%add3A_195, %dma_start3A_196, %dma_start3A_197] : memref<64x16x4096xf32, #tpu.memory_space<hbm>> -> memref<1x2x4096xf32, #tpu.memory_space<hbm>>
    %dma_start3A_199 = tpu.memref_squeeze %dma_start3A_198 : memref<1x2x4096xf32, #tpu.memory_space<hbm>> -> memref<2x4096xf32, #tpu.memory_space<hbm>>
    %dma_start3A_200 = arith.constant 6 : i32
    %dma_start3A_201 = arith.constant 0 : i32
    %dma_start3A_202 = tpu.memref_slice %arg3[%add3A_195, %dma_start3A_200, %dma_start3A_201] : memref<64x16x4096xf32, #tpu.memory_space<hbm>> -> memref<1x2x4096xf32, #tpu.memory_space<hbm>>
    %dma_start3A_203 = tpu.memref_squeeze %dma_start3A_202 : memref<1x2x4096xf32, #tpu.memory_space<hbm>> -> memref<2x4096xf32, #tpu.memory_space<hbm>>
    tpu.enqueue_dma source(%arg7 : memref<2x4096xf32, #tpu.memory_space<vmem>>) target(%dma_start3A_203 : memref<2x4096xf32, #tpu.memory_space<hbm>>) target_semaphore(%arg31 : memref<!tpu.dma_semaphore, #tpu.memory_space<semaphore_mem>>)
    %dma_wait3A_204 = arith.constant 6 : i32
    %dma_wait3A_205 = arith.constant 0 : i32
    %dma_wait3A_206 = tpu.memref_slice %arg3[%add3A_195, %dma_wait3A_204, %dma_wait3A_205] : memref<64x16x4096xf32, #tpu.memory_space<hbm>> -> memref<1x2x4096xf32, #tpu.memory_space<hbm>>
    %dma_wait3A_207 = tpu.memref_squeeze %dma_wait3A_206 : memref<1x2x4096xf32, #tpu.memory_space<hbm>> -> memref<2x4096xf32, #tpu.memory_space<hbm>>
    %dma_wait3A_208 = arith.constant 6 : i32
    %dma_wait3A_209 = arith.constant 0 : i32
    %dma_wait3A_210 = tpu.memref_slice %arg3[%add3A_195, %dma_wait3A_208, %dma_wait3A_209] : memref<64x16x4096xf32, #tpu.memory_space<hbm>> -> memref<1x2x4096xf32, #tpu.memory_space<hbm>>
    %dma_wait3A_211 = tpu.memref_squeeze %dma_wait3A_210 : memref<1x2x4096xf32, #tpu.memory_space<hbm>> -> memref<2x4096xf32, #tpu.memory_space<hbm>>
    tpu.wait_dma2 semaphore(%arg31 : memref<!tpu.dma_semaphore, #tpu.memory_space<semaphore_mem>>) src(%arg7 : memref<2x4096xf32, #tpu.memory_space<vmem>>) dst(%dma_wait3A_211 : memref<2x4096xf32, #tpu.memory_space<hbm>>)
    %add3A_212 = arith.constant 30 : i32
    %add3A_213 = arith.addi %mul3A_2, %add3A_212 : i32
    %dma_start3A_214 = arith.constant 0 : i32
    %dma_start3A_215 = tpu.memref_slice %arg2[%add3A_213, %dma_start3A_214] : memref<1024x4096xf32, #tpu.memory_space<hbm>> -> memref<2x4096xf32, #tpu.memory_space<hbm>>
    %dma_start3A_216 = arith.constant 0 : i32
    %dma_start3A_217 = tpu.memref_slice %arg2[%add3A_213, %dma_start3A_216] : memref<1024x4096xf32, #tpu.memory_space<hbm>> -> memref<2x4096xf32, #tpu.memory_space<hbm>>
    tpu.enqueue_dma source(%dma_start3A_217 : memref<2x4096xf32, #tpu.memory_space<hbm>>) target(%arg7 : memref<2x4096xf32, #tpu.memory_space<vmem>>) target_semaphore(%arg19 : memref<!tpu.dma_semaphore, #tpu.memory_space<semaphore_mem>>)
    %dma_wait3A_218 = arith.constant 0 : i32
    %dma_wait3A_219 = tpu.memref_slice %arg2[%add3A_41, %dma_wait3A_218] : memref<1024x4096xf32, #tpu.memory_space<hbm>> -> memref<2x4096xf32, #tpu.memory_space<hbm>>
    %dma_wait3A_220 = arith.constant 0 : i32
    %dma_wait3A_221 = tpu.memref_slice %arg2[%add3A_41, %dma_wait3A_220] : memref<1024x4096xf32, #tpu.memory_space<hbm>> -> memref<2x4096xf32, #tpu.memory_space<hbm>>
    tpu.wait_dma2 semaphore(%arg20 : memref<!tpu.dma_semaphore, #tpu.memory_space<semaphore_mem>>) src(%dma_wait3A_221 : memref<2x4096xf32, #tpu.memory_space<hbm>>) dst(%arg8 : memref<2x4096xf32, #tpu.memory_space<vmem>>)
    %parallel_loop3A_222 = arith.constant 0 : i32
    %parallel_loop3A_223 = arith.constant 4096 : i32
    %parallel_loop3A_224 = arith.constant 16 : i32
    scf.for %parallel_loop3A_550 = %parallel_loop3A_222 to %parallel_loop3A_223 step %parallel_loop3A_224  : i32 {
      %parallel_loop3A_551 = arith.constant 0 : i32
      %parallel_loop3A_552 = arith.index_cast %parallel_loop3A_551 : i32 to index
      %parallel_loop3A_553 = arith.index_cast %parallel_loop3A_550 : i32 to index
      %parallel_loop3A_554 = tpu.vector_load %arg8[%parallel_loop3A_552, %parallel_loop3A_553] {strides = array<i32>} : memref<2x4096xf32, #tpu.memory_space<vmem>>, vector<1x16xf32>,
      %parallel_loop3A_555 = vector.shape_cast %parallel_loop3A_554 : vector<1x16xf32> to vector<16xf32>
      %parallel_loop3A_556 = vector.broadcast %select_n3A_16 : f32 to vector<16xf32>
      %parallel_loop3A_557 = arith.mulf %parallel_loop3A_555, %parallel_loop3A_556 : vector<16xf32>
      %parallel_loop3A_558 = arith.constant 0 : i32
      %parallel_loop3A_559 = arith.index_cast %parallel_loop3A_558 : i32 to index
      %parallel_loop3A_560 = arith.index_cast %parallel_loop3A_550 : i32 to index
      %parallel_loop3A_561 = tpu.vector_load %arg8[%parallel_loop3A_559, %parallel_loop3A_560] {strides = array<i32>} : memref<2x4096xf32, #tpu.memory_space<vmem>>, vector<1x16xf32>,
      %parallel_loop3A_562 = vector.shape_cast %parallel_loop3A_561 : vector<1x16xf32> to vector<16xf32>
      %parallel_loop3A_563 = vector.shape_cast %parallel_loop3A_557 : vector<16xf32> to vector<1x16xf32>
      tpu.vector_store %arg8[%parallel_loop3A_559, %parallel_loop3A_560], %parallel_loop3A_563 {strides = array<i32>} : memref<2x4096xf32, #tpu.memory_space<vmem>>, vector<1x16xf32>,
      %parallel_loop3A_564 = arith.constant 1 : i32
      %parallel_loop3A_565 = arith.index_cast %parallel_loop3A_564 : i32 to index
      %parallel_loop3A_566 = arith.index_cast %parallel_loop3A_550 : i32 to index
      %parallel_loop3A_567 = tpu.vector_load %arg8[%parallel_loop3A_565, %parallel_loop3A_566] {strides = array<i32>} : memref<2x4096xf32, #tpu.memory_space<vmem>>, vector<1x16xf32>,
      %parallel_loop3A_568 = vector.shape_cast %parallel_loop3A_567 : vector<1x16xf32> to vector<16xf32>
      %parallel_loop3A_569 = vector.broadcast %select_n3A_16 : f32 to vector<16xf32>
      %parallel_loop3A_570 = arith.mulf %parallel_loop3A_568, %parallel_loop3A_569 : vector<16xf32>
      %parallel_loop3A_571 = arith.constant 1 : i32
      %parallel_loop3A_572 = arith.index_cast %parallel_loop3A_571 : i32 to index
      %parallel_loop3A_573 = arith.index_cast %parallel_loop3A_550 : i32 to index
      %parallel_loop3A_574 = tpu.vector_load %arg8[%parallel_loop3A_572, %parallel_loop3A_573] {strides = array<i32>} : memref<2x4096xf32, #tpu.memory_space<vmem>>, vector<1x16xf32>,
      %parallel_loop3A_575 = vector.shape_cast %parallel_loop3A_574 : vector<1x16xf32> to vector<16xf32>
      %parallel_loop3A_576 = vector.shape_cast %parallel_loop3A_570 : vector<16xf32> to vector<1x16xf32>
      tpu.vector_store %arg8[%parallel_loop3A_572, %parallel_loop3A_573], %parallel_loop3A_576 {strides = array<i32>} : memref<2x4096xf32, #tpu.memory_space<vmem>>, vector<1x16xf32>,
    } {sc.loop_unroll_factor = 8 : i64, sc.parallel_access}
    %mul3A_225 = arith.constant 2 : i32
    %mul3A_226 = arith.muli %add3A, %mul3A_225 : i32
    %add3A_227 = arith.constant 0 : i32
    %add3A_228 = arith.addi %mul3A_226, %add3A_227 : i32
    %dma_start3A_229 = arith.constant 8 : i32
    %dma_start3A_230 = arith.constant 0 : i32
    %dma_start3A_231 = tpu.memref_slice %arg3[%add3A_228, %dma_start3A_229, %dma_start3A_230] : memref<64x16x4096xf32, #tpu.memory_space<hbm>> -> memref<1x2x4096xf32, #tpu.memory_space<hbm>>
    %dma_start3A_232 = tpu.memref_squeeze %dma_start3A_231 : memref<1x2x4096xf32, #tpu.memory_space<hbm>> -> memref<2x4096xf32, #tpu.memory_space<hbm>>
    %dma_start3A_233 = arith.constant 8 : i32
    %dma_start3A_234 = arith.constant 0 : i32
    %dma_start3A_235 = tpu.memref_slice %arg3[%add3A_228, %dma_start3A_233, %dma_start3A_234] : memref<64x16x4096xf32, #tpu.memory_space<hbm>> -> memref<1x2x4096xf32, #tpu.memory_space<hbm>>
    %dma_start3A_236 = tpu.memref_squeeze %dma_start3A_235 : memref<1x2x4096xf32, #tpu.memory_space<hbm>> -> memref<2x4096xf32, #tpu.memory_space<hbm>>
    tpu.enqueue_dma source(%arg8 : memref<2x4096xf32, #tpu.memory_space<vmem>>) target(%dma_start3A_236 : memref<2x4096xf32, #tpu.memory_space<hbm>>) target_semaphore(%arg32 : memref<!tpu.dma_semaphore, #tpu.memory_space<semaphore_mem>>)
    %dma_wait3A_237 = arith.constant 0 : i32
    %dma_wait3A_238 = tpu.memref_slice %arg2[%add3A_47, %dma_wait3A_237] : memref<1024x4096xf32, #tpu.memory_space<hbm>> -> memref<2x4096xf32, #tpu.memory_space<hbm>>
    %dma_wait3A_239 = arith.constant 0 : i32
    %dma_wait3A_240 = tpu.memref_slice %arg2[%add3A_47, %dma_wait3A_239] : memref<1024x4096xf32, #tpu.memory_space<hbm>> -> memref<2x4096xf32, #tpu.memory_space<hbm>>
    tpu.wait_dma2 semaphore(%arg21 : memref<!tpu.dma_semaphore, #tpu.memory_space<semaphore_mem>>) src(%dma_wait3A_240 : memref<2x4096xf32, #tpu.memory_space<hbm>>) dst(%arg9 : memref<2x4096xf32, #tpu.memory_space<vmem>>)
    %parallel_loop3A_241 = arith.constant 0 : i32
    %parallel_loop3A_242 = arith.constant 4096 : i32
    %parallel_loop3A_243 = arith.constant 16 : i32
    scf.for %parallel_loop3A_550 = %parallel_loop3A_241 to %parallel_loop3A_242 step %parallel_loop3A_243  : i32 {
      %parallel_loop3A_551 = arith.constant 0 : i32
      %parallel_loop3A_552 = arith.index_cast %parallel_loop3A_551 : i32 to index
      %parallel_loop3A_553 = arith.index_cast %parallel_loop3A_550 : i32 to index
      %parallel_loop3A_554 = tpu.vector_load %arg9[%parallel_loop3A_552, %parallel_loop3A_553] {strides = array<i32>} : memref<2x4096xf32, #tpu.memory_space<vmem>>, vector<1x16xf32>,
      %parallel_loop3A_555 = vector.shape_cast %parallel_loop3A_554 : vector<1x16xf32> to vector<16xf32>
      %parallel_loop3A_556 = vector.broadcast %select_n3A_16 : f32 to vector<16xf32>
      %parallel_loop3A_557 = arith.mulf %parallel_loop3A_555, %parallel_loop3A_556 : vector<16xf32>
      %parallel_loop3A_558 = arith.constant 0 : i32
      %parallel_loop3A_559 = arith.index_cast %parallel_loop3A_558 : i32 to index
      %parallel_loop3A_560 = arith.index_cast %parallel_loop3A_550 : i32 to index
      %parallel_loop3A_561 = tpu.vector_load %arg9[%parallel_loop3A_559, %parallel_loop3A_560] {strides = array<i32>} : memref<2x4096xf32, #tpu.memory_space<vmem>>, vector<1x16xf32>,
      %parallel_loop3A_562 = vector.shape_cast %parallel_loop3A_561 : vector<1x16xf32> to vector<16xf32>
      %parallel_loop3A_563 = vector.shape_cast %parallel_loop3A_557 : vector<16xf32> to vector<1x16xf32>
      tpu.vector_store %arg9[%parallel_loop3A_559, %parallel_loop3A_560], %parallel_loop3A_563 {strides = array<i32>} : memref<2x4096xf32, #tpu.memory_space<vmem>>, vector<1x16xf32>,
      %parallel_loop3A_564 = arith.constant 1 : i32
      %parallel_loop3A_565 = arith.index_cast %parallel_loop3A_564 : i32 to index
      %parallel_loop3A_566 = arith.index_cast %parallel_loop3A_550 : i32 to index
      %parallel_loop3A_567 = tpu.vector_load %arg9[%parallel_loop3A_565, %parallel_loop3A_566] {strides = array<i32>} : memref<2x4096xf32, #tpu.memory_space<vmem>>, vector<1x16xf32>,
      %parallel_loop3A_568 = vector.shape_cast %parallel_loop3A_567 : vector<1x16xf32> to vector<16xf32>
      %parallel_loop3A_569 = vector.broadcast %select_n3A_16 : f32 to vector<16xf32>
      %parallel_loop3A_570 = arith.mulf %parallel_loop3A_568, %parallel_loop3A_569 : vector<16xf32>
      %parallel_loop3A_571 = arith.constant 1 : i32
      %parallel_loop3A_572 = arith.index_cast %parallel_loop3A_571 : i32 to index
      %parallel_loop3A_573 = arith.index_cast %parallel_loop3A_550 : i32 to index
      %parallel_loop3A_574 = tpu.vector_load %arg9[%parallel_loop3A_572, %parallel_loop3A_573] {strides = array<i32>} : memref<2x4096xf32, #tpu.memory_space<vmem>>, vector<1x16xf32>,
      %parallel_loop3A_575 = vector.shape_cast %parallel_loop3A_574 : vector<1x16xf32> to vector<16xf32>
      %parallel_loop3A_576 = vector.shape_cast %parallel_loop3A_570 : vector<16xf32> to vector<1x16xf32>
      tpu.vector_store %arg9[%parallel_loop3A_572, %parallel_loop3A_573], %parallel_loop3A_576 {strides = array<i32>} : memref<2x4096xf32, #tpu.memory_space<vmem>>, vector<1x16xf32>,
    } {sc.loop_unroll_factor = 8 : i64, sc.parallel_access}
    %mul3A_244 = arith.constant 2 : i32
    %mul3A_245 = arith.muli %add3A, %mul3A_244 : i32
    %add3A_246 = arith.constant 0 : i32
    %add3A_247 = arith.addi %mul3A_245, %add3A_246 : i32
    %dma_start3A_248 = arith.constant 10 : i32
    %dma_start3A_249 = arith.constant 0 : i32
    %dma_start3A_250 = tpu.memref_slice %arg3[%add3A_247, %dma_start3A_248, %dma_start3A_249] : memref<64x16x4096xf32, #tpu.memory_space<hbm>> -> memref<1x2x4096xf32, #tpu.memory_space<hbm>>
    %dma_start3A_251 = tpu.memref_squeeze %dma_start3A_250 : memref<1x2x4096xf32, #tpu.memory_space<hbm>> -> memref<2x4096xf32, #tpu.memory_space<hbm>>
    %dma_start3A_252 = arith.constant 10 : i32
    %dma_start3A_253 = arith.constant 0 : i32
    %dma_start3A_254 = tpu.memref_slice %arg3[%add3A_247, %dma_start3A_252, %dma_start3A_253] : memref<64x16x4096xf32, #tpu.memory_space<hbm>> -> memref<1x2x4096xf32, #tpu.memory_space<hbm>>
    %dma_start3A_255 = tpu.memref_squeeze %dma_start3A_254 : memref<1x2x4096xf32, #tpu.memory_space<hbm>> -> memref<2x4096xf32, #tpu.memory_space<hbm>>
    tpu.enqueue_dma source(%arg9 : memref<2x4096xf32, #tpu.memory_space<vmem>>) target(%dma_start3A_255 : memref<2x4096xf32, #tpu.memory_space<hbm>>) target_semaphore(%arg33 : memref<!tpu.dma_semaphore, #tpu.memory_space<semaphore_mem>>)
    %dma_wait3A_256 = arith.constant 0 : i32
    %dma_wait3A_257 = tpu.memref_slice %arg2[%add3A_53, %dma_wait3A_256] : memref<1024x4096xf32, #tpu.memory_space<hbm>> -> memref<2x4096xf32, #tpu.memory_space<hbm>>
    %dma_wait3A_258 = arith.constant 0 : i32
    %dma_wait3A_259 = tpu.memref_slice %arg2[%add3A_53, %dma_wait3A_258] : memref<1024x4096xf32, #tpu.memory_space<hbm>> -> memref<2x4096xf32, #tpu.memory_space<hbm>>
    tpu.wait_dma2 semaphore(%arg22 : memref<!tpu.dma_semaphore, #tpu.memory_space<semaphore_mem>>) src(%dma_wait3A_259 : memref<2x4096xf32, #tpu.memory_space<hbm>>) dst(%arg10 : memref<2x4096xf32, #tpu.memory_space<vmem>>)
    %parallel_loop3A_260 = arith.constant 0 : i32
    %parallel_loop3A_261 = arith.constant 4096 : i32
    %parallel_loop3A_262 = arith.constant 16 : i32
    scf.for %parallel_loop3A_550 = %parallel_loop3A_260 to %parallel_loop3A_261 step %parallel_loop3A_262  : i32 {
      %parallel_loop3A_551 = arith.constant 0 : i32
      %parallel_loop3A_552 = arith.index_cast %parallel_loop3A_551 : i32 to index
      %parallel_loop3A_553 = arith.index_cast %parallel_loop3A_550 : i32 to index
      %parallel_loop3A_554 = tpu.vector_load %arg10[%parallel_loop3A_552, %parallel_loop3A_553] {strides = array<i32>} : memref<2x4096xf32, #tpu.memory_space<vmem>>, vector<1x16xf32>,
      %parallel_loop3A_555 = vector.shape_cast %parallel_loop3A_554 : vector<1x16xf32> to vector<16xf32>
      %parallel_loop3A_556 = vector.broadcast %select_n3A_16 : f32 to vector<16xf32>
      %parallel_loop3A_557 = arith.mulf %parallel_loop3A_555, %parallel_loop3A_556 : vector<16xf32>
      %parallel_loop3A_558 = arith.constant 0 : i32
      %parallel_loop3A_559 = arith.index_cast %parallel_loop3A_558 : i32 to index
      %parallel_loop3A_560 = arith.index_cast %parallel_loop3A_550 : i32 to index
      %parallel_loop3A_561 = tpu.vector_load %arg10[%parallel_loop3A_559, %parallel_loop3A_560] {strides = array<i32>} : memref<2x4096xf32, #tpu.memory_space<vmem>>, vector<1x16xf32>,
      %parallel_loop3A_562 = vector.shape_cast %parallel_loop3A_561 : vector<1x16xf32> to vector<16xf32>
      %parallel_loop3A_563 = vector.shape_cast %parallel_loop3A_557 : vector<16xf32> to vector<1x16xf32>
      tpu.vector_store %arg10[%parallel_loop3A_559, %parallel_loop3A_560], %parallel_loop3A_563 {strides = array<i32>} : memref<2x4096xf32, #tpu.memory_space<vmem>>, vector<1x16xf32>,
      %parallel_loop3A_564 = arith.constant 1 : i32
      %parallel_loop3A_565 = arith.index_cast %parallel_loop3A_564 : i32 to index
      %parallel_loop3A_566 = arith.index_cast %parallel_loop3A_550 : i32 to index
      %parallel_loop3A_567 = tpu.vector_load %arg10[%parallel_loop3A_565, %parallel_loop3A_566] {strides = array<i32>} : memref<2x4096xf32, #tpu.memory_space<vmem>>, vector<1x16xf32>,
      %parallel_loop3A_568 = vector.shape_cast %parallel_loop3A_567 : vector<1x16xf32> to vector<16xf32>
      %parallel_loop3A_569 = vector.broadcast %select_n3A_16 : f32 to vector<16xf32>
      %parallel_loop3A_570 = arith.mulf %parallel_loop3A_568, %parallel_loop3A_569 : vector<16xf32>
      %parallel_loop3A_571 = arith.constant 1 : i32
      %parallel_loop3A_572 = arith.index_cast %parallel_loop3A_571 : i32 to index
      %parallel_loop3A_573 = arith.index_cast %parallel_loop3A_550 : i32 to index
      %parallel_loop3A_574 = tpu.vector_load %arg10[%parallel_loop3A_572, %parallel_loop3A_573] {strides = array<i32>} : memref<2x4096xf32, #tpu.memory_space<vmem>>, vector<1x16xf32>,
      %parallel_loop3A_575 = vector.shape_cast %parallel_loop3A_574 : vector<1x16xf32> to vector<16xf32>
      %parallel_loop3A_576 = vector.shape_cast %parallel_loop3A_570 : vector<16xf32> to vector<1x16xf32>
      tpu.vector_store %arg10[%parallel_loop3A_572, %parallel_loop3A_573], %parallel_loop3A_576 {strides = array<i32>} : memref<2x4096xf32, #tpu.memory_space<vmem>>, vector<1x16xf32>,
    } {sc.loop_unroll_factor = 8 : i64, sc.parallel_access}
    %mul3A_263 = arith.constant 2 : i32
    %mul3A_264 = arith.muli %add3A, %mul3A_263 : i32
    %add3A_265 = arith.constant 0 : i32
    %add3A_266 = arith.addi %mul3A_264, %add3A_265 : i32
    %dma_start3A_267 = arith.constant 12 : i32
    %dma_start3A_268 = arith.constant 0 : i32
    %dma_start3A_269 = tpu.memref_slice %arg3[%add3A_266, %dma_start3A_267, %dma_start3A_268] : memref<64x16x4096xf32, #tpu.memory_space<hbm>> -> memref<1x2x4096xf32, #tpu.memory_space<hbm>>
    %dma_start3A_270 = tpu.memref_squeeze %dma_start3A_269 : memref<1x2x4096xf32, #tpu.memory_space<hbm>> -> memref<2x4096xf32, #tpu.memory_space<hbm>>
    %dma_start3A_271 = arith.constant 12 : i32
    %dma_start3A_272 = arith.constant 0 : i32
    %dma_start3A_273 = tpu.memref_slice %arg3[%add3A_266, %dma_start3A_271, %dma_start3A_272] : memref<64x16x4096xf32, #tpu.memory_space<hbm>> -> memref<1x2x4096xf32, #tpu.memory_space<hbm>>
    %dma_start3A_274 = tpu.memref_squeeze %dma_start3A_273 : memref<1x2x4096xf32, #tpu.memory_space<hbm>> -> memref<2x4096xf32, #tpu.memory_space<hbm>>
    tpu.enqueue_dma source(%arg10 : memref<2x4096xf32, #tpu.memory_space<vmem>>) target(%dma_start3A_274 : memref<2x4096xf32, #tpu.memory_space<hbm>>) target_semaphore(%arg34 : memref<!tpu.dma_semaphore, #tpu.memory_space<semaphore_mem>>)
    %dma_wait3A_275 = arith.constant 0 : i32
    %dma_wait3A_276 = tpu.memref_slice %arg2[%add3A_59, %dma_wait3A_275] : memref<1024x4096xf32, #tpu.memory_space<hbm>> -> memref<2x4096xf32, #tpu.memory_space<hbm>>
    %dma_wait3A_277 = arith.constant 0 : i32
    %dma_wait3A_278 = tpu.memref_slice %arg2[%add3A_59, %dma_wait3A_277] : memref<1024x4096xf32, #tpu.memory_space<hbm>> -> memref<2x4096xf32, #tpu.memory_space<hbm>>
    tpu.wait_dma2 semaphore(%arg23 : memref<!tpu.dma_semaphore, #tpu.memory_space<semaphore_mem>>) src(%dma_wait3A_278 : memref<2x4096xf32, #tpu.memory_space<hbm>>) dst(%arg11 : memref<2x4096xf32, #tpu.memory_space<vmem>>)
    %parallel_loop3A_279 = arith.constant 0 : i32
    %parallel_loop3A_280 = arith.constant 4096 : i32
    %parallel_loop3A_281 = arith.constant 16 : i32
    scf.for %parallel_loop3A_550 = %parallel_loop3A_279 to %parallel_loop3A_280 step %parallel_loop3A_281  : i32 {
      %parallel_loop3A_551 = arith.constant 0 : i32
      %parallel_loop3A_552 = arith.index_cast %parallel_loop3A_551 : i32 to index
      %parallel_loop3A_553 = arith.index_cast %parallel_loop3A_550 : i32 to index
      %parallel_loop3A_554 = tpu.vector_load %arg11[%parallel_loop3A_552, %parallel_loop3A_553] {strides = array<i32>} : memref<2x4096xf32, #tpu.memory_space<vmem>>, vector<1x16xf32>,
      %parallel_loop3A_555 = vector.shape_cast %parallel_loop3A_554 : vector<1x16xf32> to vector<16xf32>
      %parallel_loop3A_556 = vector.broadcast %select_n3A_16 : f32 to vector<16xf32>
      %parallel_loop3A_557 = arith.mulf %parallel_loop3A_555, %parallel_loop3A_556 : vector<16xf32>
      %parallel_loop3A_558 = arith.constant 0 : i32
      %parallel_loop3A_559 = arith.index_cast %parallel_loop3A_558 : i32 to index
      %parallel_loop3A_560 = arith.index_cast %parallel_loop3A_550 : i32 to index
      %parallel_loop3A_561 = tpu.vector_load %arg11[%parallel_loop3A_559, %parallel_loop3A_560] {strides = array<i32>} : memref<2x4096xf32, #tpu.memory_space<vmem>>, vector<1x16xf32>,
      %parallel_loop3A_562 = vector.shape_cast %parallel_loop3A_561 : vector<1x16xf32> to vector<16xf32>
      %parallel_loop3A_563 = vector.shape_cast %parallel_loop3A_557 : vector<16xf32> to vector<1x16xf32>
      tpu.vector_store %arg11[%parallel_loop3A_559, %parallel_loop3A_560], %parallel_loop3A_563 {strides = array<i32>} : memref<2x4096xf32, #tpu.memory_space<vmem>>, vector<1x16xf32>,
      %parallel_loop3A_564 = arith.constant 1 : i32
      %parallel_loop3A_565 = arith.index_cast %parallel_loop3A_564 : i32 to index
      %parallel_loop3A_566 = arith.index_cast %parallel_loop3A_550 : i32 to index
      %parallel_loop3A_567 = tpu.vector_load %arg11[%parallel_loop3A_565, %parallel_loop3A_566] {strides = array<i32>} : memref<2x4096xf32, #tpu.memory_space<vmem>>, vector<1x16xf32>,
      %parallel_loop3A_568 = vector.shape_cast %parallel_loop3A_567 : vector<1x16xf32> to vector<16xf32>
      %parallel_loop3A_569 = vector.broadcast %select_n3A_16 : f32 to vector<16xf32>
      %parallel_loop3A_570 = arith.mulf %parallel_loop3A_568, %parallel_loop3A_569 : vector<16xf32>
      %parallel_loop3A_571 = arith.constant 1 : i32
      %parallel_loop3A_572 = arith.index_cast %parallel_loop3A_571 : i32 to index
      %parallel_loop3A_573 = arith.index_cast %parallel_loop3A_550 : i32 to index
      %parallel_loop3A_574 = tpu.vector_load %arg11[%parallel_loop3A_572, %parallel_loop3A_573] {strides = array<i32>} : memref<2x4096xf32, #tpu.memory_space<vmem>>, vector<1x16xf32>,
      %parallel_loop3A_575 = vector.shape_cast %parallel_loop3A_574 : vector<1x16xf32> to vector<16xf32>
      %parallel_loop3A_576 = vector.shape_cast %parallel_loop3A_570 : vector<16xf32> to vector<1x16xf32>
      tpu.vector_store %arg11[%parallel_loop3A_572, %parallel_loop3A_573], %parallel_loop3A_576 {strides = array<i32>} : memref<2x4096xf32, #tpu.memory_space<vmem>>, vector<1x16xf32>,
    } {sc.loop_unroll_factor = 8 : i64, sc.parallel_access}
    %mul3A_282 = arith.constant 2 : i32
    %mul3A_283 = arith.muli %add3A, %mul3A_282 : i32
    %add3A_284 = arith.constant 0 : i32
    %add3A_285 = arith.addi %mul3A_283, %add3A_284 : i32
    %dma_start3A_286 = arith.constant 14 : i32
    %dma_start3A_287 = arith.constant 0 : i32
    %dma_start3A_288 = tpu.memref_slice %arg3[%add3A_285, %dma_start3A_286, %dma_start3A_287] : memref<64x16x4096xf32, #tpu.memory_space<hbm>> -> memref<1x2x4096xf32, #tpu.memory_space<hbm>>
    %dma_start3A_289 = tpu.memref_squeeze %dma_start3A_288 : memref<1x2x4096xf32, #tpu.memory_space<hbm>> -> memref<2x4096xf32, #tpu.memory_space<hbm>>
    %dma_start3A_290 = arith.constant 14 : i32
    %dma_start3A_291 = arith.constant 0 : i32
    %dma_start3A_292 = tpu.memref_slice %arg3[%add3A_285, %dma_start3A_290, %dma_start3A_291] : memref<64x16x4096xf32, #tpu.memory_space<hbm>> -> memref<1x2x4096xf32, #tpu.memory_space<hbm>>
    %dma_start3A_293 = tpu.memref_squeeze %dma_start3A_292 : memref<1x2x4096xf32, #tpu.memory_space<hbm>> -> memref<2x4096xf32, #tpu.memory_space<hbm>>
    tpu.enqueue_dma source(%arg11 : memref<2x4096xf32, #tpu.memory_space<vmem>>) target(%dma_start3A_293 : memref<2x4096xf32, #tpu.memory_space<hbm>>) target_semaphore(%arg35 : memref<!tpu.dma_semaphore, #tpu.memory_space<semaphore_mem>>)
    %dma_wait3A_294 = arith.constant 0 : i32
    %dma_wait3A_295 = tpu.memref_slice %arg2[%add3A_65, %dma_wait3A_294] : memref<1024x4096xf32, #tpu.memory_space<hbm>> -> memref<2x4096xf32, #tpu.memory_space<hbm>>
    %dma_wait3A_296 = arith.constant 0 : i32
    %dma_wait3A_297 = tpu.memref_slice %arg2[%add3A_65, %dma_wait3A_296] : memref<1024x4096xf32, #tpu.memory_space<hbm>> -> memref<2x4096xf32, #tpu.memory_space<hbm>>
    tpu.wait_dma2 semaphore(%arg24 : memref<!tpu.dma_semaphore, #tpu.memory_space<semaphore_mem>>) src(%dma_wait3A_297 : memref<2x4096xf32, #tpu.memory_space<hbm>>) dst(%arg12 : memref<2x4096xf32, #tpu.memory_space<vmem>>)
    %parallel_loop3A_298 = arith.constant 0 : i32
    %parallel_loop3A_299 = arith.constant 4096 : i32
    %parallel_loop3A_300 = arith.constant 16 : i32
    %parallel_loop3A_301 = arith.constant 8.000000e+00 : f32
    scf.for %parallel_loop3A_550 = %parallel_loop3A_298 to %parallel_loop3A_299 step %parallel_loop3A_300  : i32 {
      %parallel_loop3A_551 = arith.constant 0 : i32
      %parallel_loop3A_552 = arith.index_cast %parallel_loop3A_551 : i32 to index
      %parallel_loop3A_553 = arith.index_cast %parallel_loop3A_550 : i32 to index
      %parallel_loop3A_554 = tpu.vector_load %arg12[%parallel_loop3A_552, %parallel_loop3A_553] {strides = array<i32>} : memref<2x4096xf32, #tpu.memory_space<vmem>>, vector<1x16xf32>,
      %parallel_loop3A_555 = vector.shape_cast %parallel_loop3A_554 : vector<1x16xf32> to vector<16xf32>
      %parallel_loop3A_556 = vector.broadcast %parallel_loop3A_301 : f32 to vector<16xf32>
      %parallel_loop3A_557 = arith.mulf %parallel_loop3A_555, %parallel_loop3A_556 : vector<16xf32>
      %parallel_loop3A_558 = arith.constant 0 : i32
      %parallel_loop3A_559 = arith.index_cast %parallel_loop3A_558 : i32 to index
      %parallel_loop3A_560 = arith.index_cast %parallel_loop3A_550 : i32 to index
      %parallel_loop3A_561 = tpu.vector_load %arg12[%parallel_loop3A_559, %parallel_loop3A_560] {strides = array<i32>} : memref<2x4096xf32, #tpu.memory_space<vmem>>, vector<1x16xf32>,
      %parallel_loop3A_562 = vector.shape_cast %parallel_loop3A_561 : vector<1x16xf32> to vector<16xf32>
      %parallel_loop3A_563 = vector.shape_cast %parallel_loop3A_557 : vector<16xf32> to vector<1x16xf32>
      tpu.vector_store %arg12[%parallel_loop3A_559, %parallel_loop3A_560], %parallel_loop3A_563 {strides = array<i32>} : memref<2x4096xf32, #tpu.memory_space<vmem>>, vector<1x16xf32>,
      %parallel_loop3A_564 = arith.constant 1 : i32
      %parallel_loop3A_565 = arith.index_cast %parallel_loop3A_564 : i32 to index
      %parallel_loop3A_566 = arith.index_cast %parallel_loop3A_550 : i32 to index
      %parallel_loop3A_567 = tpu.vector_load %arg12[%parallel_loop3A_565, %parallel_loop3A_566] {strides = array<i32>} : memref<2x4096xf32, #tpu.memory_space<vmem>>, vector<1x16xf32>,
      %parallel_loop3A_568 = vector.shape_cast %parallel_loop3A_567 : vector<1x16xf32> to vector<16xf32>
      %parallel_loop3A_569 = vector.broadcast %parallel_loop3A_301 : f32 to vector<16xf32>
      %parallel_loop3A_570 = arith.mulf %parallel_loop3A_568, %parallel_loop3A_569 : vector<16xf32>
      %parallel_loop3A_571 = arith.constant 1 : i32
      %parallel_loop3A_572 = arith.index_cast %parallel_loop3A_571 : i32 to index
      %parallel_loop3A_573 = arith.index_cast %parallel_loop3A_550 : i32 to index
      %parallel_loop3A_574 = tpu.vector_load %arg12[%parallel_loop3A_572, %parallel_loop3A_573] {strides = array<i32>} : memref<2x4096xf32, #tpu.memory_space<vmem>>, vector<1x16xf32>,
      %parallel_loop3A_575 = vector.shape_cast %parallel_loop3A_574 : vector<1x16xf32> to vector<16xf32>
      %parallel_loop3A_576 = vector.shape_cast %parallel_loop3A_570 : vector<16xf32> to vector<1x16xf32>
      tpu.vector_store %arg12[%parallel_loop3A_572, %parallel_loop3A_573], %parallel_loop3A_576 {strides = array<i32>} : memref<2x4096xf32, #tpu.memory_space<vmem>>, vector<1x16xf32>,
    } {sc.loop_unroll_factor = 8 : i64, sc.parallel_access}
    %mul3A_302 = arith.constant 2 : i32
    %mul3A_303 = arith.muli %add3A, %mul3A_302 : i32
    %add3A_304 = arith.constant 1 : i32
    %add3A_305 = arith.addi %mul3A_303, %add3A_304 : i32
    %dma_start3A_306 = arith.constant 0 : i32
    %dma_start3A_307 = arith.constant 0 : i32
    %dma_start3A_308 = tpu.memref_slice %arg3[%add3A_305, %dma_start3A_306, %dma_start3A_307] : memref<64x16x4096xf32, #tpu.memory_space<hbm>> -> memref<1x2x4096xf32, #tpu.memory_space<hbm>>
    %dma_start3A_309 = tpu.memref_squeeze %dma_start3A_308 : memref<1x2x4096xf32, #tpu.memory_space<hbm>> -> memref<2x4096xf32, #tpu.memory_space<hbm>>
    %dma_start3A_310 = arith.constant 0 : i32
    %dma_start3A_311 = arith.constant 0 : i32
    %dma_start3A_312 = tpu.memref_slice %arg3[%add3A_305, %dma_start3A_310, %dma_start3A_311] : memref<64x16x4096xf32, #tpu.memory_space<hbm>> -> memref<1x2x4096xf32, #tpu.memory_space<hbm>>
    %dma_start3A_313 = tpu.memref_squeeze %dma_start3A_312 : memref<1x2x4096xf32, #tpu.memory_space<hbm>> -> memref<2x4096xf32, #tpu.memory_space<hbm>>
    tpu.enqueue_dma source(%arg12 : memref<2x4096xf32, #tpu.memory_space<vmem>>) target(%dma_start3A_313 : memref<2x4096xf32, #tpu.memory_space<hbm>>) target_semaphore(%arg36 : memref<!tpu.dma_semaphore, #tpu.memory_space<semaphore_mem>>)
    %dma_wait3A_314 = arith.constant 0 : i32
    %dma_wait3A_315 = tpu.memref_slice %arg2[%add3A_71, %dma_wait3A_314] : memref<1024x4096xf32, #tpu.memory_space<hbm>> -> memref<2x4096xf32, #tpu.memory_space<hbm>>
    %dma_wait3A_316 = arith.constant 0 : i32
    %dma_wait3A_317 = tpu.memref_slice %arg2[%add3A_71, %dma_wait3A_316] : memref<1024x4096xf32, #tpu.memory_space<hbm>> -> memref<2x4096xf32, #tpu.memory_space<hbm>>
    tpu.wait_dma2 semaphore(%arg25 : memref<!tpu.dma_semaphore, #tpu.memory_space<semaphore_mem>>) src(%dma_wait3A_317 : memref<2x4096xf32, #tpu.memory_space<hbm>>) dst(%arg13 : memref<2x4096xf32, #tpu.memory_space<vmem>>)
    %parallel_loop3A_318 = arith.constant 0 : i32
    %parallel_loop3A_319 = arith.constant 4096 : i32
    %parallel_loop3A_320 = arith.constant 16 : i32
    %parallel_loop3A_321 = arith.constant 8.000000e+00 : f32
    scf.for %parallel_loop3A_550 = %parallel_loop3A_318 to %parallel_loop3A_319 step %parallel_loop3A_320  : i32 {
      %parallel_loop3A_551 = arith.constant 0 : i32
      %parallel_loop3A_552 = arith.index_cast %parallel_loop3A_551 : i32 to index
      %parallel_loop3A_553 = arith.index_cast %parallel_loop3A_550 : i32 to index
      %parallel_loop3A_554 = tpu.vector_load %arg13[%parallel_loop3A_552, %parallel_loop3A_553] {strides = array<i32>} : memref<2x4096xf32, #tpu.memory_space<vmem>>, vector<1x16xf32>,
      %parallel_loop3A_555 = vector.shape_cast %parallel_loop3A_554 : vector<1x16xf32> to vector<16xf32>
      %parallel_loop3A_556 = vector.broadcast %parallel_loop3A_321 : f32 to vector<16xf32>
      %parallel_loop3A_557 = arith.mulf %parallel_loop3A_555, %parallel_loop3A_556 : vector<16xf32>
      %parallel_loop3A_558 = arith.constant 0 : i32
      %parallel_loop3A_559 = arith.index_cast %parallel_loop3A_558 : i32 to index
      %parallel_loop3A_560 = arith.index_cast %parallel_loop3A_550 : i32 to index
      %parallel_loop3A_561 = tpu.vector_load %arg13[%parallel_loop3A_559, %parallel_loop3A_560] {strides = array<i32>} : memref<2x4096xf32, #tpu.memory_space<vmem>>, vector<1x16xf32>,
      %parallel_loop3A_562 = vector.shape_cast %parallel_loop3A_561 : vector<1x16xf32> to vector<16xf32>
      %parallel_loop3A_563 = vector.shape_cast %parallel_loop3A_557 : vector<16xf32> to vector<1x16xf32>
      tpu.vector_store %arg13[%parallel_loop3A_559, %parallel_loop3A_560], %parallel_loop3A_563 {strides = array<i32>} : memref<2x4096xf32, #tpu.memory_space<vmem>>, vector<1x16xf32>,
      %parallel_loop3A_564 = arith.constant 1 : i32
      %parallel_loop3A_565 = arith.index_cast %parallel_loop3A_564 : i32 to index
      %parallel_loop3A_566 = arith.index_cast %parallel_loop3A_550 : i32 to index
      %parallel_loop3A_567 = tpu.vector_load %arg13[%parallel_loop3A_565, %parallel_loop3A_566] {strides = array<i32>} : memref<2x4096xf32, #tpu.memory_space<vmem>>, vector<1x16xf32>,
      %parallel_loop3A_568 = vector.shape_cast %parallel_loop3A_567 : vector<1x16xf32> to vector<16xf32>
      %parallel_loop3A_569 = vector.broadcast %parallel_loop3A_321 : f32 to vector<16xf32>
      %parallel_loop3A_570 = arith.mulf %parallel_loop3A_568, %parallel_loop3A_569 : vector<16xf32>
      %parallel_loop3A_571 = arith.constant 1 : i32
      %parallel_loop3A_572 = arith.index_cast %parallel_loop3A_571 : i32 to index
      %parallel_loop3A_573 = arith.index_cast %parallel_loop3A_550 : i32 to index
      %parallel_loop3A_574 = tpu.vector_load %arg13[%parallel_loop3A_572, %parallel_loop3A_573] {strides = array<i32>} : memref<2x4096xf32, #tpu.memory_space<vmem>>, vector<1x16xf32>,
      %parallel_loop3A_575 = vector.shape_cast %parallel_loop3A_574 : vector<1x16xf32> to vector<16xf32>
      %parallel_loop3A_576 = vector.shape_cast %parallel_loop3A_570 : vector<16xf32> to vector<1x16xf32>
      tpu.vector_store %arg13[%parallel_loop3A_572, %parallel_loop3A_573], %parallel_loop3A_576 {strides = array<i32>} : memref<2x4096xf32, #tpu.memory_space<vmem>>, vector<1x16xf32>,
    } {sc.loop_unroll_factor = 8 : i64, sc.parallel_access}
    %mul3A_322 = arith.constant 2 : i32
    %mul3A_323 = arith.muli %add3A, %mul3A_322 : i32
    %add3A_324 = arith.constant 1 : i32
    %add3A_325 = arith.addi %mul3A_323, %add3A_324 : i32
    %dma_start3A_326 = arith.constant 2 : i32
    %dma_start3A_327 = arith.constant 0 : i32
    %dma_start3A_328 = tpu.memref_slice %arg3[%add3A_325, %dma_start3A_326, %dma_start3A_327] : memref<64x16x4096xf32, #tpu.memory_space<hbm>> -> memref<1x2x4096xf32, #tpu.memory_space<hbm>>
    %dma_start3A_329 = tpu.memref_squeeze %dma_start3A_328 : memref<1x2x4096xf32, #tpu.memory_space<hbm>> -> memref<2x4096xf32, #tpu.memory_space<hbm>>
    %dma_start3A_330 = arith.constant 2 : i32
    %dma_start3A_331 = arith.constant 0 : i32
    %dma_start3A_332 = tpu.memref_slice %arg3[%add3A_325, %dma_start3A_330, %dma_start3A_331] : memref<64x16x4096xf32, #tpu.memory_space<hbm>> -> memref<1x2x4096xf32, #tpu.memory_space<hbm>>
    %dma_start3A_333 = tpu.memref_squeeze %dma_start3A_332 : memref<1x2x4096xf32, #tpu.memory_space<hbm>> -> memref<2x4096xf32, #tpu.memory_space<hbm>>
    tpu.enqueue_dma source(%arg13 : memref<2x4096xf32, #tpu.memory_space<vmem>>) target(%dma_start3A_333 : memref<2x4096xf32, #tpu.memory_space<hbm>>) target_semaphore(%arg37 : memref<!tpu.dma_semaphore, #tpu.memory_space<semaphore_mem>>)
    %dma_wait3A_334 = arith.constant 0 : i32
    %dma_wait3A_335 = tpu.memref_slice %arg2[%add3A_77, %dma_wait3A_334] : memref<1024x4096xf32, #tpu.memory_space<hbm>> -> memref<2x4096xf32, #tpu.memory_space<hbm>>
    %dma_wait3A_336 = arith.constant 0 : i32
    %dma_wait3A_337 = tpu.memref_slice %arg2[%add3A_77, %dma_wait3A_336] : memref<1024x4096xf32, #tpu.memory_space<hbm>> -> memref<2x4096xf32, #tpu.memory_space<hbm>>
    tpu.wait_dma2 semaphore(%arg26 : memref<!tpu.dma_semaphore, #tpu.memory_space<semaphore_mem>>) src(%dma_wait3A_337 : memref<2x4096xf32, #tpu.memory_space<hbm>>) dst(%arg14 : memref<2x4096xf32, #tpu.memory_space<vmem>>)
    %parallel_loop3A_338 = arith.constant 0 : i32
    %parallel_loop3A_339 = arith.constant 4096 : i32
    %parallel_loop3A_340 = arith.constant 16 : i32
    %parallel_loop3A_341 = arith.constant 8.000000e+00 : f32
    scf.for %parallel_loop3A_550 = %parallel_loop3A_338 to %parallel_loop3A_339 step %parallel_loop3A_340  : i32 {
      %parallel_loop3A_551 = arith.constant 0 : i32
      %parallel_loop3A_552 = arith.index_cast %parallel_loop3A_551 : i32 to index
      %parallel_loop3A_553 = arith.index_cast %parallel_loop3A_550 : i32 to index
      %parallel_loop3A_554 = tpu.vector_load %arg14[%parallel_loop3A_552, %parallel_loop3A_553] {strides = array<i32>} : memref<2x4096xf32, #tpu.memory_space<vmem>>, vector<1x16xf32>,
      %parallel_loop3A_555 = vector.shape_cast %parallel_loop3A_554 : vector<1x16xf32> to vector<16xf32>
      %parallel_loop3A_556 = vector.broadcast %parallel_loop3A_341 : f32 to vector<16xf32>
      %parallel_loop3A_557 = arith.mulf %parallel_loop3A_555, %parallel_loop3A_556 : vector<16xf32>
      %parallel_loop3A_558 = arith.constant 0 : i32
      %parallel_loop3A_559 = arith.index_cast %parallel_loop3A_558 : i32 to index
      %parallel_loop3A_560 = arith.index_cast %parallel_loop3A_550 : i32 to index
      %parallel_loop3A_561 = tpu.vector_load %arg14[%parallel_loop3A_559, %parallel_loop3A_560] {strides = array<i32>} : memref<2x4096xf32, #tpu.memory_space<vmem>>, vector<1x16xf32>,
      %parallel_loop3A_562 = vector.shape_cast %parallel_loop3A_561 : vector<1x16xf32> to vector<16xf32>
      %parallel_loop3A_563 = vector.shape_cast %parallel_loop3A_557 : vector<16xf32> to vector<1x16xf32>
      tpu.vector_store %arg14[%parallel_loop3A_559, %parallel_loop3A_560], %parallel_loop3A_563 {strides = array<i32>} : memref<2x4096xf32, #tpu.memory_space<vmem>>, vector<1x16xf32>,
      %parallel_loop3A_564 = arith.constant 1 : i32
      %parallel_loop3A_565 = arith.index_cast %parallel_loop3A_564 : i32 to index
      %parallel_loop3A_566 = arith.index_cast %parallel_loop3A_550 : i32 to index
      %parallel_loop3A_567 = tpu.vector_load %arg14[%parallel_loop3A_565, %parallel_loop3A_566] {strides = array<i32>} : memref<2x4096xf32, #tpu.memory_space<vmem>>, vector<1x16xf32>,
      %parallel_loop3A_568 = vector.shape_cast %parallel_loop3A_567 : vector<1x16xf32> to vector<16xf32>
      %parallel_loop3A_569 = vector.broadcast %parallel_loop3A_341 : f32 to vector<16xf32>
      %parallel_loop3A_570 = arith.mulf %parallel_loop3A_568, %parallel_loop3A_569 : vector<16xf32>
      %parallel_loop3A_571 = arith.constant 1 : i32
      %parallel_loop3A_572 = arith.index_cast %parallel_loop3A_571 : i32 to index
      %parallel_loop3A_573 = arith.index_cast %parallel_loop3A_550 : i32 to index
      %parallel_loop3A_574 = tpu.vector_load %arg14[%parallel_loop3A_572, %parallel_loop3A_573] {strides = array<i32>} : memref<2x4096xf32, #tpu.memory_space<vmem>>, vector<1x16xf32>,
      %parallel_loop3A_575 = vector.shape_cast %parallel_loop3A_574 : vector<1x16xf32> to vector<16xf32>
      %parallel_loop3A_576 = vector.shape_cast %parallel_loop3A_570 : vector<16xf32> to vector<1x16xf32>
      tpu.vector_store %arg14[%parallel_loop3A_572, %parallel_loop3A_573], %parallel_loop3A_576 {strides = array<i32>} : memref<2x4096xf32, #tpu.memory_space<vmem>>, vector<1x16xf32>,
    } {sc.loop_unroll_factor = 8 : i64, sc.parallel_access}
    %mul3A_342 = arith.constant 2 : i32
    %mul3A_343 = arith.muli %add3A, %mul3A_342 : i32
    %add3A_344 = arith.constant 1 : i32
    %add3A_345 = arith.addi %mul3A_343, %add3A_344 : i32
    %dma_start3A_346 = arith.constant 4 : i32
    %dma_start3A_347 = arith.constant 0 : i32
    %dma_start3A_348 = tpu.memref_slice %arg3[%add3A_345, %dma_start3A_346, %dma_start3A_347] : memref<64x16x4096xf32, #tpu.memory_space<hbm>> -> memref<1x2x4096xf32, #tpu.memory_space<hbm>>
    %dma_start3A_349 = tpu.memref_squeeze %dma_start3A_348 : memref<1x2x4096xf32, #tpu.memory_space<hbm>> -> memref<2x4096xf32, #tpu.memory_space<hbm>>
    %dma_start3A_350 = arith.constant 4 : i32
    %dma_start3A_351 = arith.constant 0 : i32
    %dma_start3A_352 = tpu.memref_slice %arg3[%add3A_345, %dma_start3A_350, %dma_start3A_351] : memref<64x16x4096xf32, #tpu.memory_space<hbm>> -> memref<1x2x4096xf32, #tpu.memory_space<hbm>>
    %dma_start3A_353 = tpu.memref_squeeze %dma_start3A_352 : memref<1x2x4096xf32, #tpu.memory_space<hbm>> -> memref<2x4096xf32, #tpu.memory_space<hbm>>
    tpu.enqueue_dma source(%arg14 : memref<2x4096xf32, #tpu.memory_space<vmem>>) target(%dma_start3A_353 : memref<2x4096xf32, #tpu.memory_space<hbm>>) target_semaphore(%arg38 : memref<!tpu.dma_semaphore, #tpu.memory_space<semaphore_mem>>)
    %dma_wait3A_354 = arith.constant 0 : i32
    %dma_wait3A_355 = tpu.memref_slice %arg2[%add3A_83, %dma_wait3A_354] : memref<1024x4096xf32, #tpu.memory_space<hbm>> -> memref<2x4096xf32, #tpu.memory_space<hbm>>
    %dma_wait3A_356 = arith.constant 0 : i32
    %dma_wait3A_357 = tpu.memref_slice %arg2[%add3A_83, %dma_wait3A_356] : memref<1024x4096xf32, #tpu.memory_space<hbm>> -> memref<2x4096xf32, #tpu.memory_space<hbm>>
    tpu.wait_dma2 semaphore(%arg27 : memref<!tpu.dma_semaphore, #tpu.memory_space<semaphore_mem>>) src(%dma_wait3A_357 : memref<2x4096xf32, #tpu.memory_space<hbm>>) dst(%arg15 : memref<2x4096xf32, #tpu.memory_space<vmem>>)
    %parallel_loop3A_358 = arith.constant 0 : i32
    %parallel_loop3A_359 = arith.constant 4096 : i32
    %parallel_loop3A_360 = arith.constant 16 : i32
    %parallel_loop3A_361 = arith.constant 8.000000e+00 : f32
    scf.for %parallel_loop3A_550 = %parallel_loop3A_358 to %parallel_loop3A_359 step %parallel_loop3A_360  : i32 {
      %parallel_loop3A_551 = arith.constant 0 : i32
      %parallel_loop3A_552 = arith.index_cast %parallel_loop3A_551 : i32 to index
      %parallel_loop3A_553 = arith.index_cast %parallel_loop3A_550 : i32 to index
      %parallel_loop3A_554 = tpu.vector_load %arg15[%parallel_loop3A_552, %parallel_loop3A_553] {strides = array<i32>} : memref<2x4096xf32, #tpu.memory_space<vmem>>, vector<1x16xf32>,
      %parallel_loop3A_555 = vector.shape_cast %parallel_loop3A_554 : vector<1x16xf32> to vector<16xf32>
      %parallel_loop3A_556 = vector.broadcast %parallel_loop3A_361 : f32 to vector<16xf32>
      %parallel_loop3A_557 = arith.mulf %parallel_loop3A_555, %parallel_loop3A_556 : vector<16xf32>
      %parallel_loop3A_558 = arith.constant 0 : i32
      %parallel_loop3A_559 = arith.index_cast %parallel_loop3A_558 : i32 to index
      %parallel_loop3A_560 = arith.index_cast %parallel_loop3A_550 : i32 to index
      %parallel_loop3A_561 = tpu.vector_load %arg15[%parallel_loop3A_559, %parallel_loop3A_560] {strides = array<i32>} : memref<2x4096xf32, #tpu.memory_space<vmem>>, vector<1x16xf32>,
      %parallel_loop3A_562 = vector.shape_cast %parallel_loop3A_561 : vector<1x16xf32> to vector<16xf32>
      %parallel_loop3A_563 = vector.shape_cast %parallel_loop3A_557 : vector<16xf32> to vector<1x16xf32>
      tpu.vector_store %arg15[%parallel_loop3A_559, %parallel_loop3A_560], %parallel_loop3A_563 {strides = array<i32>} : memref<2x4096xf32, #tpu.memory_space<vmem>>, vector<1x16xf32>,
      %parallel_loop3A_564 = arith.constant 1 : i32
      %parallel_loop3A_565 = arith.index_cast %parallel_loop3A_564 : i32 to index
      %parallel_loop3A_566 = arith.index_cast %parallel_loop3A_550 : i32 to index
      %parallel_loop3A_567 = tpu.vector_load %arg15[%parallel_loop3A_565, %parallel_loop3A_566] {strides = array<i32>} : memref<2x4096xf32, #tpu.memory_space<vmem>>, vector<1x16xf32>,
      %parallel_loop3A_568 = vector.shape_cast %parallel_loop3A_567 : vector<1x16xf32> to vector<16xf32>
      %parallel_loop3A_569 = vector.broadcast %parallel_loop3A_361 : f32 to vector<16xf32>
      %parallel_loop3A_570 = arith.mulf %parallel_loop3A_568, %parallel_loop3A_569 : vector<16xf32>
      %parallel_loop3A_571 = arith.constant 1 : i32
      %parallel_loop3A_572 = arith.index_cast %parallel_loop3A_571 : i32 to index
      %parallel_loop3A_573 = arith.index_cast %parallel_loop3A_550 : i32 to index
      %parallel_loop3A_574 = tpu.vector_load %arg15[%parallel_loop3A_572, %parallel_loop3A_573] {strides = array<i32>} : memref<2x4096xf32, #tpu.memory_space<vmem>>, vector<1x16xf32>,
      %parallel_loop3A_575 = vector.shape_cast %parallel_loop3A_574 : vector<1x16xf32> to vector<16xf32>
      %parallel_loop3A_576 = vector.shape_cast %parallel_loop3A_570 : vector<16xf32> to vector<1x16xf32>
      tpu.vector_store %arg15[%parallel_loop3A_572, %parallel_loop3A_573], %parallel_loop3A_576 {strides = array<i32>} : memref<2x4096xf32, #tpu.memory_space<vmem>>, vector<1x16xf32>,
    } {sc.loop_unroll_factor = 8 : i64, sc.parallel_access}
    %mul3A_362 = arith.constant 2 : i32
    %mul3A_363 = arith.muli %add3A, %mul3A_362 : i32
    %add3A_364 = arith.constant 1 : i32
    %add3A_365 = arith.addi %mul3A_363, %add3A_364 : i32
    %dma_start3A_366 = arith.constant 6 : i32
    %dma_start3A_367 = arith.constant 0 : i32
    %dma_start3A_368 = tpu.memref_slice %arg3[%add3A_365, %dma_start3A_366, %dma_start3A_367] : memref<64x16x4096xf32, #tpu.memory_space<hbm>> -> memref<1x2x4096xf32, #tpu.memory_space<hbm>>
    %dma_start3A_369 = tpu.memref_squeeze %dma_start3A_368 : memref<1x2x4096xf32, #tpu.memory_space<hbm>> -> memref<2x4096xf32, #tpu.memory_space<hbm>>
    %dma_start3A_370 = arith.constant 6 : i32
    %dma_start3A_371 = arith.constant 0 : i32
    %dma_start3A_372 = tpu.memref_slice %arg3[%add3A_365, %dma_start3A_370, %dma_start3A_371] : memref<64x16x4096xf32, #tpu.memory_space<hbm>> -> memref<1x2x4096xf32, #tpu.memory_space<hbm>>
    %dma_start3A_373 = tpu.memref_squeeze %dma_start3A_372 : memref<1x2x4096xf32, #tpu.memory_space<hbm>> -> memref<2x4096xf32, #tpu.memory_space<hbm>>
    tpu.enqueue_dma source(%arg15 : memref<2x4096xf32, #tpu.memory_space<vmem>>) target(%dma_start3A_373 : memref<2x4096xf32, #tpu.memory_space<hbm>>) target_semaphore(%arg39 : memref<!tpu.dma_semaphore, #tpu.memory_space<semaphore_mem>>)
    %dma_wait3A_374 = arith.constant 0 : i32
    %dma_wait3A_375 = tpu.memref_slice %arg2[%add3A_114, %dma_wait3A_374] : memref<1024x4096xf32, #tpu.memory_space<hbm>> -> memref<2x4096xf32, #tpu.memory_space<hbm>>
    %dma_wait3A_376 = arith.constant 0 : i32
    %dma_wait3A_377 = tpu.memref_slice %arg2[%add3A_114, %dma_wait3A_376] : memref<1024x4096xf32, #tpu.memory_space<hbm>> -> memref<2x4096xf32, #tpu.memory_space<hbm>>
    tpu.wait_dma2 semaphore(%arg16 : memref<!tpu.dma_semaphore, #tpu.memory_space<semaphore_mem>>) src(%dma_wait3A_377 : memref<2x4096xf32, #tpu.memory_space<hbm>>) dst(%arg4 : memref<2x4096xf32, #tpu.memory_space<vmem>>)
    %parallel_loop3A_378 = arith.constant 0 : i32
    %parallel_loop3A_379 = arith.constant 4096 : i32
    %parallel_loop3A_380 = arith.constant 16 : i32
    %parallel_loop3A_381 = arith.constant 8.000000e+00 : f32
    scf.for %parallel_loop3A_550 = %parallel_loop3A_378 to %parallel_loop3A_379 step %parallel_loop3A_380  : i32 {
      %parallel_loop3A_551 = arith.constant 0 : i32
      %parallel_loop3A_552 = arith.index_cast %parallel_loop3A_551 : i32 to index
      %parallel_loop3A_553 = arith.index_cast %parallel_loop3A_550 : i32 to index
      %parallel_loop3A_554 = tpu.vector_load %arg4[%parallel_loop3A_552, %parallel_loop3A_553] {strides = array<i32>} : memref<2x4096xf32, #tpu.memory_space<vmem>>, vector<1x16xf32>,
      %parallel_loop3A_555 = vector.shape_cast %parallel_loop3A_554 : vector<1x16xf32> to vector<16xf32>
      %parallel_loop3A_556 = vector.broadcast %parallel_loop3A_381 : f32 to vector<16xf32>
      %parallel_loop3A_557 = arith.mulf %parallel_loop3A_555, %parallel_loop3A_556 : vector<16xf32>
      %parallel_loop3A_558 = arith.constant 0 : i32
      %parallel_loop3A_559 = arith.index_cast %parallel_loop3A_558 : i32 to index
      %parallel_loop3A_560 = arith.index_cast %parallel_loop3A_550 : i32 to index
      %parallel_loop3A_561 = tpu.vector_load %arg4[%parallel_loop3A_559, %parallel_loop3A_560] {strides = array<i32>} : memref<2x4096xf32, #tpu.memory_space<vmem>>, vector<1x16xf32>,
      %parallel_loop3A_562 = vector.shape_cast %parallel_loop3A_561 : vector<1x16xf32> to vector<16xf32>
      %parallel_loop3A_563 = vector.shape_cast %parallel_loop3A_557 : vector<16xf32> to vector<1x16xf32>
      tpu.vector_store %arg4[%parallel_loop3A_559, %parallel_loop3A_560], %parallel_loop3A_563 {strides = array<i32>} : memref<2x4096xf32, #tpu.memory_space<vmem>>, vector<1x16xf32>,
      %parallel_loop3A_564 = arith.constant 1 : i32
      %parallel_loop3A_565 = arith.index_cast %parallel_loop3A_564 : i32 to index
      %parallel_loop3A_566 = arith.index_cast %parallel_loop3A_550 : i32 to index
      %parallel_loop3A_567 = tpu.vector_load %arg4[%parallel_loop3A_565, %parallel_loop3A_566] {strides = array<i32>} : memref<2x4096xf32, #tpu.memory_space<vmem>>, vector<1x16xf32>,
      %parallel_loop3A_568 = vector.shape_cast %parallel_loop3A_567 : vector<1x16xf32> to vector<16xf32>
      %parallel_loop3A_569 = vector.broadcast %parallel_loop3A_381 : f32 to vector<16xf32>
      %parallel_loop3A_570 = arith.mulf %parallel_loop3A_568, %parallel_loop3A_569 : vector<16xf32>
      %parallel_loop3A_571 = arith.constant 1 : i32
      %parallel_loop3A_572 = arith.index_cast %parallel_loop3A_571 : i32 to index
      %parallel_loop3A_573 = arith.index_cast %parallel_loop3A_550 : i32 to index
      %parallel_loop3A_574 = tpu.vector_load %arg4[%parallel_loop3A_572, %parallel_loop3A_573] {strides = array<i32>} : memref<2x4096xf32, #tpu.memory_space<vmem>>, vector<1x16xf32>,
      %parallel_loop3A_575 = vector.shape_cast %parallel_loop3A_574 : vector<1x16xf32> to vector<16xf32>
      %parallel_loop3A_576 = vector.shape_cast %parallel_loop3A_570 : vector<16xf32> to vector<1x16xf32>
      tpu.vector_store %arg4[%parallel_loop3A_572, %parallel_loop3A_573], %parallel_loop3A_576 {strides = array<i32>} : memref<2x4096xf32, #tpu.memory_space<vmem>>, vector<1x16xf32>,
    } {sc.loop_unroll_factor = 8 : i64, sc.parallel_access}
    %mul3A_382 = arith.constant 2 : i32
    %mul3A_383 = arith.muli %add3A, %mul3A_382 : i32
    %add3A_384 = arith.constant 1 : i32
    %add3A_385 = arith.addi %mul3A_383, %add3A_384 : i32
    %dma_start3A_386 = arith.constant 8 : i32
    %dma_start3A_387 = arith.constant 0 : i32
    %dma_start3A_388 = tpu.memref_slice %arg3[%add3A_385, %dma_start3A_386, %dma_start3A_387] : memref<64x16x4096xf32, #tpu.memory_space<hbm>> -> memref<1x2x4096xf32, #tpu.memory_space<hbm>>
    %dma_start3A_389 = tpu.memref_squeeze %dma_start3A_388 : memref<1x2x4096xf32, #tpu.memory_space<hbm>> -> memref<2x4096xf32, #tpu.memory_space<hbm>>
    %dma_start3A_390 = arith.constant 8 : i32
    %dma_start3A_391 = arith.constant 0 : i32
    %dma_start3A_392 = tpu.memref_slice %arg3[%add3A_385, %dma_start3A_390, %dma_start3A_391] : memref<64x16x4096xf32, #tpu.memory_space<hbm>> -> memref<1x2x4096xf32, #tpu.memory_space<hbm>>
    %dma_start3A_393 = tpu.memref_squeeze %dma_start3A_392 : memref<1x2x4096xf32, #tpu.memory_space<hbm>> -> memref<2x4096xf32, #tpu.memory_space<hbm>>
    tpu.enqueue_dma source(%arg4 : memref<2x4096xf32, #tpu.memory_space<vmem>>) target(%dma_start3A_393 : memref<2x4096xf32, #tpu.memory_space<hbm>>) target_semaphore(%arg28 : memref<!tpu.dma_semaphore, #tpu.memory_space<semaphore_mem>>)
    %dma_wait3A_394 = arith.constant 0 : i32
    %dma_wait3A_395 = tpu.memref_slice %arg2[%add3A_147, %dma_wait3A_394] : memref<1024x4096xf32, #tpu.memory_space<hbm>> -> memref<2x4096xf32, #tpu.memory_space<hbm>>
    %dma_wait3A_396 = arith.constant 0 : i32
    %dma_wait3A_397 = tpu.memref_slice %arg2[%add3A_147, %dma_wait3A_396] : memref<1024x4096xf32, #tpu.memory_space<hbm>> -> memref<2x4096xf32, #tpu.memory_space<hbm>>
    tpu.wait_dma2 semaphore(%arg17 : memref<!tpu.dma_semaphore, #tpu.memory_space<semaphore_mem>>) src(%dma_wait3A_397 : memref<2x4096xf32, #tpu.memory_space<hbm>>) dst(%arg5 : memref<2x4096xf32, #tpu.memory_space<vmem>>)
    %parallel_loop3A_398 = arith.constant 0 : i32
    %parallel_loop3A_399 = arith.constant 4096 : i32
    %parallel_loop3A_400 = arith.constant 16 : i32
    %parallel_loop3A_401 = arith.constant 8.000000e+00 : f32
    scf.for %parallel_loop3A_550 = %parallel_loop3A_398 to %parallel_loop3A_399 step %parallel_loop3A_400  : i32 {
      %parallel_loop3A_551 = arith.constant 0 : i32
      %parallel_loop3A_552 = arith.index_cast %parallel_loop3A_551 : i32 to index
      %parallel_loop3A_553 = arith.index_cast %parallel_loop3A_550 : i32 to index
      %parallel_loop3A_554 = tpu.vector_load %arg5[%parallel_loop3A_552, %parallel_loop3A_553] {strides = array<i32>} : memref<2x4096xf32, #tpu.memory_space<vmem>>, vector<1x16xf32>,
      %parallel_loop3A_555 = vector.shape_cast %parallel_loop3A_554 : vector<1x16xf32> to vector<16xf32>
      %parallel_loop3A_556 = vector.broadcast %parallel_loop3A_401 : f32 to vector<16xf32>
      %parallel_loop3A_557 = arith.mulf %parallel_loop3A_555, %parallel_loop3A_556 : vector<16xf32>
      %parallel_loop3A_558 = arith.constant 0 : i32
      %parallel_loop3A_559 = arith.index_cast %parallel_loop3A_558 : i32 to index
      %parallel_loop3A_560 = arith.index_cast %parallel_loop3A_550 : i32 to index
      %parallel_loop3A_561 = tpu.vector_load %arg5[%parallel_loop3A_559, %parallel_loop3A_560] {strides = array<i32>} : memref<2x4096xf32, #tpu.memory_space<vmem>>, vector<1x16xf32>,
      %parallel_loop3A_562 = vector.shape_cast %parallel_loop3A_561 : vector<1x16xf32> to vector<16xf32>
      %parallel_loop3A_563 = vector.shape_cast %parallel_loop3A_557 : vector<16xf32> to vector<1x16xf32>
      tpu.vector_store %arg5[%parallel_loop3A_559, %parallel_loop3A_560], %parallel_loop3A_563 {strides = array<i32>} : memref<2x4096xf32, #tpu.memory_space<vmem>>, vector<1x16xf32>,
      %parallel_loop3A_564 = arith.constant 1 : i32
      %parallel_loop3A_565 = arith.index_cast %parallel_loop3A_564 : i32 to index
      %parallel_loop3A_566 = arith.index_cast %parallel_loop3A_550 : i32 to index
      %parallel_loop3A_567 = tpu.vector_load %arg5[%parallel_loop3A_565, %parallel_loop3A_566] {strides = array<i32>} : memref<2x4096xf32, #tpu.memory_space<vmem>>, vector<1x16xf32>,
      %parallel_loop3A_568 = vector.shape_cast %parallel_loop3A_567 : vector<1x16xf32> to vector<16xf32>
      %parallel_loop3A_569 = vector.broadcast %parallel_loop3A_401 : f32 to vector<16xf32>
      %parallel_loop3A_570 = arith.mulf %parallel_loop3A_568, %parallel_loop3A_569 : vector<16xf32>
      %parallel_loop3A_571 = arith.constant 1 : i32
      %parallel_loop3A_572 = arith.index_cast %parallel_loop3A_571 : i32 to index
      %parallel_loop3A_573 = arith.index_cast %parallel_loop3A_550 : i32 to index
      %parallel_loop3A_574 = tpu.vector_load %arg5[%parallel_loop3A_572, %parallel_loop3A_573] {strides = array<i32>} : memref<2x4096xf32, #tpu.memory_space<vmem>>, vector<1x16xf32>,
      %parallel_loop3A_575 = vector.shape_cast %parallel_loop3A_574 : vector<1x16xf32> to vector<16xf32>
      %parallel_loop3A_576 = vector.shape_cast %parallel_loop3A_570 : vector<16xf32> to vector<1x16xf32>
      tpu.vector_store %arg5[%parallel_loop3A_572, %parallel_loop3A_573], %parallel_loop3A_576 {strides = array<i32>} : memref<2x4096xf32, #tpu.memory_space<vmem>>, vector<1x16xf32>,
    } {sc.loop_unroll_factor = 8 : i64, sc.parallel_access}
    %mul3A_402 = arith.constant 2 : i32
    %mul3A_403 = arith.muli %add3A, %mul3A_402 : i32
    %add3A_404 = arith.constant 1 : i32
    %add3A_405 = arith.addi %mul3A_403, %add3A_404 : i32
    %dma_start3A_406 = arith.constant 10 : i32
    %dma_start3A_407 = arith.constant 0 : i32
    %dma_start3A_408 = tpu.memref_slice %arg3[%add3A_405, %dma_start3A_406, %dma_start3A_407] : memref<64x16x4096xf32, #tpu.memory_space<hbm>> -> memref<1x2x4096xf32, #tpu.memory_space<hbm>>
    %dma_start3A_409 = tpu.memref_squeeze %dma_start3A_408 : memref<1x2x4096xf32, #tpu.memory_space<hbm>> -> memref<2x4096xf32, #tpu.memory_space<hbm>>
    %dma_start3A_410 = arith.constant 10 : i32
    %dma_start3A_411 = arith.constant 0 : i32
    %dma_start3A_412 = tpu.memref_slice %arg3[%add3A_405, %dma_start3A_410, %dma_start3A_411] : memref<64x16x4096xf32, #tpu.memory_space<hbm>> -> memref<1x2x4096xf32, #tpu.memory_space<hbm>>
    %dma_start3A_413 = tpu.memref_squeeze %dma_start3A_412 : memref<1x2x4096xf32, #tpu.memory_space<hbm>> -> memref<2x4096xf32, #tpu.memory_space<hbm>>
    tpu.enqueue_dma source(%arg5 : memref<2x4096xf32, #tpu.memory_space<vmem>>) target(%dma_start3A_413 : memref<2x4096xf32, #tpu.memory_space<hbm>>) target_semaphore(%arg29 : memref<!tpu.dma_semaphore, #tpu.memory_space<semaphore_mem>>)
    %dma_wait3A_414 = arith.constant 0 : i32
    %dma_wait3A_415 = tpu.memref_slice %arg2[%add3A_180, %dma_wait3A_414] : memref<1024x4096xf32, #tpu.memory_space<hbm>> -> memref<2x4096xf32, #tpu.memory_space<hbm>>
    %dma_wait3A_416 = arith.constant 0 : i32
    %dma_wait3A_417 = tpu.memref_slice %arg2[%add3A_180, %dma_wait3A_416] : memref<1024x4096xf32, #tpu.memory_space<hbm>> -> memref<2x4096xf32, #tpu.memory_space<hbm>>
    tpu.wait_dma2 semaphore(%arg18 : memref<!tpu.dma_semaphore, #tpu.memory_space<semaphore_mem>>) src(%dma_wait3A_417 : memref<2x4096xf32, #tpu.memory_space<hbm>>) dst(%arg6 : memref<2x4096xf32, #tpu.memory_space<vmem>>)
    %parallel_loop3A_418 = arith.constant 0 : i32
    %parallel_loop3A_419 = arith.constant 4096 : i32
    %parallel_loop3A_420 = arith.constant 16 : i32
    %parallel_loop3A_421 = arith.constant 8.000000e+00 : f32
    scf.for %parallel_loop3A_550 = %parallel_loop3A_418 to %parallel_loop3A_419 step %parallel_loop3A_420  : i32 {
      %parallel_loop3A_551 = arith.constant 0 : i32
      %parallel_loop3A_552 = arith.index_cast %parallel_loop3A_551 : i32 to index
      %parallel_loop3A_553 = arith.index_cast %parallel_loop3A_550 : i32 to index
      %parallel_loop3A_554 = tpu.vector_load %arg6[%parallel_loop3A_552, %parallel_loop3A_553] {strides = array<i32>} : memref<2x4096xf32, #tpu.memory_space<vmem>>, vector<1x16xf32>,
      %parallel_loop3A_555 = vector.shape_cast %parallel_loop3A_554 : vector<1x16xf32> to vector<16xf32>
      %parallel_loop3A_556 = vector.broadcast %parallel_loop3A_421 : f32 to vector<16xf32>
      %parallel_loop3A_557 = arith.mulf %parallel_loop3A_555, %parallel_loop3A_556 : vector<16xf32>
      %parallel_loop3A_558 = arith.constant 0 : i32
      %parallel_loop3A_559 = arith.index_cast %parallel_loop3A_558 : i32 to index
      %parallel_loop3A_560 = arith.index_cast %parallel_loop3A_550 : i32 to index
      %parallel_loop3A_561 = tpu.vector_load %arg6[%parallel_loop3A_559, %parallel_loop3A_560] {strides = array<i32>} : memref<2x4096xf32, #tpu.memory_space<vmem>>, vector<1x16xf32>,
      %parallel_loop3A_562 = vector.shape_cast %parallel_loop3A_561 : vector<1x16xf32> to vector<16xf32>
      %parallel_loop3A_563 = vector.shape_cast %parallel_loop3A_557 : vector<16xf32> to vector<1x16xf32>
      tpu.vector_store %arg6[%parallel_loop3A_559, %parallel_loop3A_560], %parallel_loop3A_563 {strides = array<i32>} : memref<2x4096xf32, #tpu.memory_space<vmem>>, vector<1x16xf32>,
      %parallel_loop3A_564 = arith.constant 1 : i32
      %parallel_loop3A_565 = arith.index_cast %parallel_loop3A_564 : i32 to index
      %parallel_loop3A_566 = arith.index_cast %parallel_loop3A_550 : i32 to index
      %parallel_loop3A_567 = tpu.vector_load %arg6[%parallel_loop3A_565, %parallel_loop3A_566] {strides = array<i32>} : memref<2x4096xf32, #tpu.memory_space<vmem>>, vector<1x16xf32>,
      %parallel_loop3A_568 = vector.shape_cast %parallel_loop3A_567 : vector<1x16xf32> to vector<16xf32>
      %parallel_loop3A_569 = vector.broadcast %parallel_loop3A_421 : f32 to vector<16xf32>
      %parallel_loop3A_570 = arith.mulf %parallel_loop3A_568, %parallel_loop3A_569 : vector<16xf32>
      %parallel_loop3A_571 = arith.constant 1 : i32
      %parallel_loop3A_572 = arith.index_cast %parallel_loop3A_571 : i32 to index
      %parallel_loop3A_573 = arith.index_cast %parallel_loop3A_550 : i32 to index
      %parallel_loop3A_574 = tpu.vector_load %arg6[%parallel_loop3A_572, %parallel_loop3A_573] {strides = array<i32>} : memref<2x4096xf32, #tpu.memory_space<vmem>>, vector<1x16xf32>,
      %parallel_loop3A_575 = vector.shape_cast %parallel_loop3A_574 : vector<1x16xf32> to vector<16xf32>
      %parallel_loop3A_576 = vector.shape_cast %parallel_loop3A_570 : vector<16xf32> to vector<1x16xf32>
      tpu.vector_store %arg6[%parallel_loop3A_572, %parallel_loop3A_573], %parallel_loop3A_576 {strides = array<i32>} : memref<2x4096xf32, #tpu.memory_space<vmem>>, vector<1x16xf32>,
    } {sc.loop_unroll_factor = 8 : i64, sc.parallel_access}
    %mul3A_422 = arith.constant 2 : i32
    %mul3A_423 = arith.muli %add3A, %mul3A_422 : i32
    %add3A_424 = arith.constant 1 : i32
    %add3A_425 = arith.addi %mul3A_423, %add3A_424 : i32
    %dma_start3A_426 = arith.constant 12 : i32
    %dma_start3A_427 = arith.constant 0 : i32
    %dma_start3A_428 = tpu.memref_slice %arg3[%add3A_425, %dma_start3A_426, %dma_start3A_427] : memref<64x16x4096xf32, #tpu.memory_space<hbm>> -> memref<1x2x4096xf32, #tpu.memory_space<hbm>>
    %dma_start3A_429 = tpu.memref_squeeze %dma_start3A_428 : memref<1x2x4096xf32, #tpu.memory_space<hbm>> -> memref<2x4096xf32, #tpu.memory_space<hbm>>
    %dma_start3A_430 = arith.constant 12 : i32
    %dma_start3A_431 = arith.constant 0 : i32
    %dma_start3A_432 = tpu.memref_slice %arg3[%add3A_425, %dma_start3A_430, %dma_start3A_431] : memref<64x16x4096xf32, #tpu.memory_space<hbm>> -> memref<1x2x4096xf32, #tpu.memory_space<hbm>>
    %dma_start3A_433 = tpu.memref_squeeze %dma_start3A_432 : memref<1x2x4096xf32, #tpu.memory_space<hbm>> -> memref<2x4096xf32, #tpu.memory_space<hbm>>
    tpu.enqueue_dma source(%arg6 : memref<2x4096xf32, #tpu.memory_space<vmem>>) target(%dma_start3A_433 : memref<2x4096xf32, #tpu.memory_space<hbm>>) target_semaphore(%arg30 : memref<!tpu.dma_semaphore, #tpu.memory_space<semaphore_mem>>)
    %dma_wait3A_434 = arith.constant 0 : i32
    %dma_wait3A_435 = tpu.memref_slice %arg2[%add3A_213, %dma_wait3A_434] : memref<1024x4096xf32, #tpu.memory_space<hbm>> -> memref<2x4096xf32, #tpu.memory_space<hbm>>
    %dma_wait3A_436 = arith.constant 0 : i32
    %dma_wait3A_437 = tpu.memref_slice %arg2[%add3A_213, %dma_wait3A_436] : memref<1024x4096xf32, #tpu.memory_space<hbm>> -> memref<2x4096xf32, #tpu.memory_space<hbm>>
    tpu.wait_dma2 semaphore(%arg19 : memref<!tpu.dma_semaphore, #tpu.memory_space<semaphore_mem>>) src(%dma_wait3A_437 : memref<2x4096xf32, #tpu.memory_space<hbm>>) dst(%arg7 : memref<2x4096xf32, #tpu.memory_space<vmem>>)
    %parallel_loop3A_438 = arith.constant 0 : i32
    %parallel_loop3A_439 = arith.constant 4096 : i32
    %parallel_loop3A_440 = arith.constant 16 : i32
    %parallel_loop3A_441 = arith.constant 8.000000e+00 : f32
    scf.for %parallel_loop3A_550 = %parallel_loop3A_438 to %parallel_loop3A_439 step %parallel_loop3A_440  : i32 {
      %parallel_loop3A_551 = arith.constant 0 : i32
      %parallel_loop3A_552 = arith.index_cast %parallel_loop3A_551 : i32 to index
      %parallel_loop3A_553 = arith.index_cast %parallel_loop3A_550 : i32 to index
      %parallel_loop3A_554 = tpu.vector_load %arg7[%parallel_loop3A_552, %parallel_loop3A_553] {strides = array<i32>} : memref<2x4096xf32, #tpu.memory_space<vmem>>, vector<1x16xf32>,
      %parallel_loop3A_555 = vector.shape_cast %parallel_loop3A_554 : vector<1x16xf32> to vector<16xf32>
      %parallel_loop3A_556 = vector.broadcast %parallel_loop3A_441 : f32 to vector<16xf32>
      %parallel_loop3A_557 = arith.mulf %parallel_loop3A_555, %parallel_loop3A_556 : vector<16xf32>
      %parallel_loop3A_558 = arith.constant 0 : i32
      %parallel_loop3A_559 = arith.index_cast %parallel_loop3A_558 : i32 to index
      %parallel_loop3A_560 = arith.index_cast %parallel_loop3A_550 : i32 to index
      %parallel_loop3A_561 = tpu.vector_load %arg7[%parallel_loop3A_559, %parallel_loop3A_560] {strides = array<i32>} : memref<2x4096xf32, #tpu.memory_space<vmem>>, vector<1x16xf32>,
      %parallel_loop3A_562 = vector.shape_cast %parallel_loop3A_561 : vector<1x16xf32> to vector<16xf32>
      %parallel_loop3A_563 = vector.shape_cast %parallel_loop3A_557 : vector<16xf32> to vector<1x16xf32>
      tpu.vector_store %arg7[%parallel_loop3A_559, %parallel_loop3A_560], %parallel_loop3A_563 {strides = array<i32>} : memref<2x4096xf32, #tpu.memory_space<vmem>>, vector<1x16xf32>,
      %parallel_loop3A_564 = arith.constant 1 : i32
      %parallel_loop3A_565 = arith.index_cast %parallel_loop3A_564 : i32 to index
      %parallel_loop3A_566 = arith.index_cast %parallel_loop3A_550 : i32 to index
      %parallel_loop3A_567 = tpu.vector_load %arg7[%parallel_loop3A_565, %parallel_loop3A_566] {strides = array<i32>} : memref<2x4096xf32, #tpu.memory_space<vmem>>, vector<1x16xf32>,
      %parallel_loop3A_568 = vector.shape_cast %parallel_loop3A_567 : vector<1x16xf32> to vector<16xf32>
      %parallel_loop3A_569 = vector.broadcast %parallel_loop3A_441 : f32 to vector<16xf32>
      %parallel_loop3A_570 = arith.mulf %parallel_loop3A_568, %parallel_loop3A_569 : vector<16xf32>
      %parallel_loop3A_571 = arith.constant 1 : i32
      %parallel_loop3A_572 = arith.index_cast %parallel_loop3A_571 : i32 to index
      %parallel_loop3A_573 = arith.index_cast %parallel_loop3A_550 : i32 to index
      %parallel_loop3A_574 = tpu.vector_load %arg7[%parallel_loop3A_572, %parallel_loop3A_573] {strides = array<i32>} : memref<2x4096xf32, #tpu.memory_space<vmem>>, vector<1x16xf32>,
      %parallel_loop3A_575 = vector.shape_cast %parallel_loop3A_574 : vector<1x16xf32> to vector<16xf32>
      %parallel_loop3A_576 = vector.shape_cast %parallel_loop3A_570 : vector<16xf32> to vector<1x16xf32>
      tpu.vector_store %arg7[%parallel_loop3A_572, %parallel_loop3A_573], %parallel_loop3A_576 {strides = array<i32>} : memref<2x4096xf32, #tpu.memory_space<vmem>>, vector<1x16xf32>,
    } {sc.loop_unroll_factor = 8 : i64, sc.parallel_access}
    %mul3A_442 = arith.constant 2 : i32
    %mul3A_443 = arith.muli %add3A, %mul3A_442 : i32
    %add3A_444 = arith.constant 1 : i32
    %add3A_445 = arith.addi %mul3A_443, %add3A_444 : i32
    %dma_start3A_446 = arith.constant 14 : i32
    %dma_start3A_447 = arith.constant 0 : i32
    %dma_start3A_448 = tpu.memref_slice %arg3[%add3A_445, %dma_start3A_446, %dma_start3A_447] : memref<64x16x4096xf32, #tpu.memory_space<hbm>> -> memref<1x2x4096xf32, #tpu.memory_space<hbm>>
    %dma_start3A_449 = tpu.memref_squeeze %dma_start3A_448 : memref<1x2x4096xf32, #tpu.memory_space<hbm>> -> memref<2x4096xf32, #tpu.memory_space<hbm>>
    %dma_start3A_450 = arith.constant 14 : i32
    %dma_start3A_451 = arith.constant 0 : i32
    %dma_start3A_452 = tpu.memref_slice %arg3[%add3A_445, %dma_start3A_450, %dma_start3A_451] : memref<64x16x4096xf32, #tpu.memory_space<hbm>> -> memref<1x2x4096xf32, #tpu.memory_space<hbm>>
    %dma_start3A_453 = tpu.memref_squeeze %dma_start3A_452 : memref<1x2x4096xf32, #tpu.memory_space<hbm>> -> memref<2x4096xf32, #tpu.memory_space<hbm>>
    tpu.enqueue_dma source(%arg7 : memref<2x4096xf32, #tpu.memory_space<vmem>>) target(%dma_start3A_453 : memref<2x4096xf32, #tpu.memory_space<hbm>>) target_semaphore(%arg31 : memref<!tpu.dma_semaphore, #tpu.memory_space<semaphore_mem>>)
    %dma_wait3A_454 = arith.constant 8 : i32
    %dma_wait3A_455 = arith.constant 0 : i32
    %dma_wait3A_456 = tpu.memref_slice %arg3[%add3A_228, %dma_wait3A_454, %dma_wait3A_455] : memref<64x16x4096xf32, #tpu.memory_space<hbm>> -> memref<1x2x4096xf32, #tpu.memory_space<hbm>>
    %dma_wait3A_457 = tpu.memref_squeeze %dma_wait3A_456 : memref<1x2x4096xf32, #tpu.memory_space<hbm>> -> memref<2x4096xf32, #tpu.memory_space<hbm>>
    %dma_wait3A_458 = arith.constant 8 : i32
    %dma_wait3A_459 = arith.constant 0 : i32
    %dma_wait3A_460 = tpu.memref_slice %arg3[%add3A_228, %dma_wait3A_458, %dma_wait3A_459] : memref<64x16x4096xf32, #tpu.memory_space<hbm>> -> memref<1x2x4096xf32, #tpu.memory_space<hbm>>
    %dma_wait3A_461 = tpu.memref_squeeze %dma_wait3A_460 : memref<1x2x4096xf32, #tpu.memory_space<hbm>> -> memref<2x4096xf32, #tpu.memory_space<hbm>>
    tpu.wait_dma2 semaphore(%arg32 : memref<!tpu.dma_semaphore, #tpu.memory_space<semaphore_mem>>) src(%arg8 : memref<2x4096xf32, #tpu.memory_space<vmem>>) dst(%dma_wait3A_461 : memref<2x4096xf32, #tpu.memory_space<hbm>>)
    %dma_wait3A_462 = arith.constant 10 : i32
    %dma_wait3A_463 = arith.constant 0 : i32
    %dma_wait3A_464 = tpu.memref_slice %arg3[%add3A_247, %dma_wait3A_462, %dma_wait3A_463] : memref<64x16x4096xf32, #tpu.memory_space<hbm>> -> memref<1x2x4096xf32, #tpu.memory_space<hbm>>
    %dma_wait3A_465 = tpu.memref_squeeze %dma_wait3A_464 : memref<1x2x4096xf32, #tpu.memory_space<hbm>> -> memref<2x4096xf32, #tpu.memory_space<hbm>>
    %dma_wait3A_466 = arith.constant 10 : i32
    %dma_wait3A_467 = arith.constant 0 : i32
    %dma_wait3A_468 = tpu.memref_slice %arg3[%add3A_247, %dma_wait3A_466, %dma_wait3A_467] : memref<64x16x4096xf32, #tpu.memory_space<hbm>> -> memref<1x2x4096xf32, #tpu.memory_space<hbm>>
    %dma_wait3A_469 = tpu.memref_squeeze %dma_wait3A_468 : memref<1x2x4096xf32, #tpu.memory_space<hbm>> -> memref<2x4096xf32, #tpu.memory_space<hbm>>
    tpu.wait_dma2 semaphore(%arg33 : memref<!tpu.dma_semaphore, #tpu.memory_space<semaphore_mem>>) src(%arg9 : memref<2x4096xf32, #tpu.memory_space<vmem>>) dst(%dma_wait3A_469 : memref<2x4096xf32, #tpu.memory_space<hbm>>)
    %dma_wait3A_470 = arith.constant 12 : i32
    %dma_wait3A_471 = arith.constant 0 : i32
    %dma_wait3A_472 = tpu.memref_slice %arg3[%add3A_266, %dma_wait3A_470, %dma_wait3A_471] : memref<64x16x4096xf32, #tpu.memory_space<hbm>> -> memref<1x2x4096xf32, #tpu.memory_space<hbm>>
    %dma_wait3A_473 = tpu.memref_squeeze %dma_wait3A_472 : memref<1x2x4096xf32, #tpu.memory_space<hbm>> -> memref<2x4096xf32, #tpu.memory_space<hbm>>
    %dma_wait3A_474 = arith.constant 12 : i32
    %dma_wait3A_475 = arith.constant 0 : i32
    %dma_wait3A_476 = tpu.memref_slice %arg3[%add3A_266, %dma_wait3A_474, %dma_wait3A_475] : memref<64x16x4096xf32, #tpu.memory_space<hbm>> -> memref<1x2x4096xf32, #tpu.memory_space<hbm>>
    %dma_wait3A_477 = tpu.memref_squeeze %dma_wait3A_476 : memref<1x2x4096xf32, #tpu.memory_space<hbm>> -> memref<2x4096xf32, #tpu.memory_space<hbm>>
    tpu.wait_dma2 semaphore(%arg34 : memref<!tpu.dma_semaphore, #tpu.memory_space<semaphore_mem>>) src(%arg10 : memref<2x4096xf32, #tpu.memory_space<vmem>>) dst(%dma_wait3A_477 : memref<2x4096xf32, #tpu.memory_space<hbm>>)
    %dma_wait3A_478 = arith.constant 14 : i32
    %dma_wait3A_479 = arith.constant 0 : i32
    %dma_wait3A_480 = tpu.memref_slice %arg3[%add3A_285, %dma_wait3A_478, %dma_wait3A_479] : memref<64x16x4096xf32, #tpu.memory_space<hbm>> -> memref<1x2x4096xf32, #tpu.memory_space<hbm>>
    %dma_wait3A_481 = tpu.memref_squeeze %dma_wait3A_480 : memref<1x2x4096xf32, #tpu.memory_space<hbm>> -> memref<2x4096xf32, #tpu.memory_space<hbm>>
    %dma_wait3A_482 = arith.constant 14 : i32
    %dma_wait3A_483 = arith.constant 0 : i32
    %dma_wait3A_484 = tpu.memref_slice %arg3[%add3A_285, %dma_wait3A_482, %dma_wait3A_483] : memref<64x16x4096xf32, #tpu.memory_space<hbm>> -> memref<1x2x4096xf32, #tpu.memory_space<hbm>>
    %dma_wait3A_485 = tpu.memref_squeeze %dma_wait3A_484 : memref<1x2x4096xf32, #tpu.memory_space<hbm>> -> memref<2x4096xf32, #tpu.memory_space<hbm>>
    tpu.wait_dma2 semaphore(%arg35 : memref<!tpu.dma_semaphore, #tpu.memory_space<semaphore_mem>>) src(%arg11 : memref<2x4096xf32, #tpu.memory_space<vmem>>) dst(%dma_wait3A_485 : memref<2x4096xf32, #tpu.memory_space<hbm>>)
    %dma_wait3A_486 = arith.constant 0 : i32
    %dma_wait3A_487 = arith.constant 0 : i32
    %dma_wait3A_488 = tpu.memref_slice %arg3[%add3A_305, %dma_wait3A_486, %dma_wait3A_487] : memref<64x16x4096xf32, #tpu.memory_space<hbm>> -> memref<1x2x4096xf32, #tpu.memory_space<hbm>>
    %dma_wait3A_489 = tpu.memref_squeeze %dma_wait3A_488 : memref<1x2x4096xf32, #tpu.memory_space<hbm>> -> memref<2x4096xf32, #tpu.memory_space<hbm>>
    %dma_wait3A_490 = arith.constant 0 : i32
    %dma_wait3A_491 = arith.constant 0 : i32
    %dma_wait3A_492 = tpu.memref_slice %arg3[%add3A_305, %dma_wait3A_490, %dma_wait3A_491] : memref<64x16x4096xf32, #tpu.memory_space<hbm>> -> memref<1x2x4096xf32, #tpu.memory_space<hbm>>
    %dma_wait3A_493 = tpu.memref_squeeze %dma_wait3A_492 : memref<1x2x4096xf32, #tpu.memory_space<hbm>> -> memref<2x4096xf32, #tpu.memory_space<hbm>>
    tpu.wait_dma2 semaphore(%arg36 : memref<!tpu.dma_semaphore, #tpu.memory_space<semaphore_mem>>) src(%arg12 : memref<2x4096xf32, #tpu.memory_space<vmem>>) dst(%dma_wait3A_493 : memref<2x4096xf32, #tpu.memory_space<hbm>>)
    %dma_wait3A_494 = arith.constant 2 : i32
    %dma_wait3A_495 = arith.constant 0 : i32
    %dma_wait3A_496 = tpu.memref_slice %arg3[%add3A_325, %dma_wait3A_494, %dma_wait3A_495] : memref<64x16x4096xf32, #tpu.memory_space<hbm>> -> memref<1x2x4096xf32, #tpu.memory_space<hbm>>
    %dma_wait3A_497 = tpu.memref_squeeze %dma_wait3A_496 : memref<1x2x4096xf32, #tpu.memory_space<hbm>> -> memref<2x4096xf32, #tpu.memory_space<hbm>>
    %dma_wait3A_498 = arith.constant 2 : i32
    %dma_wait3A_499 = arith.constant 0 : i32
    %dma_wait3A_500 = tpu.memref_slice %arg3[%add3A_325, %dma_wait3A_498, %dma_wait3A_499] : memref<64x16x4096xf32, #tpu.memory_space<hbm>> -> memref<1x2x4096xf32, #tpu.memory_space<hbm>>
    %dma_wait3A_501 = tpu.memref_squeeze %dma_wait3A_500 : memref<1x2x4096xf32, #tpu.memory_space<hbm>> -> memref<2x4096xf32, #tpu.memory_space<hbm>>
    tpu.wait_dma2 semaphore(%arg37 : memref<!tpu.dma_semaphore, #tpu.memory_space<semaphore_mem>>) src(%arg13 : memref<2x4096xf32, #tpu.memory_space<vmem>>) dst(%dma_wait3A_501 : memref<2x4096xf32, #tpu.memory_space<hbm>>)
    %dma_wait3A_502 = arith.constant 4 : i32
    %dma_wait3A_503 = arith.constant 0 : i32
    %dma_wait3A_504 = tpu.memref_slice %arg3[%add3A_345, %dma_wait3A_502, %dma_wait3A_503] : memref<64x16x4096xf32, #tpu.memory_space<hbm>> -> memref<1x2x4096xf32, #tpu.memory_space<hbm>>
    %dma_wait3A_505 = tpu.memref_squeeze %dma_wait3A_504 : memref<1x2x4096xf32, #tpu.memory_space<hbm>> -> memref<2x4096xf32, #tpu.memory_space<hbm>>
    %dma_wait3A_506 = arith.constant 4 : i32
    %dma_wait3A_507 = arith.constant 0 : i32
    %dma_wait3A_508 = tpu.memref_slice %arg3[%add3A_345, %dma_wait3A_506, %dma_wait3A_507] : memref<64x16x4096xf32, #tpu.memory_space<hbm>> -> memref<1x2x4096xf32, #tpu.memory_space<hbm>>
    %dma_wait3A_509 = tpu.memref_squeeze %dma_wait3A_508 : memref<1x2x4096xf32, #tpu.memory_space<hbm>> -> memref<2x4096xf32, #tpu.memory_space<hbm>>
    tpu.wait_dma2 semaphore(%arg38 : memref<!tpu.dma_semaphore, #tpu.memory_space<semaphore_mem>>) src(%arg14 : memref<2x4096xf32, #tpu.memory_space<vmem>>) dst(%dma_wait3A_509 : memref<2x4096xf32, #tpu.memory_space<hbm>>)
    %dma_wait3A_510 = arith.constant 6 : i32
    %dma_wait3A_511 = arith.constant 0 : i32
    %dma_wait3A_512 = tpu.memref_slice %arg3[%add3A_365, %dma_wait3A_510, %dma_wait3A_511] : memref<64x16x4096xf32, #tpu.memory_space<hbm>> -> memref<1x2x4096xf32, #tpu.memory_space<hbm>>
    %dma_wait3A_513 = tpu.memref_squeeze %dma_wait3A_512 : memref<1x2x4096xf32, #tpu.memory_space<hbm>> -> memref<2x4096xf32, #tpu.memory_space<hbm>>
    %dma_wait3A_514 = arith.constant 6 : i32
    %dma_wait3A_515 = arith.constant 0 : i32
    %dma_wait3A_516 = tpu.memref_slice %arg3[%add3A_365, %dma_wait3A_514, %dma_wait3A_515] : memref<64x16x4096xf32, #tpu.memory_space<hbm>> -> memref<1x2x4096xf32, #tpu.memory_space<hbm>>
    %dma_wait3A_517 = tpu.memref_squeeze %dma_wait3A_516 : memref<1x2x4096xf32, #tpu.memory_space<hbm>> -> memref<2x4096xf32, #tpu.memory_space<hbm>>
    tpu.wait_dma2 semaphore(%arg39 : memref<!tpu.dma_semaphore, #tpu.memory_space<semaphore_mem>>) src(%arg15 : memref<2x4096xf32, #tpu.memory_space<vmem>>) dst(%dma_wait3A_517 : memref<2x4096xf32, #tpu.memory_space<hbm>>)
    %dma_wait3A_518 = arith.constant 8 : i32
    %dma_wait3A_519 = arith.constant 0 : i32
    %dma_wait3A_520 = tpu.memref_slice %arg3[%add3A_385, %dma_wait3A_518, %dma_wait3A_519] : memref<64x16x4096xf32, #tpu.memory_space<hbm>> -> memref<1x2x4096xf32, #tpu.memory_space<hbm>>
    %dma_wait3A_521 = tpu.memref_squeeze %dma_wait3A_520 : memref<1x2x4096xf32, #tpu.memory_space<hbm>> -> memref<2x4096xf32, #tpu.memory_space<hbm>>
    %dma_wait3A_522 = arith.constant 8 : i32
    %dma_wait3A_523 = arith.constant 0 : i32
    %dma_wait3A_524 = tpu.memref_slice %arg3[%add3A_385, %dma_wait3A_522, %dma_wait3A_523] : memref<64x16x4096xf32, #tpu.memory_space<hbm>> -> memref<1x2x4096xf32, #tpu.memory_space<hbm>>
    %dma_wait3A_525 = tpu.memref_squeeze %dma_wait3A_524 : memref<1x2x4096xf32, #tpu.memory_space<hbm>> -> memref<2x4096xf32, #tpu.memory_space<hbm>>
    tpu.wait_dma2 semaphore(%arg28 : memref<!tpu.dma_semaphore, #tpu.memory_space<semaphore_mem>>) src(%arg4 : memref<2x4096xf32, #tpu.memory_space<vmem>>) dst(%dma_wait3A_525 : memref<2x4096xf32, #tpu.memory_space<hbm>>)
    %dma_wait3A_526 = arith.constant 10 : i32
    %dma_wait3A_527 = arith.constant 0 : i32
    %dma_wait3A_528 = tpu.memref_slice %arg3[%add3A_405, %dma_wait3A_526, %dma_wait3A_527] : memref<64x16x4096xf32, #tpu.memory_space<hbm>> -> memref<1x2x4096xf32, #tpu.memory_space<hbm>>
    %dma_wait3A_529 = tpu.memref_squeeze %dma_wait3A_528 : memref<1x2x4096xf32, #tpu.memory_space<hbm>> -> memref<2x4096xf32, #tpu.memory_space<hbm>>
    %dma_wait3A_530 = arith.constant 10 : i32
    %dma_wait3A_531 = arith.constant 0 : i32
    %dma_wait3A_532 = tpu.memref_slice %arg3[%add3A_405, %dma_wait3A_530, %dma_wait3A_531] : memref<64x16x4096xf32, #tpu.memory_space<hbm>> -> memref<1x2x4096xf32, #tpu.memory_space<hbm>>
    %dma_wait3A_533 = tpu.memref_squeeze %dma_wait3A_532 : memref<1x2x4096xf32, #tpu.memory_space<hbm>> -> memref<2x4096xf32, #tpu.memory_space<hbm>>
    tpu.wait_dma2 semaphore(%arg29 : memref<!tpu.dma_semaphore, #tpu.memory_space<semaphore_mem>>) src(%arg5 : memref<2x4096xf32, #tpu.memory_space<vmem>>) dst(%dma_wait3A_533 : memref<2x4096xf32, #tpu.memory_space<hbm>>)
    %dma_wait3A_534 = arith.constant 12 : i32
    %dma_wait3A_535 = arith.constant 0 : i32
    %dma_wait3A_536 = tpu.memref_slice %arg3[%add3A_425, %dma_wait3A_534, %dma_wait3A_535] : memref<64x16x4096xf32, #tpu.memory_space<hbm>> -> memref<1x2x4096xf32, #tpu.memory_space<hbm>>
    %dma_wait3A_537 = tpu.memref_squeeze %dma_wait3A_536 : memref<1x2x4096xf32, #tpu.memory_space<hbm>> -> memref<2x4096xf32, #tpu.memory_space<hbm>>
    %dma_wait3A_538 = arith.constant 12 : i32
    %dma_wait3A_539 = arith.constant 0 : i32
    %dma_wait3A_540 = tpu.memref_slice %arg3[%add3A_425, %dma_wait3A_538, %dma_wait3A_539] : memref<64x16x4096xf32, #tpu.memory_space<hbm>> -> memref<1x2x4096xf32, #tpu.memory_space<hbm>>
    %dma_wait3A_541 = tpu.memref_squeeze %dma_wait3A_540 : memref<1x2x4096xf32, #tpu.memory_space<hbm>> -> memref<2x4096xf32, #tpu.memory_space<hbm>>
    tpu.wait_dma2 semaphore(%arg30 : memref<!tpu.dma_semaphore, #tpu.memory_space<semaphore_mem>>) src(%arg6 : memref<2x4096xf32, #tpu.memory_space<vmem>>) dst(%dma_wait3A_541 : memref<2x4096xf32, #tpu.memory_space<hbm>>)
    %dma_wait3A_542 = arith.constant 14 : i32
    %dma_wait3A_543 = arith.constant 0 : i32
    %dma_wait3A_544 = tpu.memref_slice %arg3[%add3A_445, %dma_wait3A_542, %dma_wait3A_543] : memref<64x16x4096xf32, #tpu.memory_space<hbm>> -> memref<1x2x4096xf32, #tpu.memory_space<hbm>>
    %dma_wait3A_545 = tpu.memref_squeeze %dma_wait3A_544 : memref<1x2x4096xf32, #tpu.memory_space<hbm>> -> memref<2x4096xf32, #tpu.memory_space<hbm>>
    %dma_wait3A_546 = arith.constant 14 : i32
    %dma_wait3A_547 = arith.constant 0 : i32
    %dma_wait3A_548 = tpu.memref_slice %arg3[%add3A_445, %dma_wait3A_546, %dma_wait3A_547] : memref<64x16x4096xf32, #tpu.memory_space<hbm>> -> memref<1x2x4096xf32, #tpu.memory_space<hbm>>
    %dma_wait3A_549 = tpu.memref_squeeze %dma_wait3A_548 : memref<1x2x4096xf32, #tpu.memory_space<hbm>> -> memref<2x4096xf32, #tpu.memory_space<hbm>>
    tpu.wait_dma2 semaphore(%arg31 : memref<!tpu.dma_semaphore, #tpu.memory_space<semaphore_mem>>) src(%arg7 : memref<2x4096xf32, #tpu.memory_space<vmem>>) dst(%dma_wait3A_549 : memref<2x4096xf32, #tpu.memory_space<hbm>>)
    return
  }
}

</mosaic_0001>

<sc_bundles>
// kernel: kernel.3.cloned.1.call-start
scs
__scs_entry_jumppad:
0x0: {  	(pc) =	sbr.rel $0x88, $3  }
0x1: {  	(tag) =	ssettag $0x0;
	lr =	simm.s32 $0x1  }
0x2: {  	[smem:$0x3FA0] =	sst lr;
	_ =	strace $0xD0000000  }
0x3: {  	_ = 	snop  }
0x4: {  	_ = 	snop  }
0x5: {  	_ = 	snop  }
0x6: {  	_ = 	snop  }
0x7: {  	_ = 	snop  }
__scs_overlays_trampoline_lowered:
0x8: {  	[smem:$0x3FAF] =	sst s0  }
0x9: {  	[smem:$0x3FB0] =	sst s1  }
0xa: {  	[smem:$0x3FB1] =	sst s2  }
0xb: {  	[smem:$0x3FB2] =	sst s3  }
0xc: {  	[smem:$0x3FB3] =	sst s4  }
0xd: {  	[smem:$0x3FB4] =	sst s5  }
0xe: {  	[smem:$0x3FB5] =	sst s6  }
0xf: {  	[smem:$0x3FB6] =	sst s7  }
0x10: {  	[smem:$0x3FB7] =	sst s8  }
0x11: {  	[smem:$0x3FB8] =	sst s9;
	s0 =	simm.s32 @!p0 $0x0  }
0x12: {  	s1 =	sld [smem:$0x3F9E];
	s0 =	simm.s32 @p0 $0x1  }
0x13: {  	[smem:$0x3FB9] =	sst s0;
	s0 =	simm.s32 @!p1 $0x0  }
0x14: {  	s2 =	sld [smem:$0x3F9D];
	s0 =	simm.s32 @p1 $0x1  }
0x15: {  	[smem:$0x3FBA] =	sst s0;
	s0 =	simm.s32 @!p2 $0x0  }
0x16: {  	s3 =	sld [smem:$0x3FDB];
	s0 =	simm.s32 @p2 $0x1  }
0x17: {  	s4 =	simm.s32 $0x1BF5;
	[smem:$0x3FBC] =	sst s0  }
0x18: {  	s0 =	sld [smem:$0x3F9F];
	_ =	swait.ge [sflag:s4], $0x0  }
0x19: {  	s7 =	sld [smem:$0x3FA0]  }
0x1a: {  	s8 =	sadd.s32 $0xFFFFE003, lr  }
0x1b: {  	s9 =	sadd.s32 $0xFFFFFEF7, lr;
	s5 =	simm.s32 $0xFFFFFFFF;
	p2 =	slt.u32 s8, $0xFFFFF086  }
0x1c: {  	p1 =	slt.u32 s9, $0xF7A;
	s5 =	simm.s32 @!p2 $0x0  }
0x1d: {  	s5 =	simm.s32 @p1 $0x1;
	p0 =	seq.s32 s7, s2  }
0x1e: {  	s7 =	smul.u32 @!p0 $0xF7A, s2;
	p2 =	seq.s32 @!p0 s5, $0x0  }
0x1f: {  	s9 =	smul.u32 $0xF7A, s1;
	s8 =	simm.s32 @!p0 $0x1BF5;
	p2 =	por !p2, p0  }
0x20: {  	[sflag:s8] =	ssyncset.s32 @!p0 $0xFFFFF086;
	s6 =	sadd.s32 @!p0 s3, s7;
	s7 =	simm.s32 @!p0 $0x108  }
0x21: {  	s3 =	sadd.s32 s3, s9;
	s6 =	sadd.s32 @!p0 $0x88, s6;
	s7 =	simm.s32 @p2 $0x1082  }
0x22: {  	[simem:s7], [sflag:s8] =	dma.local @!p0 [hbm:s6], $0xF7A  }
0x23: {  	s9 =	sor.u32 $0xD0000000, s2;
	s6 =	simm.s32 $0x108;
	_ =	swait.ge @!p0 [sflag:s8], $0x0  }
0x24: {  	s3 =	sadd.s32 $0x88, s3;
	s6 =	simm.s32 @!p1 $0x1082;
	[sflag:s4] =	ssyncset.s32 $0xFFFFF086  }
0x25: {  	[simem:s6], [sflag:s4] =	dma.local [hbm:s3], $0xF7A  }
0x26: {  	[smem:$0x3FA0] =	sst s1;
	(tag) =	ssettag s2;
	_ =	strace s9  }
0x27: {  	s1 =	sld [smem:$0x3FB0]  }
0x28: {  	s2 =	sld [smem:$0x3FB1]  }
0x29: {  	s4 =	sld [smem:$0x3FB3]  }
0x2a: {  	p0 =	seq.s32 s5, $0x0;
	s5 =	sld [smem:$0x3FB4]  }
0x2b: {  	s6 =	sld [smem:$0x3FB5]  }
0x2c: {  	s7 =	sld [smem:$0x3FB6]  }
0x2d: {  	s3 =	simm.s32 $0x108;
	s8 =	sld [smem:$0x3FB7]  }
0x2e: {  	s3 =	simm.s32 @!p0 $0x1082;
	s9 =	sld [smem:$0x3FB8]  }
0x2f: {  	lr =	sadd.s32 s0, s3;
	s0 =	sld [smem:$0x3FAF]  }
0x30: {  	s3 =	sld [smem:$0x3FB2]  }
0x31: {  	[smem:$0x3FBB] =	sst s10  }
0x32: {  	s10 =	sld [smem:$0x3FB9];
	_ =	sdelay $0x3  }
0x33: {  	p0 =	seq.s32 s10, $0x1;
	s10 =	sld [smem:$0x3FBB];
	_ =	sdelay $0x3  }
0x34: {  	[smem:$0x3FBB] =	sst s10  }
0x35: {  	s10 =	sld [smem:$0x3FBA];
	_ =	sdelay $0x3  }
0x36: {  	p1 =	seq.s32 s10, $0x1;
	s10 =	sld [smem:$0x3FBB];
	_ =	sdelay $0x3  }
0x37: {  	[smem:$0x3FBB] =	sst s10  }
0x38: {  	s10 =	sld [smem:$0x3FBC]  }
0x39: {  	_ = 	snop;
	(pc) =	sbr.ind lr, $3  }
0x3a: {  	_ = 	snop  }
0x3b: {  	_ = 	snop  }
0x3c: {  	p2 =	seq.s32 s10, $0x1;
	s10 =	sld [smem:$0x3FBB]  }
0x3d: {  	_ =	shalt  }
0x3e: {  	_ =	shalt  }
0x3f: {  	_ =	shalt  }
0x40: {  	_ =	shalt  }
0x41: {  	_ =	shalt  }
0x42: {  	_ =	shalt  }
0x43: {  	_ =	shalt  }
0x44: {  	_ =	shalt  }
0x45: {  	_ =	shalt  }
0x46: {  	_ =	shalt  }
0x47: {  	_ =	shalt  }
0x48: {  	_ =	shalt  }
0x49: {  	_ =	shalt  }
0x4a: {  	_ =	shalt  }
0x4b: {  	_ =	shalt  }
0x4c: {  	_ =	shalt  }
0x4d: {  	_ =	shalt  }
0x4e: {  	_ =	shalt  }
0x4f: {  	_ =	shalt  }
0x50: {  	_ =	shalt  }
0x51: {  	_ =	shalt  }
0x52: {  	_ =	shalt  }
0x53: {  	_ =	shalt  }
0x54: {  	_ =	shalt  }
0x55: {  	_ =	shalt  }
0x56: {  	_ =	shalt  }
0x57: {  	_ =	shalt  }
0x58: {  	_ =	shalt  }
0x59: {  	_ =	shalt  }
0x5a: {  	_ =	shalt  }
0x5b: {  	_ =	shalt  }
0x5c: {  	_ =	shalt  }
0x5d: {  	_ =	shalt  }
0x5e: {  	_ =	shalt  }
0x5f: {  	_ =	shalt  }
0x60: {  	_ =	shalt  }
0x61: {  	_ =	shalt  }
0x62: {  	_ =	shalt  }
0x63: {  	_ =	shalt  }
0x64: {  	_ =	shalt  }
0x65: {  	_ =	shalt  }
0x66: {  	_ =	shalt  }
0x67: {  	_ =	shalt  }
0x68: {  	_ =	shalt  }
0x69: {  	_ =	shalt  }
0x6a: {  	_ =	shalt  }
0x6b: {  	_ =	shalt  }
0x6c: {  	_ =	shalt  }
0x6d: {  	_ =	shalt  }
0x6e: {  	_ =	shalt  }
0x6f: {  	_ =	shalt  }
0x70: {  	_ =	shalt  }
0x71: {  	_ =	shalt  }
0x72: {  	_ =	shalt  }
0x73: {  	_ =	shalt  }
0x74: {  	_ =	shalt  }
0x75: {  	_ =	shalt  }
0x76: {  	_ =	shalt  }
0x77: {  	_ =	shalt  }
0x78: {  	_ =	shalt  }
0x79: {  	_ =	shalt  }
0x7a: {  	_ =	shalt  }
0x7b: {  	_ =	shalt  }
0x7c: {  	_ =	shalt  }
0x7d: {  	_ =	shalt  }
0x7e: {  	_ =	shalt  }
0x7f: {  	_ =	shalt  }
0x80: {  	_ =	shalt  }
0x81: {  	_ =	shalt  }
0x82: {  	_ =	shalt  }
0x83: {  	_ =	shalt  }
0x84: {  	_ =	shalt  }
0x85: {  	_ =	shalt  }
0x86: {  	_ =	shalt  }
0x87: {  	_ =	shalt  }
.Lfunc_end0:
.L_simem_size_0:
called_computation_lowered:
.L_overlay_start_0:
0x88: {  	s2 =	sld [smem:$0x3FD9]  }
0x89: {  	s3 =	sld [smem:$0x3FFE];
	_ =	sdelay $0x1  }
0x8a: {  	s1 =	srdreg.scid  }
0x8b: {  	s0 =	sand.u32 $0x1, s1  }
0x8c: {  	s18 =	sshll.u32 s0, $0xA;
	s2 =	sadd.s32 s3, s2  }
0x8d: {  	s2 =	sadd.s32 s2, s18  }
0x8e: {  	[smem:$0x3FC7] =	sst s2  }
0x8f: {  	_ = 	snop  }
0x90: {  	s2 =	sld [smem:$0x3FC9]  }
0x91: {  	s19 =	sld [smem:$0x3FD0];
	(tm) =	ssettm $0x1  }
0x92: {  	s4 =	sld [smem:$0x3FFB];
	_ =	sdelay $0x3  }
0x93: {  	_ =	strace s4  }
0x94: {  	s4 =	sld [smem:$0x3FFC];
	_ =	sdelay $0x3  }
0x95: {  	_ =	strace s4  }
0x96: {  	s4 =	sld [smem:$0x3FFD];
	_ =	sdelay $0x3  }
0x97: {  	_ =	strace s4  }
0x98: {  	_ =	strace $0x8FFFFFFF  }
0x99: {  	s20 =	sld [smem:$0x3FDB];
	_ =	sdelay $0x1  }
0x9a: {  	s5 =	simm.s32 $_scs_section_size  }
0x9b: {  	s6 =	simm.s32 $_size__tile_overlayer_lowered;
	s7 =	simm.s32 $_tile_overlayer_lowered  }
0x9c: {  	s23 =	simm.s32 $0x1BFF;
	s22 =	sshll.u32 s7, $0x1;
	s4 =	sadd.s32 s5, s20  }
0x9d: {  	s8 =	simm.s32 $0x0;
	s21 =	sshll.u32 s6, $0x1;
	s6 =	sadd.s32 s22, s4  }
0x9e: {  	[timem:s8], [sflag:s23] =	dma.local [hbm:s6], s21  }
0x9f: {  	_ =	swait.ge [sflag:s23], s21  }
0xa0: {  	s5 =	ssub.s32 $0x0, s21;
	[sflag:s23] =	ssyncset.done $0x0  }
0xa1: {  	[sflag:s23] =	ssyncadd.s32 s5;
	_ =	sdelay $0x1  }
0xa2: {  	s24 =	simm.s32 $0x1B8B  }
0xa3: {  	_ =	swait.ge [sflag:s24], $0x1  }
0xa4: {  	[sflag:s24] =	ssyncset.done $0x0  }
0xa5: {  	s25 =	simm.s32 $0x1B8E;
	[sflag:s24] =	ssyncadd.s32 $0xFFFFFFFF  }
0xa6: {  	s26 =	simm.s32 $execute0_lowered;
	[smem:$0x3FD2] =	sst s25  }
0xa7: {  	s5 =	sshll.u32 s26, $0x1;
	_ =	strace $0x80000046;
	[dreg:$0x1] =	wrdreg $0xFFFFFFFF  }
0xa8: {  	s28 =	simm.s32 $_size_execute0_lowered;
	s4 =	sadd.s32 s4, s5;
	[dreg:$0x0] =	wrdreg $0x0  }
0xa9: {  	s5 =	sshll.u32 s28, $0x1;
	[dreg:$0x2] =	wrdreg s4  }
0xaa: {  	[dreg:$0x3] =	wrdreg s5  }
0xab: {  	[dreg:$0x4] =	wrdreg $0xC0  }
0xac: {  	_ =	task [dreg:s8], $0x5FFFF  }
0xad: {  	[dreg:$0x1] =	wrdreg $0xFFFFFFFF  }
0xae: {  	[dreg:$0x0] =	wrdreg $0x60  }
0xaf: {  	[dreg:$0x2] =	wrdreg s2  }
0xb0: {  	[dreg:$0x3] =	wrdreg s19  }
0xb1: {  	[dreg:$0x4] =	wrdreg $0x9  }
0xb2: {  	_ =	task.clear_ibuf [dreg:s8], $0x5FFFF;
	_ =	strace $0x90000046  }
0xb3: {  	s29 =	simm.s32 $0x9;
	_ =	strace $0x80000048  }
0xb4: {  	_ =	swait.ge [sflag:s29], $0x1  }
0xb5: {  	[sflag:s29] =	ssyncadd.s32 $0xFFFFFFFF  }
0xb6: {  	_ =	strace $0x90000048  }
0xb7: {  	_ =	sfence  }
0xb8: {  	s30 =	sld [smem:$0x0];
	_ =	sdelay $0x2  }
0xb9: {  	s31 =	sshll.u32 s1, $0xD;
	s1 =	sshrl.u32 s1, $0x2  }
0xba: {  	s3 =	sand.u32 $0x4000, s31;
	s1 =	sadd.s32 s1, s30  }
0xbb: {  	s0 =	sor.u32 s3, s0;
	s1 =	sshll.u32 s1, $0x11  }
0xbc: {  	s0 =	sor.u32 s1, s0  }
0xbd: {  	s0 =	sadd.s32 $0x8F2B, s0  }
0xbe: {  	[sflag:s0] =	ssyncadd.remote.s32 $0x1  }
0xbf: {  	_ =	sfence.sel $0xFFFF  }
0xc0: {  	[dreg:$0x0] =	wrdreg $0xFFFFFFFF;
	(pc) =	sbr.abs _section_cstart, $3  }
0xc1: {  	[dreg:$0x1] =	wrdreg $0xFFFFFFFF  }
0xc2: {  	_ =	task.clear_ibuf [dreg:s8], $0x2FFFF;
	_ =	strace $0x9FFFFFFF  }
0xc3: {  	(tm) =	ssettm $0x7FFFFFFF  }
tec
execute0_lowered:
.L_overlay_start_1:
0x0: {  	(tag) =	ssettag $0x1  }
0x1: {  	s3 =	srdreg.scid;
	s4 =	stileid.u32  }
0x2: {  	s3 =	sand.u32 $0x1, s3;
	s4 =	sshll.u32 s4, $0x1  }
0x3: {  	s0 =	rddreg [dreg:$0x0];
	s5 =	ssub.s32 $0x2, s3;
	s3 =	sor.u32 s3, s4  }
0x4: {  	s1 =	rddreg [dreg:$0x1];
	s2 =	simm.s32 $0x0;
	s7 =	sshll.u32 s3, $0xE  }
0x5: {  	[smem:$0x7FF] =	sst s2;
	s15 =	sadd.s32 s0, s7  }
0x6: {  	_ =	strace $0x80000047;
	s1 =	sadd.s32 s1, s7;
	[dreg:$0x3] =	wrdreg s15  }
0x7: {  	s17 =	sadd.s32 $0x20, s15;
	[dreg:$0xf] =	wrdreg s1  }
0x8: {  	s18 =	sadd.s32 $0x40, s15;
	[dreg:$0x4] =	wrdreg s17  }
0x9: {  	s19 =	sadd.s32 $0x60, s15;
	[dreg:$0x5] =	wrdreg s18  }
0xa: {  	s20 =	sadd.s32 $0x1000, s15;
	[dreg:$0x6] =	wrdreg s19  }
0xb: {  	s21 =	sadd.s32 $0x1020, s15;
	[dreg:$0x7] =	wrdreg s20  }
0xc: {  	s22 =	sadd.s32 $0x1040, s15;
	[dreg:$0x8] =	wrdreg s21  }
0xd: {  	s23 =	sadd.s32 $0x1060, s15;
	[dreg:$0x9] =	wrdreg s22  }
0xe: {  	s24 =	sadd.s32 $0x2000, s15;
	[dreg:$0xa] =	wrdreg s23  }
0xf: {  	s25 =	sadd.s32 $0x2020, s15;
	[dreg:$0xb] =	wrdreg s24  }
0x10: {  	s14 =	sshrl.u32 s5, $0x1;
	s26 =	sadd.s32 $0x2040, s15;
	[dreg:$0xc] =	wrdreg s25  }
0x11: {  	s16 =	ssub.s32 s5, s14;
	s5 =	sadd.s32 $0x2060, s15;
	[dreg:$0xd] =	wrdreg s26  }
0x12: {  	s28 =	simm.s32 $0xB;
	s8 =	sadd.s32 $0x3000, s15;
	[dreg:$0xe] =	wrdreg s5  }
0x13: {  	s29 =	simm.s32 $0xC;
	s9 =	sadd.s32 $0x20, s1;
	[dreg:$0x10] =	wrdreg s8  }
0x14: {  	s30 =	simm.s32 $0x11;
	s10 =	sadd.s32 $0x3020, s15;
	[dreg:$0x11] =	wrdreg s9  }
0x15: {  	s31 =	simm.s32 $0x12;
	s11 =	sadd.s32 $0x40, s1;
	[dreg:$0x12] =	wrdreg s10  }
0x16: {  	s4 =	simm.s32 $0x15;
	s12 =	sadd.s32 $0x3040, s15;
	[dreg:$0x13] =	wrdreg s11  }
0x17: {  	s6 =	sand.u32 $0x3, s3;
	s13 =	sadd.s32 $0x60, s1;
	[dreg:$0x14] =	wrdreg s12  }
0x18: {  	s3 =	simm.f32 $0.0e+00;
	s14 =	sadd.s32 $0x3060, s15;
	[dreg:$0x15] =	wrdreg s13  }
0x19: {  	p0 =	seq.s32 s6, $0x0;
	s15 =	sadd.s32 $0x1000, s1;
	[dreg:$0x16] =	wrdreg s14  }
0x1a: {  	s7 =	simm.s32 $0x100;
	s0 =	smax.u32 s16, $0x1;
	[dreg:$0x17] =	wrdreg s15  }
0x1b: {  	s6 =	simm.s32 $0x17;
	s16 =	sadd.s32 $0x1020, s1;
	[dreg:$0x18] =	wrdreg s0  }
0x1c: {  	s3 =	simm.s32 @!p0 $0x41000000;
	[dreg:$0x19] =	wrdreg s16;
	s17 =	sadd.s32 $0x1040, s1  }
0x1d: {  	s18 =	sadd.s32 $0x1060, s1;
	s19 =	sadd.s32 $0x2000, s1;
	s20 =	sadd.s32 $0x2020, s1  }
0x1e: {  	s21 =	sadd.s32 $0x2040, s1;
	s22 =	sadd.s32 $0x2060, s1;
	[dreg:$0x1a] =	wrdreg s17  }
0x1f: {  	s23 =	sadd.s32 $0x3000, s1;
	s24 =	sadd.s32 $0x3020, s1;
	[dreg:$0x1b] =	wrdreg s18  }
0x20: {  	s25 =	sadd.s32 $0x3040, s1;
	s26 =	sadd.s32 $0x3060, s1;
	[dreg:$0x1c] =	wrdreg s19  }
0x21: {  	s8 =	simm.s32 $0x400;
	s9 =	simm.s32 $0x2000;
	[dreg:$0x1d] =	wrdreg s20  }
0x22: {  	s10 =	simm.s32 $0x4000;
	s11 =	simm.s32 $0x6000;
	[dreg:$0x1e] =	wrdreg s21  }
0x23: {  	s12 =	simm.s32 $0x1;
	s14 =	simm.s32 $0xD;
	[dreg:$0x1f] =	wrdreg s22  }
0x24: {  	s13 =	simm.s32 $0x2;
	s16 =	simm.s32 $0xE;
	[smem:$0x7FA] =	sst s23  }
0x25: {  	s0 =	simm.s32 $0x13;
	s1 =	simm.s32 $0x14;
	[smem:$0x7FB] =	sst s24  }
0x26: {  	s5 =	simm.s32 $0x16;
	v0 =	vmov s3;
	s3 =	simm.s32 $0x18;
	[smem:$0x7FC] =	sst s25  }
0x27: {  	s15 =	simm.s32 $0x0;
	[smem:$0x7FD] =	sst s26;
	s17 =	simm.s32 $0x3  }
0x28: {  	s18 =	simm.s32 $0xF;
	s19 =	simm.s32 $0x4;
	s20 =	simm.s32 $0x10  }
0x29: {  	s24 =	simm.s32 $0x8;
	s25 =	simm.s32 $0x9;
	s26 =	simm.s32 $0xA  }
.LBB2_1:
0x2a: {  	s21 =	rddreg [dreg:$0x3]  }
0x2b: {  	[tilespmem:s2], [sflag:$0x1] =	stream.strided.gather [hbm4b:s21+s7], $0x2000, s8, s7, $0x38;
	[tilespmem:$0x18000] =	vst v63  }
0x2c: {  	s22 =	rddreg [dreg:$0x4]  }
0x2d: {  	[tilespmem:s9], [sflag:$0x2] =	stream.strided.gather [hbm4b:s22+s7], $0x2000, s8, s7, $0x38;
	[tilespmem:$0x18000] =	vst v63  }
0x2e: {  	s23 =	rddreg [dreg:$0x5]  }
0x2f: {  	[tilespmem:s10], [sflag:$0x3] =	stream.strided.gather [hbm4b:s23+s7], $0x2000, s8, s7, $0x38;
	[tilespmem:$0x18000] =	vst v63  }
0x30: {  	s22 =	rddreg [dreg:$0x6]  }
0x31: {  	[tilespmem:s11], [sflag:$0x4] =	stream.strided.gather [hbm4b:s22+s7], $0x2000, s8, s7, $0x38;
	[tilespmem:$0x18000] =	vst v63  }
0x32: {  	s23 =	rddreg [dreg:$0x7];
	s22 =	simm.s32 $0x8000  }
0x33: {  	[tilespmem:s22], [sflag:$0x5] =	stream.strided.gather [hbm4b:s23+s7], $0x2000, s8, s7, $0x38;
	[tilespmem:$0x18000] =	vst v63  }
0x34: {  	s22 =	rddreg [dreg:$0x8];
	s23 =	simm.s32 $0xA000  }
0x35: {  	[tilespmem:s23], [sflag:$0x6] =	stream.strided.gather [hbm4b:s22+s7], $0x2000, s8, s7, $0x38;
	[tilespmem:$0x18000] =	vst v63  }
0x36: {  	s22 =	rddreg [dreg:$0x9];
	s23 =	simm.s32 $0xC000  }
0x37: {  	[tilespmem:s23], [sflag:$0x7] =	stream.strided.gather [hbm4b:s22+s7], $0x2000, s8, s7, $0x38;
	[tilespmem:$0x18000] =	vst v63  }
0x38: {  	s22 =	rddreg [dreg:$0xa];
	s23 =	simm.s32 $0xE000  }
0x39: {  	[tilespmem:s23], [sflag:$0x8] =	stream.strided.gather [hbm4b:s22+s7], $0x2000, s8, s7, $0x38;
	[tilespmem:$0x18000] =	vst v63  }
0x3a: {  	s22 =	rddreg [dreg:$0xb];
	s23 =	simm.s32 $0x10000  }
0x3b: {  	[tilespmem:s23], [sflag:$0x9] =	stream.strided.gather [hbm4b:s22+s7], $0x2000, s8, s7, $0x38;
	[tilespmem:$0x18000] =	vst v63  }
0x3c: {  	s22 =	rddreg [dreg:$0xc];
	s23 =	simm.s32 $0x12000  }
0x3d: {  	[tilespmem:s23], [sflag:$0xA] =	stream.strided.gather [hbm4b:s22+s7], $0x2000, s8, s7, $0x38;
	[tilespmem:$0x18000] =	vst v63  }
0x3e: {  	s22 =	rddreg [dreg:$0xd];
	s23 =	simm.s32 $0x14000  }
0x3f: {  	[tilespmem:s23], [sflag:$0xB] =	stream.strided.gather [hbm4b:s22+s7], $0x2000, s8, s7, $0x38;
	[tilespmem:$0x18000] =	vst v63  }
0x40: {  	s22 =	rddreg [dreg:$0xe];
	s23 =	simm.s32 $0x16000  }
0x41: {  	[tilespmem:s23], [sflag:$0xC] =	stream.strided.gather [hbm4b:s22+s7], $0x2000, s8, s7, $0x38;
	[tilespmem:$0x18000] =	vst v63  }
0x42: {  	_ =	swait.ge [sflag:s12], $0x2000  }
0x43: {  	[sflag:s12] =	ssyncset.done $0x0  }
0x44: {  	s21 =	simm.s32 $0x80;
	[sflag:s12] =	ssyncadd.s32 $0xFFFFE000  }
0x45: {  	v1 =	vld [tilespmem:s21+$0x70]  }
0x46: {  	v2 =	vld [tilespmem:s21+$0x0]  }
0x47: {  	v3 =	vld [tilespmem:s21+$0xFFFFFF90]  }
0x48: {  	v4 =	vld [tilespmem:s21+$0x10]  }
0x49: {  	v5 =	vld [tilespmem:s21+$0xFFFFFFA0]  }
0x4a: {  	v6 =	vld [tilespmem:s21+$0x20];
	v1 =	vmul.f32 v1, v0  }
0x4b: {  	v7 =	vld [tilespmem:s21+$0xFFFFFFB0];
	v2 =	vmul.f32 v2, v0  }
0x4c: {  	v8 =	vld [tilespmem:s21+$0x30];
	v3 =	vmul.f32 v3, v0;
	[tilespmem:s21+$0x70] =	vst v1  }
0x4d: {  	[tilespmem:s21+$0x0] =	vst v2;
	v1 =	vmul.f32 v4, v0;
	v4 =	vld [tilespmem:s21+$0xFFFFFFC0]  }
0x4e: {  	[tilespmem:s21+$0xFFFFFF90] =	vst v3;
	v2 =	vmul.f32 v5, v0;
	v5 =	vld [tilespmem:s21+$0x40]  }
0x4f: {  	v9 =	vld [tilespmem:s21+$0xFFFFFFD0];
	v3 =	vmul.f32 v6, v0;
	[tilespmem:s21+$0x10] =	vst v1  }
0x50: {  	v6 =	vmul.f32 v7, v0;
	[tilespmem:s21+$0xFFFFFFA0] =	vst v2;
	v1 =	vld [tilespmem:s21+$0x50]  }
0x51: {  	v7 =	vmul.f32 v8, v0;
	[tilespmem:s21+$0x20] =	vst v3;
	v2 =	vld [tilespmem:s21+$0xFFFFFFE0]  }
0x52: {  	[tilespmem:s21+$0xFFFFFFB0] =	vst v6;
	v3 =	vld [tilespmem:s21+$0x60];
	v8 =	vmul.f32 v4, v0  }
0x53: {  	[tilespmem:s21+$0x30] =	vst v7;
	v4 =	vld [tilespmem:s21+$0xFFFFFFF0];
	v6 =	vmul.f32 v5, v0  }
0x54: {  	s22 =	simm.s32 $0x0;
	s23 =	simm.s32 $0x180;
	v7 =	vmul.f32 v9, v0;
	v5 =	vld [tilespmem:s21+$0xFFFFFF80];
	[tilespmem:s21+$0xFFFFFFC0] =	vst v8  }
.LBB2_2:
0x55: {  	v8 =	vld [tilespmem:s23+$0x70];
	s22 =	sadd.s32 $0x80, s22;
	[tilespmem:s21+$0x40] =	vst v6;
	v1 =	vmul.f32 v1, v0  }
0x56: {  	v6 =	vld [tilespmem:s23+$0x0];
	p0 =	slt.u32 s22, $0xF80;
	[tilespmem:s21+$0xFFFFFFD0] =	vst v7;
	v2 =	vmul.f32 v2, v0  }
0x57: {  	v7 =	vld [tilespmem:s23+$0xFFFFFF90];
	[tilespmem:s21+$0x50] =	vst v1;
	v1 =	vmul.f32 v3, v0  }
0x58: {  	v3 =	vld [tilespmem:s23+$0x10];
	[tilespmem:s21+$0xFFFFFFE0] =	vst v2;
	v2 =	vmul.f32 v4, v0  }
0x59: {  	v4 =	vld [tilespmem:s23+$0xFFFFFFA0];
	v5 =	vmul.f32 v5, v0;
	[tilespmem:s21+$0x60] =	vst v1  }
0x5a: {  	v1 =	vld [tilespmem:s23+$0x20];
	v8 =	vmul.f32 v8, v0;
	[tilespmem:s21+$0xFFFFFFF0] =	vst v2  }
0x5b: {  	v2 =	vmul.f32 v6, v0;
	v6 =	vld [tilespmem:s23+$0xFFFFFFB0];
	[tilespmem:s21+$0xFFFFFF80] =	vst v5;
	s21 =	smov.u32 s23  }
0x5c: {  	v5 =	vmul.f32 v7, v0;
	v7 =	vld [tilespmem:s23+$0x30];
	[tilespmem:s23+$0x70] =	vst v8  }
0x5d: {  	[tilespmem:s23+$0x0] =	vst v2;
	v2 =	vmul.f32 v3, v0;
	v3 =	vld [tilespmem:s23+$0xFFFFFFC0]  }
0x5e: {  	[tilespmem:s23+$0xFFFFFF90] =	vst v5;
	v4 =	vmul.f32 v4, v0;
	v5 =	vld [tilespmem:s23+$0x40]  }
0x5f: {  	[tilespmem:s23+$0x10] =	vst v2;
	v2 =	vmul.f32 v1, v0;
	v8 =	vld [tilespmem:s23+$0xFFFFFFD0]  }
.Ltmp0:
0x60: {  	[tilespmem:s23+$0xFFFFFFA0] =	vst v4;
	v4 =	vmul.f32 v6, v0;
	v1 =	vld [tilespmem:s23+$0x50];
	(pc) =	sbr.rel @p0 .LBB2_2-.Ltmp0, $4  }
0x61: {  	[tilespmem:s23+$0x20] =	vst v2;
	v6 =	vmul.f32 v7, v0;
	v2 =	vld [tilespmem:s23+$0xFFFFFFE0]  }
0x62: {  	[tilespmem:s23+$0xFFFFFFB0] =	vst v4;
	v7 =	vmul.f32 v3, v0;
	v3 =	vld [tilespmem:s23+$0x60]  }
0x63: {  	[tilespmem:s23+$0x30] =	vst v6;
	v6 =	vmul.f32 v5, v0;
	v4 =	vld [tilespmem:s23+$0xFFFFFFF0]  }
0x64: {  	s23 =	sadd.s32 $0x100, s23;
	v5 =	vld [tilespmem:s21+$0xFFFFFF80];
	[tilespmem:s21+$0xFFFFFFC0] =	vst v7;
	v7 =	vmul.f32 v8, v0  }
0x65: {  	[tilespmem:s21+$0x40] =	vst v6;
	v1 =	vmul.f32 v1, v0  }
0x66: {  	[tilespmem:s21+$0xFFFFFFD0] =	vst v7;
	v2 =	vmul.f32 v2, v0  }
0x67: {  	[tilespmem:s21+$0x50] =	vst v1;
	v1 =	vmul.f32 v3, v0  }
0x68: {  	[tilespmem:s21+$0xFFFFFFE0] =	vst v2;
	v2 =	vmul.f32 v4, v0  }
0x69: {  	v3 =	vmul.f32 v5, v0;
	[tilespmem:s21+$0x60] =	vst v1  }
0x6a: {  	[tilespmem:s21+$0xFFFFFFF0] =	vst v2  }
0x6b: {  	[tilespmem:s21+$0xFFFFFF80] =	vst v3  }
0x6c: {  	s21 =	rddreg [dreg:$0xf]  }
0x6d: {  	[hbm4b:s21+s7] =	stream.strided.scatter [tilespmem:s2], [sflag:$0xD], $0x2000, s8, s7, $0x38;
	[tilespmem:$0x18000] =	vst v63  }
0x6e: {  	_ =	swait.ge [sflag:s14], $0x2000  }
0x6f: {  	[sflag:s14] =	ssyncset.done $0x0  }
0x70: {  	s23 =	rddreg [dreg:$0x10];
	[sflag:s14] =	ssyncadd.s32 $0xFFFFE000  }
0x71: {  	[tilespmem:s2], [sflag:$0x1] =	stream.strided.gather [hbm4b:s23+s7], $0x2000, s8, s7, $0x38;
	[tilespmem:$0x18000] =	vst v63  }
0x72: {  	_ =	swait.ge [sflag:s13], $0x2000  }
0x73: {  	[sflag:s13] =	ssyncset.done $0x0  }
0x74: {  	s21 =	simm.s32 $0x2080;
	[sflag:s13] =	ssyncadd.s32 $0xFFFFE000  }
0x75: {  	v1 =	vld [tilespmem:s21+$0x70]  }
0x76: {  	v2 =	vld [tilespmem:s21+$0x0]  }
0x77: {  	v3 =	vld [tilespmem:s21+$0xFFFFFF90]  }
0x78: {  	v4 =	vld [tilespmem:s21+$0x10]  }
0x79: {  	v5 =	vld [tilespmem:s21+$0xFFFFFFA0]  }
0x7a: {  	v6 =	vld [tilespmem:s21+$0x20];
	v1 =	vmul.f32 v1, v0  }
0x7b: {  	v7 =	vld [tilespmem:s21+$0xFFFFFFB0];
	v2 =	vmul.f32 v2, v0  }
0x7c: {  	v8 =	vld [tilespmem:s21+$0x30];
	v3 =	vmul.f32 v3, v0;
	[tilespmem:s21+$0x70] =	vst v1  }
0x7d: {  	[tilespmem:s21+$0x0] =	vst v2;
	v1 =	vmul.f32 v4, v0;
	v4 =	vld [tilespmem:s21+$0xFFFFFFC0]  }
0x7e: {  	[tilespmem:s21+$0xFFFFFF90] =	vst v3;
	v2 =	vmul.f32 v5, v0;
	v5 =	vld [tilespmem:s21+$0x40]  }
0x7f: {  	v9 =	vld [tilespmem:s21+$0xFFFFFFD0];
	v3 =	vmul.f32 v6, v0;
	[tilespmem:s21+$0x10] =	vst v1  }
0x80: {  	v6 =	vmul.f32 v7, v0;
	[tilespmem:s21+$0xFFFFFFA0] =	vst v2;
	v1 =	vld [tilespmem:s21+$0x50]  }
0x81: {  	v7 =	vmul.f32 v8, v0;
	[tilespmem:s21+$0x20] =	vst v3;
	v2 =	vld [tilespmem:s21+$0xFFFFFFE0]  }
0x82: {  	[tilespmem:s21+$0xFFFFFFB0] =	vst v6;
	v3 =	vld [tilespmem:s21+$0x60];
	v8 =	vmul.f32 v4, v0  }
0x83: {  	[tilespmem:s21+$0x30] =	vst v7;
	v4 =	vld [tilespmem:s21+$0xFFFFFFF0];
	v6 =	vmul.f32 v5, v0  }
0x84: {  	s22 =	simm.s32 $0x0;
	s23 =	simm.s32 $0x2180;
	v7 =	vmul.f32 v9, v0;
	v5 =	vld [tilespmem:s21+$0xFFFFFF80];
	[tilespmem:s21+$0xFFFFFFC0] =	vst v8  }
.LBB2_4:
0x85: {  	v8 =	vld [tilespmem:s23+$0x70];
	s22 =	sadd.s32 $0x80, s22;
	[tilespmem:s21+$0x40] =	vst v6;
	v1 =	vmul.f32 v1, v0  }
0x86: {  	v6 =	vld [tilespmem:s23+$0x0];
	p0 =	slt.u32 s22, $0xF80;
	[tilespmem:s21+$0xFFFFFFD0] =	vst v7;
	v2 =	vmul.f32 v2, v0  }
0x87: {  	v7 =	vld [tilespmem:s23+$0xFFFFFF90];
	[tilespmem:s21+$0x50] =	vst v1;
	v1 =	vmul.f32 v3, v0  }
0x88: {  	v3 =	vld [tilespmem:s23+$0x10];
	[tilespmem:s21+$0xFFFFFFE0] =	vst v2;
	v2 =	vmul.f32 v4, v0  }
0x89: {  	v4 =	vld [tilespmem:s23+$0xFFFFFFA0];
	v5 =	vmul.f32 v5, v0;
	[tilespmem:s21+$0x60] =	vst v1  }
0x8a: {  	v1 =	vld [tilespmem:s23+$0x20];
	v8 =	vmul.f32 v8, v0;
	[tilespmem:s21+$0xFFFFFFF0] =	vst v2  }
0x8b: {  	v2 =	vmul.f32 v6, v0;
	v6 =	vld [tilespmem:s23+$0xFFFFFFB0];
	[tilespmem:s21+$0xFFFFFF80] =	vst v5;
	s21 =	smov.u32 s23  }
0x8c: {  	v5 =	vmul.f32 v7, v0;
	v7 =	vld [tilespmem:s23+$0x30];
	[tilespmem:s23+$0x70] =	vst v8  }
0x8d: {  	[tilespmem:s23+$0x0] =	vst v2;
	v2 =	vmul.f32 v3, v0;
	v3 =	vld [tilespmem:s23+$0xFFFFFFC0]  }
0x8e: {  	[tilespmem:s23+$0xFFFFFF90] =	vst v5;
	v4 =	vmul.f32 v4, v0;
	v5 =	vld [tilespmem:s23+$0x40]  }
0x8f: {  	[tilespmem:s23+$0x10] =	vst v2;
	v2 =	vmul.f32 v1, v0;
	v8 =	vld [tilespmem:s23+$0xFFFFFFD0]  }
.Ltmp1:
0x90: {  	[tilespmem:s23+$0xFFFFFFA0] =	vst v4;
	v4 =	vmul.f32 v6, v0;
	v1 =	vld [tilespmem:s23+$0x50];
	(pc) =	sbr.rel @p0 .LBB2_4-.Ltmp1, $4  }
0x91: {  	[tilespmem:s23+$0x20] =	vst v2;
	v6 =	vmul.f32 v7, v0;
	v2 =	vld [tilespmem:s23+$0xFFFFFFE0]  }
0x92: {  	[tilespmem:s23+$0xFFFFFFB0] =	vst v4;
	v7 =	vmul.f32 v3, v0;
	v3 =	vld [tilespmem:s23+$0x60]  }
0x93: {  	[tilespmem:s23+$0x30] =	vst v6;
	v6 =	vmul.f32 v5, v0;
	v4 =	vld [tilespmem:s23+$0xFFFFFFF0]  }
0x94: {  	s23 =	sadd.s32 $0x100, s23;
	v5 =	vld [tilespmem:s21+$0xFFFFFF80];
	[tilespmem:s21+$0xFFFFFFC0] =	vst v7;
	v7 =	vmul.f32 v8, v0  }
0x95: {  	[tilespmem:s21+$0x40] =	vst v6;
	v1 =	vmul.f32 v1, v0  }
0x96: {  	[tilespmem:s21+$0xFFFFFFD0] =	vst v7;
	v2 =	vmul.f32 v2, v0  }
0x97: {  	[tilespmem:s21+$0x50] =	vst v1;
	v1 =	vmul.f32 v3, v0  }
0x98: {  	[tilespmem:s21+$0xFFFFFFE0] =	vst v2;
	v2 =	vmul.f32 v4, v0  }
0x99: {  	v3 =	vmul.f32 v5, v0;
	[tilespmem:s21+$0x60] =	vst v1  }
0x9a: {  	[tilespmem:s21+$0xFFFFFFF0] =	vst v2  }
0x9b: {  	[tilespmem:s21+$0xFFFFFF80] =	vst v3  }
0x9c: {  	s21 =	rddreg [dreg:$0x11]  }
0x9d: {  	[hbm4b:s21+s7] =	stream.strided.scatter [tilespmem:s9], [sflag:$0xE], $0x2000, s8, s7, $0x38;
	[tilespmem:$0x18000] =	vst v63  }
0x9e: {  	_ =	swait.ge [sflag:s16], $0x2000  }
0x9f: {  	[sflag:s16] =	ssyncset.done $0x0  }
0xa0: {  	s23 =	rddreg [dreg:$0x12];
	[sflag:s16] =	ssyncadd.s32 $0xFFFFE000  }
0xa1: {  	[tilespmem:s9], [sflag:$0x2] =	stream.strided.gather [hbm4b:s23+s7], $0x2000, s8, s7, $0x38;
	[tilespmem:$0x18000] =	vst v63  }
0xa2: {  	_ =	swait.ge [sflag:s17], $0x2000  }
0xa3: {  	[sflag:s17] =	ssyncset.done $0x0  }
0xa4: {  	s21 =	simm.s32 $0x4080;
	[sflag:s17] =	ssyncadd.s32 $0xFFFFE000  }
0xa5: {  	v1 =	vld [tilespmem:s21+$0x70]  }
0xa6: {  	v2 =	vld [tilespmem:s21+$0x0]  }
0xa7: {  	v3 =	vld [tilespmem:s21+$0xFFFFFF90]  }
0xa8: {  	v4 =	vld [tilespmem:s21+$0x10]  }
0xa9: {  	v5 =	vld [tilespmem:s21+$0xFFFFFFA0]  }
0xaa: {  	v6 =	vld [tilespmem:s21+$0x20];
	v1 =	vmul.f32 v1, v0  }
0xab: {  	v7 =	vld [tilespmem:s21+$0xFFFFFFB0];
	v2 =	vmul.f32 v2, v0  }
0xac: {  	v8 =	vld [tilespmem:s21+$0x30];
	v3 =	vmul.f32 v3, v0;
	[tilespmem:s21+$0x70] =	vst v1  }
0xad: {  	[tilespmem:s21+$0x0] =	vst v2;
	v1 =	vmul.f32 v4, v0;
	v4 =	vld [tilespmem:s21+$0xFFFFFFC0]  }
0xae: {  	[tilespmem:s21+$0xFFFFFF90] =	vst v3;
	v2 =	vmul.f32 v5, v0;
	v5 =	vld [tilespmem:s21+$0x40]  }
0xaf: {  	v9 =	vld [tilespmem:s21+$0xFFFFFFD0];
	v3 =	vmul.f32 v6, v0;
	[tilespmem:s21+$0x10] =	vst v1  }
0xb0: {  	v6 =	vmul.f32 v7, v0;
	[tilespmem:s21+$0xFFFFFFA0] =	vst v2;
	v1 =	vld [tilespmem:s21+$0x50]  }
0xb1: {  	v7 =	vmul.f32 v8, v0;
	[tilespmem:s21+$0x20] =	vst v3;
	v2 =	vld [tilespmem:s21+$0xFFFFFFE0]  }
0xb2: {  	[tilespmem:s21+$0xFFFFFFB0] =	vst v6;
	v3 =	vld [tilespmem:s21+$0x60];
	v8 =	vmul.f32 v4, v0  }
0xb3: {  	[tilespmem:s21+$0x30] =	vst v7;
	v4 =	vld [tilespmem:s21+$0xFFFFFFF0];
	v6 =	vmul.f32 v5, v0  }
0xb4: {  	s22 =	simm.s32 $0x0;
	s23 =	simm.s32 $0x4180;
	v7 =	vmul.f32 v9, v0;
	v5 =	vld [tilespmem:s21+$0xFFFFFF80];
	[tilespmem:s21+$0xFFFFFFC0] =	vst v8  }
.LBB2_6:
0xb5: {  	v8 =	vld [tilespmem:s23+$0x70];
	s22 =	sadd.s32 $0x80, s22;
	[tilespmem:s21+$0x40] =	vst v6;
	v1 =	vmul.f32 v1, v0  }
0xb6: {  	v6 =	vld [tilespmem:s23+$0x0];
	p0 =	slt.u32 s22, $0xF80;
	[tilespmem:s21+$0xFFFFFFD0] =	vst v7;
	v2 =	vmul.f32 v2, v0  }
0xb7: {  	v7 =	vld [tilespmem:s23+$0xFFFFFF90];
	[tilespmem:s21+$0x50] =	vst v1;
	v1 =	vmul.f32 v3, v0  }
0xb8: {  	v3 =	vld [tilespmem:s23+$0x10];
	[tilespmem:s21+$0xFFFFFFE0] =	vst v2;
	v2 =	vmul.f32 v4, v0  }
0xb9: {  	v4 =	vld [tilespmem:s23+$0xFFFFFFA0];
	v5 =	vmul.f32 v5, v0;
	[tilespmem:s21+$0x60] =	vst v1  }
0xba: {  	v1 =	vld [tilespmem:s23+$0x20];
	v8 =	vmul.f32 v8, v0;
	[tilespmem:s21+$0xFFFFFFF0] =	vst v2  }
0xbb: {  	v2 =	vmul.f32 v6, v0;
	v6 =	vld [tilespmem:s23+$0xFFFFFFB0];
	[tilespmem:s21+$0xFFFFFF80] =	vst v5;
	s21 =	smov.u32 s23  }
0xbc: {  	v5 =	vmul.f32 v7, v0;
	v7 =	vld [tilespmem:s23+$0x30];
	[tilespmem:s23+$0x70] =	vst v8  }
0xbd: {  	[tilespmem:s23+$0x0] =	vst v2;
	v2 =	vmul.f32 v3, v0;
	v3 =	vld [tilespmem:s23+$0xFFFFFFC0]  }
0xbe: {  	[tilespmem:s23+$0xFFFFFF90] =	vst v5;
	v4 =	vmul.f32 v4, v0;
	v5 =	vld [tilespmem:s23+$0x40]  }
0xbf: {  	[tilespmem:s23+$0x10] =	vst v2;
	v2 =	vmul.f32 v1, v0;
	v8 =	vld [tilespmem:s23+$0xFFFFFFD0]  }
.Ltmp2:
0xc0: {  	[tilespmem:s23+$0xFFFFFFA0] =	vst v4;
	v4 =	vmul.f32 v6, v0;
	v1 =	vld [tilespmem:s23+$0x50];
	(pc) =	sbr.rel @p0 .LBB2_6-.Ltmp2, $4  }
0xc1: {  	[tilespmem:s23+$0x20] =	vst v2;
	v6 =	vmul.f32 v7, v0;
	v2 =	vld [tilespmem:s23+$0xFFFFFFE0]  }
0xc2: {  	[tilespmem:s23+$0xFFFFFFB0] =	vst v4;
	v7 =	vmul.f32 v3, v0;
	v3 =	vld [tilespmem:s23+$0x60]  }
0xc3: {  	[tilespmem:s23+$0x30] =	vst v6;
	v6 =	vmul.f32 v5, v0;
	v4 =	vld [tilespmem:s23+$0xFFFFFFF0]  }
0xc4: {  	s23 =	sadd.s32 $0x100, s23;
	v5 =	vld [tilespmem:s21+$0xFFFFFF80];
	[tilespmem:s21+$0xFFFFFFC0] =	vst v7;
	v7 =	vmul.f32 v8, v0  }
0xc5: {  	[tilespmem:s21+$0x40] =	vst v6;
	v1 =	vmul.f32 v1, v0  }
0xc6: {  	[tilespmem:s21+$0xFFFFFFD0] =	vst v7;
	v2 =	vmul.f32 v2, v0  }
0xc7: {  	[tilespmem:s21+$0x50] =	vst v1;
	v1 =	vmul.f32 v3, v0  }
0xc8: {  	[tilespmem:s21+$0xFFFFFFE0] =	vst v2;
	v2 =	vmul.f32 v4, v0  }
0xc9: {  	v3 =	vmul.f32 v5, v0;
	[tilespmem:s21+$0x60] =	vst v1  }
0xca: {  	[tilespmem:s21+$0xFFFFFFF0] =	vst v2  }
0xcb: {  	[tilespmem:s21+$0xFFFFFF80] =	vst v3  }
0xcc: {  	s21 =	rddreg [dreg:$0x13]  }
0xcd: {  	[hbm4b:s21+s7] =	stream.strided.scatter [tilespmem:s10], [sflag:$0xF], $0x2000, s8, s7, $0x38;
	[tilespmem:$0x18000] =	vst v63  }
0xce: {  	_ =	swait.ge [sflag:s18], $0x2000  }
0xcf: {  	[sflag:s18] =	ssyncset.done $0x0  }
0xd0: {  	s23 =	rddreg [dreg:$0x14];
	[sflag:s18] =	ssyncadd.s32 $0xFFFFE000  }
0xd1: {  	[tilespmem:s10], [sflag:$0x3] =	stream.strided.gather [hbm4b:s23+s7], $0x2000, s8, s7, $0x38;
	[tilespmem:$0x18000] =	vst v63  }
0xd2: {  	_ =	swait.ge [sflag:s19], $0x2000  }
0xd3: {  	[sflag:s19] =	ssyncset.done $0x0  }
0xd4: {  	s21 =	simm.s32 $0x6080;
	[sflag:s19] =	ssyncadd.s32 $0xFFFFE000  }
0xd5: {  	v1 =	vld [tilespmem:s21+$0x70]  }
0xd6: {  	v2 =	vld [tilespmem:s21+$0x0]  }
0xd7: {  	v3 =	vld [tilespmem:s21+$0xFFFFFF90]  }
0xd8: {  	v4 =	vld [tilespmem:s21+$0x10]  }
0xd9: {  	v5 =	vld [tilespmem:s21+$0xFFFFFFA0]  }
0xda: {  	v6 =	vld [tilespmem:s21+$0x20];
	v1 =	vmul.f32 v1, v0  }
0xdb: {  	v7 =	vld [tilespmem:s21+$0xFFFFFFB0];
	v2 =	vmul.f32 v2, v0  }
0xdc: {  	v8 =	vld [tilespmem:s21+$0x30];
	v3 =	vmul.f32 v3, v0;
	[tilespmem:s21+$0x70] =	vst v1  }
0xdd: {  	[tilespmem:s21+$0x0] =	vst v2;
	v1 =	vmul.f32 v4, v0;
	v4 =	vld [tilespmem:s21+$0xFFFFFFC0]  }
0xde: {  	[tilespmem:s21+$0xFFFFFF90] =	vst v3;
	v2 =	vmul.f32 v5, v0;
	v5 =	vld [tilespmem:s21+$0x40]  }
0xdf: {  	v9 =	vld [tilespmem:s21+$0xFFFFFFD0];
	v3 =	vmul.f32 v6, v0;
	[tilespmem:s21+$0x10] =	vst v1  }
0xe0: {  	v6 =	vmul.f32 v7, v0;
	[tilespmem:s21+$0xFFFFFFA0] =	vst v2;
	v1 =	vld [tilespmem:s21+$0x50]  }
0xe1: {  	v7 =	vmul.f32 v8, v0;
	[tilespmem:s21+$0x20] =	vst v3;
	v2 =	vld [tilespmem:s21+$0xFFFFFFE0]  }
0xe2: {  	[tilespmem:s21+$0xFFFFFFB0] =	vst v6;
	v3 =	vld [tilespmem:s21+$0x60];
	v8 =	vmul.f32 v4, v0  }
0xe3: {  	[tilespmem:s21+$0x30] =	vst v7;
	v4 =	vld [tilespmem:s21+$0xFFFFFFF0];
	v6 =	vmul.f32 v5, v0  }
0xe4: {  	s22 =	simm.s32 $0x0;
	s23 =	simm.s32 $0x6180;
	v7 =	vmul.f32 v9, v0;
	v5 =	vld [tilespmem:s21+$0xFFFFFF80];
	[tilespmem:s21+$0xFFFFFFC0] =	vst v8  }
.LBB2_8:
0xe5: {  	v8 =	vld [tilespmem:s23+$0x70];
	s22 =	sadd.s32 $0x80, s22;
	[tilespmem:s21+$0x40] =	vst v6;
	v1 =	vmul.f32 v1, v0  }
0xe6: {  	v6 =	vld [tilespmem:s23+$0x0];
	p0 =	slt.u32 s22, $0xF80;
	[tilespmem:s21+$0xFFFFFFD0] =	vst v7;
	v2 =	vmul.f32 v2, v0  }
0xe7: {  	v7 =	vld [tilespmem:s23+$0xFFFFFF90];
	[tilespmem:s21+$0x50] =	vst v1;
	v1 =	vmul.f32 v3, v0  }
0xe8: {  	v3 =	vld [tilespmem:s23+$0x10];
	[tilespmem:s21+$0xFFFFFFE0] =	vst v2;
	v2 =	vmul.f32 v4, v0  }
0xe9: {  	v4 =	vld [tilespmem:s23+$0xFFFFFFA0];
	v5 =	vmul.f32 v5, v0;
	[tilespmem:s21+$0x60] =	vst v1  }
0xea: {  	v1 =	vld [tilespmem:s23+$0x20];
	v8 =	vmul.f32 v8, v0;
	[tilespmem:s21+$0xFFFFFFF0] =	vst v2  }
0xeb: {  	v2 =	vmul.f32 v6, v0;
	v6 =	vld [tilespmem:s23+$0xFFFFFFB0];
	[tilespmem:s21+$0xFFFFFF80] =	vst v5;
	s21 =	smov.u32 s23  }
0xec: {  	v5 =	vmul.f32 v7, v0;
	v7 =	vld [tilespmem:s23+$0x30];
	[tilespmem:s23+$0x70] =	vst v8  }
0xed: {  	[tilespmem:s23+$0x0] =	vst v2;
	v2 =	vmul.f32 v3, v0;
	v3 =	vld [tilespmem:s23+$0xFFFFFFC0]  }
0xee: {  	[tilespmem:s23+$0xFFFFFF90] =	vst v5;
	v4 =	vmul.f32 v4, v0;
	v5 =	vld [tilespmem:s23+$0x40]  }
0xef: {  	[tilespmem:s23+$0x10] =	vst v2;
	v2 =	vmul.f32 v1, v0;
	v8 =	vld [tilespmem:s23+$0xFFFFFFD0]  }
.Ltmp3:
0xf0: {  	[tilespmem:s23+$0xFFFFFFA0] =	vst v4;
	v4 =	vmul.f32 v6, v0;
	v1 =	vld [tilespmem:s23+$0x50];
	(pc) =	sbr.rel @p0 .LBB2_8-.Ltmp3, $4  }
0xf1: {  	[tilespmem:s23+$0x20] =	vst v2;
	v6 =	vmul.f32 v7, v0;
	v2 =	vld [tilespmem:s23+$0xFFFFFFE0]  }
0xf2: {  	[tilespmem:s23+$0xFFFFFFB0] =	vst v4;
	v7 =	vmul.f32 v3, v0;
	v3 =	vld [tilespmem:s23+$0x60]  }
0xf3: {  	[tilespmem:s23+$0x30] =	vst v6;
	v6 =	vmul.f32 v5, v0;
	v4 =	vld [tilespmem:s23+$0xFFFFFFF0]  }
0xf4: {  	s23 =	sadd.s32 $0x100, s23;
	v5 =	vld [tilespmem:s21+$0xFFFFFF80];
	[tilespmem:s21+$0xFFFFFFC0] =	vst v7;
	v7 =	vmul.f32 v8, v0  }
0xf5: {  	[tilespmem:s21+$0x40] =	vst v6;
	v1 =	vmul.f32 v1, v0  }
0xf6: {  	[tilespmem:s21+$0xFFFFFFD0] =	vst v7;
	v2 =	vmul.f32 v2, v0  }
0xf7: {  	[tilespmem:s21+$0x50] =	vst v1;
	v1 =	vmul.f32 v3, v0  }
0xf8: {  	[tilespmem:s21+$0xFFFFFFE0] =	vst v2;
	v2 =	vmul.f32 v4, v0  }
0xf9: {  	v3 =	vmul.f32 v5, v0;
	[tilespmem:s21+$0x60] =	vst v1  }
0xfa: {  	[tilespmem:s21+$0xFFFFFFF0] =	vst v2  }
0xfb: {  	[tilespmem:s21+$0xFFFFFF80] =	vst v3  }
0xfc: {  	s21 =	rddreg [dreg:$0x15]  }
0xfd: {  	[hbm4b:s21+s7] =	stream.strided.scatter [tilespmem:s11], [sflag:$0x10], $0x2000, s8, s7, $0x38;
	[tilespmem:$0x18000] =	vst v63  }
0xfe: {  	_ =	swait.ge [sflag:s20], $0x2000  }
0xff: {  	[sflag:s20] =	ssyncset.done $0x0  }
0x100: {  	s23 =	simm.s32 $0x5;
	s22 =	rddreg [dreg:$0x16];
	[sflag:s20] =	ssyncadd.s32 $0xFFFFE000  }
0x101: {  	[tilespmem:s11], [sflag:$0x4] =	stream.strided.gather [hbm4b:s22+s7], $0x2000, s8, s7, $0x38;
	[tilespmem:$0x18000] =	vst v63  }
0x102: {  	_ =	swait.ge [sflag:s23], $0x2000  }
0x103: {  	[sflag:s23] =	ssyncset.done $0x0  }
0x104: {  	s21 =	simm.s32 $0x8080;
	[sflag:s23] =	ssyncadd.s32 $0xFFFFE000  }
0x105: {  	v1 =	vld [tilespmem:s21+$0x70]  }
0x106: {  	v2 =	vld [tilespmem:s21+$0x0]  }
0x107: {  	v3 =	vld [tilespmem:s21+$0xFFFFFF90]  }
0x108: {  	v4 =	vld [tilespmem:s21+$0x10]  }
0x109: {  	v5 =	vld [tilespmem:s21+$0xFFFFFFA0]  }
0x10a: {  	v6 =	vld [tilespmem:s21+$0x20];
	v1 =	vmul.f32 v1, v0  }
0x10b: {  	v7 =	vld [tilespmem:s21+$0xFFFFFFB0];
	v2 =	vmul.f32 v2, v0  }
0x10c: {  	v8 =	vld [tilespmem:s21+$0x30];
	v3 =	vmul.f32 v3, v0;
	[tilespmem:s21+$0x70] =	vst v1  }
0x10d: {  	[tilespmem:s21+$0x0] =	vst v2;
	v1 =	vmul.f32 v4, v0;
	v4 =	vld [tilespmem:s21+$0xFFFFFFC0]  }
0x10e: {  	[tilespmem:s21+$0xFFFFFF90] =	vst v3;
	v2 =	vmul.f32 v5, v0;
	v5 =	vld [tilespmem:s21+$0x40]  }
0x10f: {  	v9 =	vld [tilespmem:s21+$0xFFFFFFD0];
	v3 =	vmul.f32 v6, v0;
	[tilespmem:s21+$0x10] =	vst v1  }
0x110: {  	v6 =	vmul.f32 v7, v0;
	[tilespmem:s21+$0xFFFFFFA0] =	vst v2;
	v1 =	vld [tilespmem:s21+$0x50]  }
0x111: {  	v7 =	vmul.f32 v8, v0;
	[tilespmem:s21+$0x20] =	vst v3;
	v2 =	vld [tilespmem:s21+$0xFFFFFFE0]  }
0x112: {  	[tilespmem:s21+$0xFFFFFFB0] =	vst v6;
	v3 =	vld [tilespmem:s21+$0x60];
	v8 =	vmul.f32 v4, v0  }
0x113: {  	[tilespmem:s21+$0x30] =	vst v7;
	v4 =	vld [tilespmem:s21+$0xFFFFFFF0];
	v6 =	vmul.f32 v5, v0  }
0x114: {  	s22 =	simm.s32 $0x0;
	s23 =	simm.s32 $0x8180;
	v7 =	vmul.f32 v9, v0;
	v5 =	vld [tilespmem:s21+$0xFFFFFF80];
	[tilespmem:s21+$0xFFFFFFC0] =	vst v8  }
.LBB2_10:
0x115: {  	v8 =	vld [tilespmem:s23+$0x70];
	s22 =	sadd.s32 $0x80, s22;
	[tilespmem:s21+$0x40] =	vst v6;
	v1 =	vmul.f32 v1, v0  }
0x116: {  	v6 =	vld [tilespmem:s23+$0x0];
	p0 =	slt.u32 s22, $0xF80;
	[tilespmem:s21+$0xFFFFFFD0] =	vst v7;
	v2 =	vmul.f32 v2, v0  }
0x117: {  	v7 =	vld [tilespmem:s23+$0xFFFFFF90];
	[tilespmem:s21+$0x50] =	vst v1;
	v1 =	vmul.f32 v3, v0  }
0x118: {  	v3 =	vld [tilespmem:s23+$0x10];
	[tilespmem:s21+$0xFFFFFFE0] =	vst v2;
	v2 =	vmul.f32 v4, v0  }
0x119: {  	v4 =	vld [tilespmem:s23+$0xFFFFFFA0];
	v5 =	vmul.f32 v5, v0;
	[tilespmem:s21+$0x60] =	vst v1  }
0x11a: {  	v1 =	vld [tilespmem:s23+$0x20];
	v8 =	vmul.f32 v8, v0;
	[tilespmem:s21+$0xFFFFFFF0] =	vst v2  }
0x11b: {  	v2 =	vmul.f32 v6, v0;
	v6 =	vld [tilespmem:s23+$0xFFFFFFB0];
	[tilespmem:s21+$0xFFFFFF80] =	vst v5;
	s21 =	smov.u32 s23  }
0x11c: {  	v5 =	vmul.f32 v7, v0;
	v7 =	vld [tilespmem:s23+$0x30];
	[tilespmem:s23+$0x70] =	vst v8  }
0x11d: {  	[tilespmem:s23+$0x0] =	vst v2;
	v2 =	vmul.f32 v3, v0;
	v3 =	vld [tilespmem:s23+$0xFFFFFFC0]  }
0x11e: {  	[tilespmem:s23+$0xFFFFFF90] =	vst v5;
	v4 =	vmul.f32 v4, v0;
	v5 =	vld [tilespmem:s23+$0x40]  }
0x11f: {  	[tilespmem:s23+$0x10] =	vst v2;
	v2 =	vmul.f32 v1, v0;
	v8 =	vld [tilespmem:s23+$0xFFFFFFD0]  }
.Ltmp4:
0x120: {  	[tilespmem:s23+$0xFFFFFFA0] =	vst v4;
	v4 =	vmul.f32 v6, v0;
	v1 =	vld [tilespmem:s23+$0x50];
	(pc) =	sbr.rel @p0 .LBB2_10-.Ltmp4, $4  }
0x121: {  	[tilespmem:s23+$0x20] =	vst v2;
	v6 =	vmul.f32 v7, v0;
	v2 =	vld [tilespmem:s23+$0xFFFFFFE0]  }
0x122: {  	[tilespmem:s23+$0xFFFFFFB0] =	vst v4;
	v7 =	vmul.f32 v3, v0;
	v3 =	vld [tilespmem:s23+$0x60]  }
0x123: {  	[tilespmem:s23+$0x30] =	vst v6;
	v6 =	vmul.f32 v5, v0;
	v4 =	vld [tilespmem:s23+$0xFFFFFFF0]  }
0x124: {  	s23 =	sadd.s32 $0x100, s23;
	v5 =	vld [tilespmem:s21+$0xFFFFFF80];
	[tilespmem:s21+$0xFFFFFFC0] =	vst v7;
	v7 =	vmul.f32 v8, v0  }
0x125: {  	[tilespmem:s21+$0x40] =	vst v6;
	v1 =	vmul.f32 v1, v0  }
0x126: {  	[tilespmem:s21+$0xFFFFFFD0] =	vst v7;
	v2 =	vmul.f32 v2, v0  }
0x127: {  	[tilespmem:s21+$0x50] =	vst v1;
	v1 =	vmul.f32 v3, v0  }
0x128: {  	[tilespmem:s21+$0xFFFFFFE0] =	vst v2;
	v2 =	vmul.f32 v4, v0  }
0x129: {  	v3 =	vmul.f32 v5, v0;
	[tilespmem:s21+$0x60] =	vst v1  }
0x12a: {  	[tilespmem:s21+$0xFFFFFFF0] =	vst v2  }
0x12b: {  	[tilespmem:s21+$0xFFFFFF80] =	vst v3  }
0x12c: {  	s22 =	simm.s32 $0x8000;
	s23 =	simm.s32 $0x6;
	s21 =	rddreg [dreg:$0x17]  }
0x12d: {  	[hbm4b:s21+s7] =	stream.strided.scatter [tilespmem:s22], [sflag:$0x11], $0x2000, s8, s7, $0x38;
	[tilespmem:$0x18000] =	vst v63  }
0x12e: {  	_ =	swait.ge [sflag:s23], $0x2000  }
0x12f: {  	[sflag:s23] =	ssyncset.done $0x0  }
0x130: {  	s21 =	simm.s32 $0xA080;
	[sflag:s23] =	ssyncadd.s32 $0xFFFFE000  }
0x131: {  	v1 =	vld [tilespmem:s21+$0x70]  }
0x132: {  	v2 =	vld [tilespmem:s21+$0x0]  }
0x133: {  	v3 =	vld [tilespmem:s21+$0xFFFFFF90]  }
0x134: {  	v4 =	vld [tilespmem:s21+$0x10]  }
0x135: {  	v5 =	vld [tilespmem:s21+$0xFFFFFFA0]  }
0x136: {  	v6 =	vld [tilespmem:s21+$0x20];
	v1 =	vmul.f32 v1, v0  }
0x137: {  	v7 =	vld [tilespmem:s21+$0xFFFFFFB0];
	v2 =	vmul.f32 v2, v0  }
0x138: {  	v8 =	vld [tilespmem:s21+$0x30];
	v3 =	vmul.f32 v3, v0;
	[tilespmem:s21+$0x70] =	vst v1  }
0x139: {  	[tilespmem:s21+$0x0] =	vst v2;
	v1 =	vmul.f32 v4, v0;
	v4 =	vld [tilespmem:s21+$0xFFFFFFC0]  }
0x13a: {  	[tilespmem:s21+$0xFFFFFF90] =	vst v3;
	v2 =	vmul.f32 v5, v0;
	v5 =	vld [tilespmem:s21+$0x40]  }
0x13b: {  	v9 =	vld [tilespmem:s21+$0xFFFFFFD0];
	v3 =	vmul.f32 v6, v0;
	[tilespmem:s21+$0x10] =	vst v1  }
0x13c: {  	v6 =	vmul.f32 v7, v0;
	[tilespmem:s21+$0xFFFFFFA0] =	vst v2;
	v1 =	vld [tilespmem:s21+$0x50]  }
0x13d: {  	v7 =	vmul.f32 v8, v0;
	[tilespmem:s21+$0x20] =	vst v3;
	v2 =	vld [tilespmem:s21+$0xFFFFFFE0]  }
0x13e: {  	[tilespmem:s21+$0xFFFFFFB0] =	vst v6;
	v3 =	vld [tilespmem:s21+$0x60];
	v8 =	vmul.f32 v4, v0  }
0x13f: {  	[tilespmem:s21+$0x30] =	vst v7;
	v4 =	vld [tilespmem:s21+$0xFFFFFFF0];
	v6 =	vmul.f32 v5, v0  }
0x140: {  	s22 =	simm.s32 $0x0;
	s23 =	simm.s32 $0xA180;
	v7 =	vmul.f32 v9, v0;
	v5 =	vld [tilespmem:s21+$0xFFFFFF80];
	[tilespmem:s21+$0xFFFFFFC0] =	vst v8  }
.LBB2_12:
0x141: {  	v8 =	vld [tilespmem:s23+$0x70];
	s22 =	sadd.s32 $0x80, s22;
	[tilespmem:s21+$0x40] =	vst v6;
	v1 =	vmul.f32 v1, v0  }
0x142: {  	v6 =	vld [tilespmem:s23+$0x0];
	p0 =	slt.u32 s22, $0xF80;
	[tilespmem:s21+$0xFFFFFFD0] =	vst v7;
	v2 =	vmul.f32 v2, v0  }
0x143: {  	v7 =	vld [tilespmem:s23+$0xFFFFFF90];
	[tilespmem:s21+$0x50] =	vst v1;
	v1 =	vmul.f32 v3, v0  }
0x144: {  	v3 =	vld [tilespmem:s23+$0x10];
	[tilespmem:s21+$0xFFFFFFE0] =	vst v2;
	v2 =	vmul.f32 v4, v0  }
0x145: {  	v4 =	vld [tilespmem:s23+$0xFFFFFFA0];
	v5 =	vmul.f32 v5, v0;
	[tilespmem:s21+$0x60] =	vst v1  }
0x146: {  	v1 =	vld [tilespmem:s23+$0x20];
	v8 =	vmul.f32 v8, v0;
	[tilespmem:s21+$0xFFFFFFF0] =	vst v2  }
0x147: {  	v2 =	vmul.f32 v6, v0;
	v6 =	vld [tilespmem:s23+$0xFFFFFFB0];
	[tilespmem:s21+$0xFFFFFF80] =	vst v5;
	s21 =	smov.u32 s23  }
0x148: {  	v5 =	vmul.f32 v7, v0;
	v7 =	vld [tilespmem:s23+$0x30];
	[tilespmem:s23+$0x70] =	vst v8  }
0x149: {  	[tilespmem:s23+$0x0] =	vst v2;
	v2 =	vmul.f32 v3, v0;
	v3 =	vld [tilespmem:s23+$0xFFFFFFC0]  }
0x14a: {  	[tilespmem:s23+$0xFFFFFF90] =	vst v5;
	v4 =	vmul.f32 v4, v0;
	v5 =	vld [tilespmem:s23+$0x40]  }
0x14b: {  	[tilespmem:s23+$0x10] =	vst v2;
	v2 =	vmul.f32 v1, v0;
	v8 =	vld [tilespmem:s23+$0xFFFFFFD0]  }
.Ltmp5:
0x14c: {  	[tilespmem:s23+$0xFFFFFFA0] =	vst v4;
	v4 =	vmul.f32 v6, v0;
	v1 =	vld [tilespmem:s23+$0x50];
	(pc) =	sbr.rel @p0 .LBB2_12-.Ltmp5, $4  }
0x14d: {  	[tilespmem:s23+$0x20] =	vst v2;
	v6 =	vmul.f32 v7, v0;
	v2 =	vld [tilespmem:s23+$0xFFFFFFE0]  }
0x14e: {  	[tilespmem:s23+$0xFFFFFFB0] =	vst v4;
	v7 =	vmul.f32 v3, v0;
	v3 =	vld [tilespmem:s23+$0x60]  }
0x14f: {  	[tilespmem:s23+$0x30] =	vst v6;
	v6 =	vmul.f32 v5, v0;
	v4 =	vld [tilespmem:s23+$0xFFFFFFF0]  }
0x150: {  	s23 =	sadd.s32 $0x100, s23;
	v5 =	vld [tilespmem:s21+$0xFFFFFF80];
	[tilespmem:s21+$0xFFFFFFC0] =	vst v7;
	v7 =	vmul.f32 v8, v0  }
0x151: {  	[tilespmem:s21+$0x40] =	vst v6;
	v1 =	vmul.f32 v1, v0  }
0x152: {  	[tilespmem:s21+$0xFFFFFFD0] =	vst v7;
	v2 =	vmul.f32 v2, v0  }
0x153: {  	[tilespmem:s21+$0x50] =	vst v1;
	v1 =	vmul.f32 v3, v0  }
0x154: {  	[tilespmem:s21+$0xFFFFFFE0] =	vst v2;
	v2 =	vmul.f32 v4, v0  }
0x155: {  	v3 =	vmul.f32 v5, v0;
	[tilespmem:s21+$0x60] =	vst v1  }
0x156: {  	[tilespmem:s21+$0xFFFFFFF0] =	vst v2  }
0x157: {  	[tilespmem:s21+$0xFFFFFF80] =	vst v3  }
0x158: {  	s22 =	simm.s32 $0xA000;
	s23 =	simm.s32 $0x7;
	s21 =	rddreg [dreg:$0x19]  }
0x159: {  	[hbm4b:s21+s7] =	stream.strided.scatter [tilespmem:s22], [sflag:$0x12], $0x2000, s8, s7, $0x38;
	[tilespmem:$0x18000] =	vst v63  }
0x15a: {  	_ =	swait.ge [sflag:s23], $0x2000  }
0x15b: {  	[sflag:s23] =	ssyncset.done $0x0  }
0x15c: {  	s21 =	simm.s32 $0xC080;
	[sflag:s23] =	ssyncadd.s32 $0xFFFFE000  }
0x15d: {  	v1 =	vld [tilespmem:s21+$0x70]  }
0x15e: {  	v2 =	vld [tilespmem:s21+$0x0]  }
0x15f: {  	v3 =	vld [tilespmem:s21+$0xFFFFFF90]  }
0x160: {  	v4 =	vld [tilespmem:s21+$0x10]  }
0x161: {  	v5 =	vld [tilespmem:s21+$0xFFFFFFA0]  }
0x162: {  	v6 =	vld [tilespmem:s21+$0x20];
	v1 =	vmul.f32 v1, v0  }
0x163: {  	v7 =	vld [tilespmem:s21+$0xFFFFFFB0];
	v2 =	vmul.f32 v2, v0  }
0x164: {  	v8 =	vld [tilespmem:s21+$0x30];
	v3 =	vmul.f32 v3, v0;
	[tilespmem:s21+$0x70] =	vst v1  }
0x165: {  	[tilespmem:s21+$0x0] =	vst v2;
	v1 =	vmul.f32 v4, v0;
	v4 =	vld [tilespmem:s21+$0xFFFFFFC0]  }
0x166: {  	[tilespmem:s21+$0xFFFFFF90] =	vst v3;
	v2 =	vmul.f32 v5, v0;
	v5 =	vld [tilespmem:s21+$0x40]  }
0x167: {  	v9 =	vld [tilespmem:s21+$0xFFFFFFD0];
	v3 =	vmul.f32 v6, v0;
	[tilespmem:s21+$0x10] =	vst v1  }
0x168: {  	v6 =	vmul.f32 v7, v0;
	[tilespmem:s21+$0xFFFFFFA0] =	vst v2;
	v1 =	vld [tilespmem:s21+$0x50]  }
0x169: {  	v7 =	vmul.f32 v8, v0;
	[tilespmem:s21+$0x20] =	vst v3;
	v2 =	vld [tilespmem:s21+$0xFFFFFFE0]  }
0x16a: {  	[tilespmem:s21+$0xFFFFFFB0] =	vst v6;
	v3 =	vld [tilespmem:s21+$0x60];
	v8 =	vmul.f32 v4, v0  }
0x16b: {  	[tilespmem:s21+$0x30] =	vst v7;
	v4 =	vld [tilespmem:s21+$0xFFFFFFF0];
	v6 =	vmul.f32 v5, v0  }
0x16c: {  	s22 =	simm.s32 $0x0;
	s23 =	simm.s32 $0xC180;
	v7 =	vmul.f32 v9, v0;
	v5 =	vld [tilespmem:s21+$0xFFFFFF80];
	[tilespmem:s21+$0xFFFFFFC0] =	vst v8  }
.LBB2_14:
0x16d: {  	v8 =	vld [tilespmem:s23+$0x70];
	s22 =	sadd.s32 $0x80, s22;
	[tilespmem:s21+$0x40] =	vst v6;
	v1 =	vmul.f32 v1, v0  }
0x16e: {  	v6 =	vld [tilespmem:s23+$0x0];
	p0 =	slt.u32 s22, $0xF80;
	[tilespmem:s21+$0xFFFFFFD0] =	vst v7;
	v2 =	vmul.f32 v2, v0  }
0x16f: {  	v7 =	vld [tilespmem:s23+$0xFFFFFF90];
	[tilespmem:s21+$0x50] =	vst v1;
	v1 =	vmul.f32 v3, v0  }
0x170: {  	v3 =	vld [tilespmem:s23+$0x10];
	[tilespmem:s21+$0xFFFFFFE0] =	vst v2;
	v2 =	vmul.f32 v4, v0  }
0x171: {  	v4 =	vld [tilespmem:s23+$0xFFFFFFA0];
	v5 =	vmul.f32 v5, v0;
	[tilespmem:s21+$0x60] =	vst v1  }
0x172: {  	v1 =	vld [tilespmem:s23+$0x20];
	v8 =	vmul.f32 v8, v0;
	[tilespmem:s21+$0xFFFFFFF0] =	vst v2  }
0x173: {  	v2 =	vmul.f32 v6, v0;
	v6 =	vld [tilespmem:s23+$0xFFFFFFB0];
	[tilespmem:s21+$0xFFFFFF80] =	vst v5;
	s21 =	smov.u32 s23  }
0x174: {  	v5 =	vmul.f32 v7, v0;
	v7 =	vld [tilespmem:s23+$0x30];
	[tilespmem:s23+$0x70] =	vst v8  }
0x175: {  	[tilespmem:s23+$0x0] =	vst v2;
	v2 =	vmul.f32 v3, v0;
	v3 =	vld [tilespmem:s23+$0xFFFFFFC0]  }
0x176: {  	[tilespmem:s23+$0xFFFFFF90] =	vst v5;
	v4 =	vmul.f32 v4, v0;
	v5 =	vld [tilespmem:s23+$0x40]  }
0x177: {  	[tilespmem:s23+$0x10] =	vst v2;
	v2 =	vmul.f32 v1, v0;
	v8 =	vld [tilespmem:s23+$0xFFFFFFD0]  }
.Ltmp6:
0x178: {  	[tilespmem:s23+$0xFFFFFFA0] =	vst v4;
	v4 =	vmul.f32 v6, v0;
	v1 =	vld [tilespmem:s23+$0x50];
	(pc) =	sbr.rel @p0 .LBB2_14-.Ltmp6, $4  }
0x179: {  	[tilespmem:s23+$0x20] =	vst v2;
	v6 =	vmul.f32 v7, v0;
	v2 =	vld [tilespmem:s23+$0xFFFFFFE0]  }
0x17a: {  	[tilespmem:s23+$0xFFFFFFB0] =	vst v4;
	v7 =	vmul.f32 v3, v0;
	v3 =	vld [tilespmem:s23+$0x60]  }
0x17b: {  	[tilespmem:s23+$0x30] =	vst v6;
	v6 =	vmul.f32 v5, v0;
	v4 =	vld [tilespmem:s23+$0xFFFFFFF0]  }
0x17c: {  	s23 =	sadd.s32 $0x100, s23;
	v5 =	vld [tilespmem:s21+$0xFFFFFF80];
	[tilespmem:s21+$0xFFFFFFC0] =	vst v7;
	v7 =	vmul.f32 v8, v0  }
0x17d: {  	[tilespmem:s21+$0x40] =	vst v6;
	v1 =	vmul.f32 v1, v0  }
0x17e: {  	[tilespmem:s21+$0xFFFFFFD0] =	vst v7;
	v2 =	vmul.f32 v2, v0  }
0x17f: {  	[tilespmem:s21+$0x50] =	vst v1;
	v1 =	vmul.f32 v3, v0  }
0x180: {  	[tilespmem:s21+$0xFFFFFFE0] =	vst v2;
	v2 =	vmul.f32 v4, v0  }
0x181: {  	v3 =	vmul.f32 v5, v0;
	[tilespmem:s21+$0x60] =	vst v1  }
0x182: {  	[tilespmem:s21+$0xFFFFFFF0] =	vst v2  }
0x183: {  	[tilespmem:s21+$0xFFFFFF80] =	vst v3  }
0x184: {  	s22 =	simm.s32 $0xC000;
	s21 =	rddreg [dreg:$0x1a]  }
0x185: {  	[hbm4b:s21+s7] =	stream.strided.scatter [tilespmem:s22], [sflag:$0x13], $0x2000, s8, s7, $0x38;
	[tilespmem:$0x18000] =	vst v63  }
0x186: {  	_ =	swait.ge [sflag:s24], $0x2000  }
0x187: {  	[sflag:s24] =	ssyncset.done $0x0  }
0x188: {  	s21 =	simm.s32 $0xE080;
	[sflag:s24] =	ssyncadd.s32 $0xFFFFE000  }
0x189: {  	v1 =	vld [tilespmem:s21+$0x70]  }
0x18a: {  	v2 =	vld [tilespmem:s21+$0x0]  }
0x18b: {  	v3 =	vld [tilespmem:s21+$0xFFFFFF90]  }
0x18c: {  	v4 =	vld [tilespmem:s21+$0x10]  }
0x18d: {  	v5 =	vld [tilespmem:s21+$0xFFFFFFA0]  }
0x18e: {  	v6 =	vld [tilespmem:s21+$0x20];
	v1 =	vmul.f32 v1, v0  }
0x18f: {  	v7 =	vld [tilespmem:s21+$0xFFFFFFB0];
	v2 =	vmul.f32 v2, v0  }
0x190: {  	v8 =	vld [tilespmem:s21+$0x30];
	v3 =	vmul.f32 v3, v0;
	[tilespmem:s21+$0x70] =	vst v1  }
0x191: {  	[tilespmem:s21+$0x0] =	vst v2;
	v1 =	vmul.f32 v4, v0;
	v4 =	vld [tilespmem:s21+$0xFFFFFFC0]  }
0x192: {  	[tilespmem:s21+$0xFFFFFF90] =	vst v3;
	v2 =	vmul.f32 v5, v0;
	v5 =	vld [tilespmem:s21+$0x40]  }
0x193: {  	v9 =	vld [tilespmem:s21+$0xFFFFFFD0];
	v3 =	vmul.f32 v6, v0;
	[tilespmem:s21+$0x10] =	vst v1  }
0x194: {  	v6 =	vmul.f32 v7, v0;
	[tilespmem:s21+$0xFFFFFFA0] =	vst v2;
	v1 =	vld [tilespmem:s21+$0x50]  }
0x195: {  	v7 =	vmul.f32 v8, v0;
	[tilespmem:s21+$0x20] =	vst v3;
	v2 =	vld [tilespmem:s21+$0xFFFFFFE0]  }
0x196: {  	[tilespmem:s21+$0xFFFFFFB0] =	vst v6;
	v3 =	vld [tilespmem:s21+$0x60];
	v8 =	vmul.f32 v4, v0  }
0x197: {  	[tilespmem:s21+$0x30] =	vst v7;
	v4 =	vld [tilespmem:s21+$0xFFFFFFF0];
	v6 =	vmul.f32 v5, v0  }
0x198: {  	s23 =	simm.s32 $0xE180;
	s22 =	simm.s32 $0x0;
	v7 =	vmul.f32 v9, v0;
	v5 =	vld [tilespmem:s21+$0xFFFFFF80];
	[tilespmem:s21+$0xFFFFFFC0] =	vst v8  }
.LBB2_16:
0x199: {  	v8 =	vld [tilespmem:s23+$0x70];
	s22 =	sadd.s32 $0x80, s22;
	[tilespmem:s21+$0x40] =	vst v6;
	v1 =	vmul.f32 v1, v0  }
0x19a: {  	v6 =	vld [tilespmem:s23+$0x0];
	p0 =	slt.u32 s22, $0xF80;
	[tilespmem:s21+$0xFFFFFFD0] =	vst v7;
	v2 =	vmul.f32 v2, v0  }
0x19b: {  	v7 =	vld [tilespmem:s23+$0xFFFFFF90];
	[tilespmem:s21+$0x50] =	vst v1;
	v1 =	vmul.f32 v3, v0  }
0x19c: {  	v3 =	vld [tilespmem:s23+$0x10];
	[tilespmem:s21+$0xFFFFFFE0] =	vst v2;
	v2 =	vmul.f32 v4, v0  }
0x19d: {  	v4 =	vld [tilespmem:s23+$0xFFFFFFA0];
	v5 =	vmul.f32 v5, v0;
	[tilespmem:s21+$0x60] =	vst v1  }
0x19e: {  	v1 =	vld [tilespmem:s23+$0x20];
	v8 =	vmul.f32 v8, v0;
	[tilespmem:s21+$0xFFFFFFF0] =	vst v2  }
0x19f: {  	v2 =	vmul.f32 v6, v0;
	v6 =	vld [tilespmem:s23+$0xFFFFFFB0];
	[tilespmem:s21+$0xFFFFFF80] =	vst v5;
	s21 =	smov.u32 s23  }
0x1a0: {  	v5 =	vmul.f32 v7, v0;
	v7 =	vld [tilespmem:s23+$0x30];
	[tilespmem:s23+$0x70] =	vst v8  }
0x1a1: {  	[tilespmem:s23+$0x0] =	vst v2;
	v2 =	vmul.f32 v3, v0;
	v3 =	vld [tilespmem:s23+$0xFFFFFFC0]  }
0x1a2: {  	[tilespmem:s23+$0xFFFFFF90] =	vst v5;
	v4 =	vmul.f32 v4, v0;
	v5 =	vld [tilespmem:s23+$0x40]  }
0x1a3: {  	[tilespmem:s23+$0x10] =	vst v2;
	v2 =	vmul.f32 v1, v0;
	v8 =	vld [tilespmem:s23+$0xFFFFFFD0]  }
.Ltmp7:
0x1a4: {  	[tilespmem:s23+$0xFFFFFFA0] =	vst v4;
	v4 =	vmul.f32 v6, v0;
	v1 =	vld [tilespmem:s23+$0x50];
	(pc) =	sbr.rel @p0 .LBB2_16-.Ltmp7, $4  }
0x1a5: {  	[tilespmem:s23+$0x20] =	vst v2;
	v6 =	vmul.f32 v7, v0;
	v2 =	vld [tilespmem:s23+$0xFFFFFFE0]  }
0x1a6: {  	[tilespmem:s23+$0xFFFFFFB0] =	vst v4;
	v7 =	vmul.f32 v3, v0;
	v3 =	vld [tilespmem:s23+$0x60]  }
0x1a7: {  	[tilespmem:s23+$0x30] =	vst v6;
	v6 =	vmul.f32 v5, v0;
	v4 =	vld [tilespmem:s23+$0xFFFFFFF0]  }
0x1a8: {  	s23 =	sadd.s32 $0x100, s23;
	v5 =	vld [tilespmem:s21+$0xFFFFFF80];
	[tilespmem:s21+$0xFFFFFFC0] =	vst v7;
	v7 =	vmul.f32 v8, v0  }
0x1a9: {  	[tilespmem:s21+$0x40] =	vst v6;
	v1 =	vmul.f32 v1, v0  }
0x1aa: {  	[tilespmem:s21+$0xFFFFFFD0] =	vst v7;
	v2 =	vmul.f32 v2, v0  }
0x1ab: {  	[tilespmem:s21+$0x50] =	vst v1;
	v1 =	vmul.f32 v3, v0  }
0x1ac: {  	[tilespmem:s21+$0xFFFFFFE0] =	vst v2;
	v2 =	vmul.f32 v4, v0  }
0x1ad: {  	v3 =	vmul.f32 v5, v0;
	[tilespmem:s21+$0x60] =	vst v1  }
0x1ae: {  	[tilespmem:s21+$0xFFFFFFF0] =	vst v2  }
0x1af: {  	[tilespmem:s21+$0xFFFFFF80] =	vst v3  }
0x1b0: {  	s22 =	simm.s32 $0xE000;
	s21 =	rddreg [dreg:$0x1b]  }
0x1b1: {  	[hbm4b:s21+s7] =	stream.strided.scatter [tilespmem:s22], [sflag:$0x14], $0x2000, s8, s7, $0x38;
	[tilespmem:$0x18000] =	vst v63  }
0x1b2: {  	_ =	swait.ge [sflag:s25], $0x2000  }
0x1b3: {  	[sflag:s25] =	ssyncset.done $0x0  }
0x1b4: {  	s21 =	simm.s32 $0x10080;
	[sflag:s25] =	ssyncadd.s32 $0xFFFFE000  }
0x1b5: {  	v1 =	vld [tilespmem:s21+$0x70]  }
0x1b6: {  	v2 =	vld [tilespmem:s21+$0x0]  }
0x1b7: {  	v3 =	vld [tilespmem:s21+$0xFFFFFF90]  }
0x1b8: {  	v4 =	vld [tilespmem:s21+$0x10]  }
0x1b9: {  	v5 =	vld [tilespmem:s21+$0xFFFFFFA0]  }
0x1ba: {  	v6 =	vld [tilespmem:s21+$0x20];
	v1 =	vmul.f32 $8.000000000e+00, v1  }
0x1bb: {  	v7 =	vld [tilespmem:s21+$0xFFFFFFB0];
	v2 =	vmul.f32 $8.000000000e+00, v2  }
0x1bc: {  	v8 =	vld [tilespmem:s21+$0x30];
	v3 =	vmul.f32 $8.000000000e+00, v3;
	[tilespmem:s21+$0x70] =	vst v1  }
0x1bd: {  	[tilespmem:s21+$0x0] =	vst v2;
	v1 =	vmul.f32 $8.000000000e+00, v4;
	v4 =	vld [tilespmem:s21+$0xFFFFFFC0]  }
0x1be: {  	[tilespmem:s21+$0xFFFFFF90] =	vst v3;
	v2 =	vmul.f32 $8.000000000e+00, v5;
	v5 =	vld [tilespmem:s21+$0x40]  }
0x1bf: {  	v9 =	vld [tilespmem:s21+$0xFFFFFFD0];
	v3 =	vmul.f32 $8.000000000e+00, v6;
	[tilespmem:s21+$0x10] =	vst v1  }
0x1c0: {  	v6 =	vmul.f32 $8.000000000e+00, v7;
	[tilespmem:s21+$0xFFFFFFA0] =	vst v2;
	v1 =	vld [tilespmem:s21+$0x50]  }
0x1c1: {  	v7 =	vmul.f32 $8.000000000e+00, v8;
	[tilespmem:s21+$0x20] =	vst v3;
	v2 =	vld [tilespmem:s21+$0xFFFFFFE0]  }
0x1c2: {  	[tilespmem:s21+$0xFFFFFFB0] =	vst v6;
	v3 =	vld [tilespmem:s21+$0x60];
	v8 =	vmul.f32 $8.000000000e+00, v4  }
0x1c3: {  	[tilespmem:s21+$0x30] =	vst v7;
	v4 =	vld [tilespmem:s21+$0xFFFFFFF0];
	v6 =	vmul.f32 $8.000000000e+00, v5  }
0x1c4: {  	s23 =	simm.s32 $0x10180;
	s22 =	simm.s32 $0x0;
	v7 =	vmul.f32 $8.000000000e+00, v9;
	v5 =	vld [tilespmem:s21+$0xFFFFFF80];
	[tilespmem:s21+$0xFFFFFFC0] =	vst v8  }
.LBB2_18:
0x1c5: {  	v8 =	vld [tilespmem:s23+$0x70];
	s22 =	sadd.s32 $0x80, s22;
	[tilespmem:s21+$0x40] =	vst v6;
	v1 =	vmul.f32 $8.000000000e+00, v1  }
0x1c6: {  	v6 =	vld [tilespmem:s23+$0x0];
	p0 =	slt.u32 s22, $0xF80;
	[tilespmem:s21+$0xFFFFFFD0] =	vst v7;
	v2 =	vmul.f32 $8.000000000e+00, v2  }
0x1c7: {  	v7 =	vld [tilespmem:s23+$0xFFFFFF90];
	[tilespmem:s21+$0x50] =	vst v1;
	v1 =	vmul.f32 $8.000000000e+00, v3  }
0x1c8: {  	v3 =	vld [tilespmem:s23+$0x10];
	[tilespmem:s21+$0xFFFFFFE0] =	vst v2;
	v2 =	vmul.f32 $8.000000000e+00, v4  }
0x1c9: {  	v4 =	vld [tilespmem:s23+$0xFFFFFFA0];
	v5 =	vmul.f32 $8.000000000e+00, v5;
	[tilespmem:s21+$0x60] =	vst v1  }
0x1ca: {  	v1 =	vld [tilespmem:s23+$0x20];
	v8 =	vmul.f32 $8.000000000e+00, v8;
	[tilespmem:s21+$0xFFFFFFF0] =	vst v2  }
0x1cb: {  	v2 =	vmul.f32 $8.000000000e+00, v6;
	v6 =	vld [tilespmem:s23+$0xFFFFFFB0];
	[tilespmem:s21+$0xFFFFFF80] =	vst v5;
	s21 =	smov.u32 s23  }
0x1cc: {  	v5 =	vmul.f32 $8.000000000e+00, v7;
	v7 =	vld [tilespmem:s23+$0x30];
	[tilespmem:s23+$0x70] =	vst v8  }
0x1cd: {  	[tilespmem:s23+$0x0] =	vst v2;
	v2 =	vmul.f32 $8.000000000e+00, v3;
	v3 =	vld [tilespmem:s23+$0xFFFFFFC0]  }
0x1ce: {  	[tilespmem:s23+$0xFFFFFF90] =	vst v5;
	v4 =	vmul.f32 $8.000000000e+00, v4;
	v5 =	vld [tilespmem:s23+$0x40]  }
0x1cf: {  	[tilespmem:s23+$0x10] =	vst v2;
	v2 =	vmul.f32 $8.000000000e+00, v1;
	v8 =	vld [tilespmem:s23+$0xFFFFFFD0]  }
.Ltmp8:
0x1d0: {  	[tilespmem:s23+$0xFFFFFFA0] =	vst v4;
	v4 =	vmul.f32 $8.000000000e+00, v6;
	v1 =	vld [tilespmem:s23+$0x50];
	(pc) =	sbr.rel @p0 .LBB2_18-.Ltmp8, $4  }
0x1d1: {  	[tilespmem:s23+$0x20] =	vst v2;
	v6 =	vmul.f32 $8.000000000e+00, v7;
	v2 =	vld [tilespmem:s23+$0xFFFFFFE0]  }
0x1d2: {  	[tilespmem:s23+$0xFFFFFFB0] =	vst v4;
	v7 =	vmul.f32 $8.000000000e+00, v3;
	v3 =	vld [tilespmem:s23+$0x60]  }
0x1d3: {  	[tilespmem:s23+$0x30] =	vst v6;
	v6 =	vmul.f32 $8.000000000e+00, v5;
	v4 =	vld [tilespmem:s23+$0xFFFFFFF0]  }
0x1d4: {  	s23 =	sadd.s32 $0x100, s23;
	v5 =	vld [tilespmem:s21+$0xFFFFFF80];
	[tilespmem:s21+$0xFFFFFFC0] =	vst v7;
	v7 =	vmul.f32 $8.000000000e+00, v8  }
0x1d5: {  	[tilespmem:s21+$0x40] =	vst v6;
	v1 =	vmul.f32 $8.000000000e+00, v1  }
0x1d6: {  	[tilespmem:s21+$0xFFFFFFD0] =	vst v7;
	v2 =	vmul.f32 $8.000000000e+00, v2  }
0x1d7: {  	[tilespmem:s21+$0x50] =	vst v1;
	v1 =	vmul.f32 $8.000000000e+00, v3  }
0x1d8: {  	[tilespmem:s21+$0xFFFFFFE0] =	vst v2;
	v2 =	vmul.f32 $8.000000000e+00, v4  }
0x1d9: {  	v3 =	vmul.f32 $8.000000000e+00, v5;
	[tilespmem:s21+$0x60] =	vst v1  }
0x1da: {  	[tilespmem:s21+$0xFFFFFFF0] =	vst v2  }
0x1db: {  	[tilespmem:s21+$0xFFFFFF80] =	vst v3  }
0x1dc: {  	s22 =	simm.s32 $0x10000;
	s21 =	rddreg [dreg:$0x1c]  }
0x1dd: {  	[hbm4b:s21+s7] =	stream.strided.scatter [tilespmem:s22], [sflag:$0x15], $0x2000, s8, s7, $0x38;
	[tilespmem:$0x18000] =	vst v63  }
0x1de: {  	_ =	swait.ge [sflag:s26], $0x2000  }
0x1df: {  	[sflag:s26] =	ssyncset.done $0x0  }
0x1e0: {  	s21 =	simm.s32 $0x12080;
	[sflag:s26] =	ssyncadd.s32 $0xFFFFE000  }
0x1e1: {  	v1 =	vld [tilespmem:s21+$0x70]  }
0x1e2: {  	v2 =	vld [tilespmem:s21+$0x0]  }
0x1e3: {  	v3 =	vld [tilespmem:s21+$0xFFFFFF90]  }
0x1e4: {  	v4 =	vld [tilespmem:s21+$0x10]  }
0x1e5: {  	v5 =	vld [tilespmem:s21+$0xFFFFFFA0]  }
0x1e6: {  	v6 =	vld [tilespmem:s21+$0x20];
	v1 =	vmul.f32 $8.000000000e+00, v1  }
0x1e7: {  	v7 =	vld [tilespmem:s21+$0xFFFFFFB0];
	v2 =	vmul.f32 $8.000000000e+00, v2  }
0x1e8: {  	v8 =	vld [tilespmem:s21+$0x30];
	v3 =	vmul.f32 $8.000000000e+00, v3;
	[tilespmem:s21+$0x70] =	vst v1  }
0x1e9: {  	[tilespmem:s21+$0x0] =	vst v2;
	v1 =	vmul.f32 $8.000000000e+00, v4;
	v4 =	vld [tilespmem:s21+$0xFFFFFFC0]  }
0x1ea: {  	[tilespmem:s21+$0xFFFFFF90] =	vst v3;
	v2 =	vmul.f32 $8.000000000e+00, v5;
	v5 =	vld [tilespmem:s21+$0x40]  }
0x1eb: {  	v9 =	vld [tilespmem:s21+$0xFFFFFFD0];
	v3 =	vmul.f32 $8.000000000e+00, v6;
	[tilespmem:s21+$0x10] =	vst v1  }
0x1ec: {  	v6 =	vmul.f32 $8.000000000e+00, v7;
	[tilespmem:s21+$0xFFFFFFA0] =	vst v2;
	v1 =	vld [tilespmem:s21+$0x50]  }
0x1ed: {  	v7 =	vmul.f32 $8.000000000e+00, v8;
	[tilespmem:s21+$0x20] =	vst v3;
	v2 =	vld [tilespmem:s21+$0xFFFFFFE0]  }
0x1ee: {  	[tilespmem:s21+$0xFFFFFFB0] =	vst v6;
	v3 =	vld [tilespmem:s21+$0x60];
	v8 =	vmul.f32 $8.000000000e+00, v4  }
0x1ef: {  	[tilespmem:s21+$0x30] =	vst v7;
	v4 =	vld [tilespmem:s21+$0xFFFFFFF0];
	v6 =	vmul.f32 $8.000000000e+00, v5  }
0x1f0: {  	s23 =	simm.s32 $0x12180;
	s22 =	simm.s32 $0x0;
	v7 =	vmul.f32 $8.000000000e+00, v9;
	v5 =	vld [tilespmem:s21+$0xFFFFFF80];
	[tilespmem:s21+$0xFFFFFFC0] =	vst v8  }
.LBB2_20:
0x1f1: {  	v8 =	vld [tilespmem:s23+$0x70];
	s22 =	sadd.s32 $0x80, s22;
	[tilespmem:s21+$0x40] =	vst v6;
	v1 =	vmul.f32 $8.000000000e+00, v1  }
0x1f2: {  	v6 =	vld [tilespmem:s23+$0x0];
	p0 =	slt.u32 s22, $0xF80;
	[tilespmem:s21+$0xFFFFFFD0] =	vst v7;
	v2 =	vmul.f32 $8.000000000e+00, v2  }
0x1f3: {  	v7 =	vld [tilespmem:s23+$0xFFFFFF90];
	[tilespmem:s21+$0x50] =	vst v1;
	v1 =	vmul.f32 $8.000000000e+00, v3  }
0x1f4: {  	v3 =	vld [tilespmem:s23+$0x10];
	[tilespmem:s21+$0xFFFFFFE0] =	vst v2;
	v2 =	vmul.f32 $8.000000000e+00, v4  }
0x1f5: {  	v4 =	vld [tilespmem:s23+$0xFFFFFFA0];
	v5 =	vmul.f32 $8.000000000e+00, v5;
	[tilespmem:s21+$0x60] =	vst v1  }
0x1f6: {  	v1 =	vld [tilespmem:s23+$0x20];
	v8 =	vmul.f32 $8.000000000e+00, v8;
	[tilespmem:s21+$0xFFFFFFF0] =	vst v2  }
0x1f7: {  	v2 =	vmul.f32 $8.000000000e+00, v6;
	v6 =	vld [tilespmem:s23+$0xFFFFFFB0];
	[tilespmem:s21+$0xFFFFFF80] =	vst v5;
	s21 =	smov.u32 s23  }
0x1f8: {  	v5 =	vmul.f32 $8.000000000e+00, v7;
	v7 =	vld [tilespmem:s23+$0x30];
	[tilespmem:s23+$0x70] =	vst v8  }
0x1f9: {  	[tilespmem:s23+$0x0] =	vst v2;
	v2 =	vmul.f32 $8.000000000e+00, v3;
	v3 =	vld [tilespmem:s23+$0xFFFFFFC0]  }
0x1fa: {  	[tilespmem:s23+$0xFFFFFF90] =	vst v5;
	v4 =	vmul.f32 $8.000000000e+00, v4;
	v5 =	vld [tilespmem:s23+$0x40]  }
0x1fb: {  	[tilespmem:s23+$0x10] =	vst v2;
	v2 =	vmul.f32 $8.000000000e+00, v1;
	v8 =	vld [tilespmem:s23+$0xFFFFFFD0]  }
.Ltmp9:
0x1fc: {  	[tilespmem:s23+$0xFFFFFFA0] =	vst v4;
	v4 =	vmul.f32 $8.000000000e+00, v6;
	v1 =	vld [tilespmem:s23+$0x50];
	(pc) =	sbr.rel @p0 .LBB2_20-.Ltmp9, $4  }
0x1fd: {  	[tilespmem:s23+$0x20] =	vst v2;
	v6 =	vmul.f32 $8.000000000e+00, v7;
	v2 =	vld [tilespmem:s23+$0xFFFFFFE0]  }
0x1fe: {  	[tilespmem:s23+$0xFFFFFFB0] =	vst v4;
	v7 =	vmul.f32 $8.000000000e+00, v3;
	v3 =	vld [tilespmem:s23+$0x60]  }
0x1ff: {  	[tilespmem:s23+$0x30] =	vst v6;
	v6 =	vmul.f32 $8.000000000e+00, v5;
	v4 =	vld [tilespmem:s23+$0xFFFFFFF0]  }
0x200: {  	s23 =	sadd.s32 $0x100, s23;
	v5 =	vld [tilespmem:s21+$0xFFFFFF80];
	[tilespmem:s21+$0xFFFFFFC0] =	vst v7;
	v7 =	vmul.f32 $8.000000000e+00, v8  }
0x201: {  	[tilespmem:s21+$0x40] =	vst v6;
	v1 =	vmul.f32 $8.000000000e+00, v1  }
0x202: {  	[tilespmem:s21+$0xFFFFFFD0] =	vst v7;
	v2 =	vmul.f32 $8.000000000e+00, v2  }
0x203: {  	[tilespmem:s21+$0x50] =	vst v1;
	v1 =	vmul.f32 $8.000000000e+00, v3  }
0x204: {  	[tilespmem:s21+$0xFFFFFFE0] =	vst v2;
	v2 =	vmul.f32 $8.000000000e+00, v4  }
0x205: {  	v3 =	vmul.f32 $8.000000000e+00, v5;
	[tilespmem:s21+$0x60] =	vst v1  }
0x206: {  	[tilespmem:s21+$0xFFFFFFF0] =	vst v2  }
0x207: {  	[tilespmem:s21+$0xFFFFFF80] =	vst v3  }
0x208: {  	s22 =	simm.s32 $0x12000;
	s21 =	rddreg [dreg:$0x1d]  }
0x209: {  	[hbm4b:s21+s7] =	stream.strided.scatter [tilespmem:s22], [sflag:$0x16], $0x2000, s8, s7, $0x38;
	[tilespmem:$0x18000] =	vst v63  }
0x20a: {  	_ =	swait.ge [sflag:s28], $0x2000  }
0x20b: {  	[sflag:s28] =	ssyncset.done $0x0  }
0x20c: {  	s21 =	simm.s32 $0x14080;
	[sflag:s28] =	ssyncadd.s32 $0xFFFFE000  }
0x20d: {  	v1 =	vld [tilespmem:s21+$0x70]  }
0x20e: {  	v2 =	vld [tilespmem:s21+$0x0]  }
0x20f: {  	v3 =	vld [tilespmem:s21+$0xFFFFFF90]  }
0x210: {  	v4 =	vld [tilespmem:s21+$0x10]  }
0x211: {  	v5 =	vld [tilespmem:s21+$0xFFFFFFA0]  }
0x212: {  	v6 =	vld [tilespmem:s21+$0x20];
	v1 =	vmul.f32 $8.000000000e+00, v1  }
0x213: {  	v7 =	vld [tilespmem:s21+$0xFFFFFFB0];
	v2 =	vmul.f32 $8.000000000e+00, v2  }
0x214: {  	v8 =	vld [tilespmem:s21+$0x30];
	v3 =	vmul.f32 $8.000000000e+00, v3;
	[tilespmem:s21+$0x70] =	vst v1  }
0x215: {  	[tilespmem:s21+$0x0] =	vst v2;
	v1 =	vmul.f32 $8.000000000e+00, v4;
	v4 =	vld [tilespmem:s21+$0xFFFFFFC0]  }
0x216: {  	[tilespmem:s21+$0xFFFFFF90] =	vst v3;
	v2 =	vmul.f32 $8.000000000e+00, v5;
	v5 =	vld [tilespmem:s21+$0x40]  }
0x217: {  	v9 =	vld [tilespmem:s21+$0xFFFFFFD0];
	v3 =	vmul.f32 $8.000000000e+00, v6;
	[tilespmem:s21+$0x10] =	vst v1  }
0x218: {  	v6 =	vmul.f32 $8.000000000e+00, v7;
	[tilespmem:s21+$0xFFFFFFA0] =	vst v2;
	v1 =	vld [tilespmem:s21+$0x50]  }
0x219: {  	v7 =	vmul.f32 $8.000000000e+00, v8;
	[tilespmem:s21+$0x20] =	vst v3;
	v2 =	vld [tilespmem:s21+$0xFFFFFFE0]  }
0x21a: {  	[tilespmem:s21+$0xFFFFFFB0] =	vst v6;
	v3 =	vld [tilespmem:s21+$0x60];
	v8 =	vmul.f32 $8.000000000e+00, v4  }
0x21b: {  	[tilespmem:s21+$0x30] =	vst v7;
	v4 =	vld [tilespmem:s21+$0xFFFFFFF0];
	v6 =	vmul.f32 $8.000000000e+00, v5  }
0x21c: {  	s23 =	simm.s32 $0x14180;
	s22 =	simm.s32 $0x0;
	v7 =	vmul.f32 $8.000000000e+00, v9;
	v5 =	vld [tilespmem:s21+$0xFFFFFF80];
	[tilespmem:s21+$0xFFFFFFC0] =	vst v8  }
.LBB2_22:
0x21d: {  	v8 =	vld [tilespmem:s23+$0x70];
	s22 =	sadd.s32 $0x80, s22;
	[tilespmem:s21+$0x40] =	vst v6;
	v1 =	vmul.f32 $8.000000000e+00, v1  }
0x21e: {  	v6 =	vld [tilespmem:s23+$0x0];
	p0 =	slt.u32 s22, $0xF80;
	[tilespmem:s21+$0xFFFFFFD0] =	vst v7;
	v2 =	vmul.f32 $8.000000000e+00, v2  }
0x21f: {  	v7 =	vld [tilespmem:s23+$0xFFFFFF90];
	[tilespmem:s21+$0x50] =	vst v1;
	v1 =	vmul.f32 $8.000000000e+00, v3  }
0x220: {  	v3 =	vld [tilespmem:s23+$0x10];
	[tilespmem:s21+$0xFFFFFFE0] =	vst v2;
	v2 =	vmul.f32 $8.000000000e+00, v4  }
0x221: {  	v4 =	vld [tilespmem:s23+$0xFFFFFFA0];
	v5 =	vmul.f32 $8.000000000e+00, v5;
	[tilespmem:s21+$0x60] =	vst v1  }
0x222: {  	v1 =	vld [tilespmem:s23+$0x20];
	v8 =	vmul.f32 $8.000000000e+00, v8;
	[tilespmem:s21+$0xFFFFFFF0] =	vst v2  }
0x223: {  	v2 =	vmul.f32 $8.000000000e+00, v6;
	v6 =	vld [tilespmem:s23+$0xFFFFFFB0];
	[tilespmem:s21+$0xFFFFFF80] =	vst v5;
	s21 =	smov.u32 s23  }
0x224: {  	v5 =	vmul.f32 $8.000000000e+00, v7;
	v7 =	vld [tilespmem:s23+$0x30];
	[tilespmem:s23+$0x70] =	vst v8  }
0x225: {  	[tilespmem:s23+$0x0] =	vst v2;
	v2 =	vmul.f32 $8.000000000e+00, v3;
	v3 =	vld [tilespmem:s23+$0xFFFFFFC0]  }
0x226: {  	[tilespmem:s23+$0xFFFFFF90] =	vst v5;
	v4 =	vmul.f32 $8.000000000e+00, v4;
	v5 =	vld [tilespmem:s23+$0x40]  }
0x227: {  	[tilespmem:s23+$0x10] =	vst v2;
	v2 =	vmul.f32 $8.000000000e+00, v1;
	v8 =	vld [tilespmem:s23+$0xFFFFFFD0]  }
.Ltmp10:
0x228: {  	[tilespmem:s23+$0xFFFFFFA0] =	vst v4;
	v4 =	vmul.f32 $8.000000000e+00, v6;
	v1 =	vld [tilespmem:s23+$0x50];
	(pc) =	sbr.rel @p0 .LBB2_22-.Ltmp10, $4  }
0x229: {  	[tilespmem:s23+$0x20] =	vst v2;
	v6 =	vmul.f32 $8.000000000e+00, v7;
	v2 =	vld [tilespmem:s23+$0xFFFFFFE0]  }
0x22a: {  	[tilespmem:s23+$0xFFFFFFB0] =	vst v4;
	v7 =	vmul.f32 $8.000000000e+00, v3;
	v3 =	vld [tilespmem:s23+$0x60]  }
0x22b: {  	[tilespmem:s23+$0x30] =	vst v6;
	v6 =	vmul.f32 $8.000000000e+00, v5;
	v4 =	vld [tilespmem:s23+$0xFFFFFFF0]  }
0x22c: {  	s23 =	sadd.s32 $0x100, s23;
	v5 =	vld [tilespmem:s21+$0xFFFFFF80];
	[tilespmem:s21+$0xFFFFFFC0] =	vst v7;
	v7 =	vmul.f32 $8.000000000e+00, v8  }
0x22d: {  	[tilespmem:s21+$0x40] =	vst v6;
	v1 =	vmul.f32 $8.000000000e+00, v1  }
0x22e: {  	[tilespmem:s21+$0xFFFFFFD0] =	vst v7;
	v2 =	vmul.f32 $8.000000000e+00, v2  }
0x22f: {  	[tilespmem:s21+$0x50] =	vst v1;
	v1 =	vmul.f32 $8.000000000e+00, v3  }
0x230: {  	[tilespmem:s21+$0xFFFFFFE0] =	vst v2;
	v2 =	vmul.f32 $8.000000000e+00, v4  }
0x231: {  	v3 =	vmul.f32 $8.000000000e+00, v5;
	[tilespmem:s21+$0x60] =	vst v1  }
0x232: {  	[tilespmem:s21+$0xFFFFFFF0] =	vst v2  }
0x233: {  	[tilespmem:s21+$0xFFFFFF80] =	vst v3  }
0x234: {  	s22 =	simm.s32 $0x14000;
	s21 =	rddreg [dreg:$0x1e]  }
0x235: {  	[hbm4b:s21+s7] =	stream.strided.scatter [tilespmem:s22], [sflag:$0x17], $0x2000, s8, s7, $0x38;
	[tilespmem:$0x18000] =	vst v63  }
0x236: {  	_ =	swait.ge [sflag:s29], $0x2000  }
0x237: {  	[sflag:s29] =	ssyncset.done $0x0  }
0x238: {  	s21 =	simm.s32 $0x16080;
	[sflag:s29] =	ssyncadd.s32 $0xFFFFE000  }
0x239: {  	v1 =	vld [tilespmem:s21+$0x70]  }
0x23a: {  	v2 =	vld [tilespmem:s21+$0x0]  }
0x23b: {  	v3 =	vld [tilespmem:s21+$0xFFFFFF90]  }
0x23c: {  	v4 =	vld [tilespmem:s21+$0x10]  }
0x23d: {  	v5 =	vld [tilespmem:s21+$0xFFFFFFA0]  }
0x23e: {  	v6 =	vld [tilespmem:s21+$0x20];
	v1 =	vmul.f32 $8.000000000e+00, v1  }
0x23f: {  	v7 =	vld [tilespmem:s21+$0xFFFFFFB0];
	v2 =	vmul.f32 $8.000000000e+00, v2  }
0x240: {  	v8 =	vld [tilespmem:s21+$0x30];
	v3 =	vmul.f32 $8.000000000e+00, v3;
	[tilespmem:s21+$0x70] =	vst v1  }
0x241: {  	[tilespmem:s21+$0x0] =	vst v2;
	v1 =	vmul.f32 $8.000000000e+00, v4;
	v4 =	vld [tilespmem:s21+$0xFFFFFFC0]  }
0x242: {  	[tilespmem:s21+$0xFFFFFF90] =	vst v3;
	v2 =	vmul.f32 $8.000000000e+00, v5;
	v5 =	vld [tilespmem:s21+$0x40]  }
0x243: {  	v9 =	vld [tilespmem:s21+$0xFFFFFFD0];
	v3 =	vmul.f32 $8.000000000e+00, v6;
	[tilespmem:s21+$0x10] =	vst v1  }
0x244: {  	v6 =	vmul.f32 $8.000000000e+00, v7;
	[tilespmem:s21+$0xFFFFFFA0] =	vst v2;
	v1 =	vld [tilespmem:s21+$0x50]  }
0x245: {  	v7 =	vmul.f32 $8.000000000e+00, v8;
	[tilespmem:s21+$0x20] =	vst v3;
	v2 =	vld [tilespmem:s21+$0xFFFFFFE0]  }
0x246: {  	[tilespmem:s21+$0xFFFFFFB0] =	vst v6;
	v3 =	vld [tilespmem:s21+$0x60];
	v8 =	vmul.f32 $8.000000000e+00, v4  }
0x247: {  	[tilespmem:s21+$0x30] =	vst v7;
	v4 =	vld [tilespmem:s21+$0xFFFFFFF0];
	v6 =	vmul.f32 $8.000000000e+00, v5  }
0x248: {  	s23 =	simm.s32 $0x16180;
	s22 =	simm.s32 $0x0;
	v7 =	vmul.f32 $8.000000000e+00, v9;
	v5 =	vld [tilespmem:s21+$0xFFFFFF80];
	[tilespmem:s21+$0xFFFFFFC0] =	vst v8  }
.LBB2_24:
0x249: {  	v8 =	vld [tilespmem:s23+$0x70];
	s22 =	sadd.s32 $0x80, s22;
	[tilespmem:s21+$0x40] =	vst v6;
	v1 =	vmul.f32 $8.000000000e+00, v1  }
0x24a: {  	v6 =	vld [tilespmem:s23+$0x0];
	p0 =	slt.u32 s22, $0xF80;
	[tilespmem:s21+$0xFFFFFFD0] =	vst v7;
	v2 =	vmul.f32 $8.000000000e+00, v2  }
0x24b: {  	v7 =	vld [tilespmem:s23+$0xFFFFFF90];
	[tilespmem:s21+$0x50] =	vst v1;
	v1 =	vmul.f32 $8.000000000e+00, v3  }
0x24c: {  	v3 =	vld [tilespmem:s23+$0x10];
	[tilespmem:s21+$0xFFFFFFE0] =	vst v2;
	v2 =	vmul.f32 $8.000000000e+00, v4  }
0x24d: {  	v4 =	vld [tilespmem:s23+$0xFFFFFFA0];
	v5 =	vmul.f32 $8.000000000e+00, v5;
	[tilespmem:s21+$0x60] =	vst v1  }
0x24e: {  	v1 =	vld [tilespmem:s23+$0x20];
	v8 =	vmul.f32 $8.000000000e+00, v8;
	[tilespmem:s21+$0xFFFFFFF0] =	vst v2  }
0x24f: {  	v2 =	vmul.f32 $8.000000000e+00, v6;
	v6 =	vld [tilespmem:s23+$0xFFFFFFB0];
	[tilespmem:s21+$0xFFFFFF80] =	vst v5;
	s21 =	smov.u32 s23  }
0x250: {  	v5 =	vmul.f32 $8.000000000e+00, v7;
	v7 =	vld [tilespmem:s23+$0x30];
	[tilespmem:s23+$0x70] =	vst v8  }
0x251: {  	[tilespmem:s23+$0x0] =	vst v2;
	v2 =	vmul.f32 $8.000000000e+00, v3;
	v3 =	vld [tilespmem:s23+$0xFFFFFFC0]  }
0x252: {  	[tilespmem:s23+$0xFFFFFF90] =	vst v5;
	v4 =	vmul.f32 $8.000000000e+00, v4;
	v5 =	vld [tilespmem:s23+$0x40]  }
0x253: {  	[tilespmem:s23+$0x10] =	vst v2;
	v2 =	vmul.f32 $8.000000000e+00, v1;
	v8 =	vld [tilespmem:s23+$0xFFFFFFD0]  }
.Ltmp11:
0x254: {  	[tilespmem:s23+$0xFFFFFFA0] =	vst v4;
	v4 =	vmul.f32 $8.000000000e+00, v6;
	v1 =	vld [tilespmem:s23+$0x50];
	(pc) =	sbr.rel @p0 .LBB2_24-.Ltmp11, $4  }
0x255: {  	[tilespmem:s23+$0x20] =	vst v2;
	v6 =	vmul.f32 $8.000000000e+00, v7;
	v2 =	vld [tilespmem:s23+$0xFFFFFFE0]  }
0x256: {  	[tilespmem:s23+$0xFFFFFFB0] =	vst v4;
	v7 =	vmul.f32 $8.000000000e+00, v3;
	v3 =	vld [tilespmem:s23+$0x60]  }
0x257: {  	[tilespmem:s23+$0x30] =	vst v6;
	v6 =	vmul.f32 $8.000000000e+00, v5;
	v4 =	vld [tilespmem:s23+$0xFFFFFFF0]  }
0x258: {  	s23 =	sadd.s32 $0x100, s23;
	v5 =	vld [tilespmem:s21+$0xFFFFFF80];
	[tilespmem:s21+$0xFFFFFFC0] =	vst v7;
	v7 =	vmul.f32 $8.000000000e+00, v8  }
0x259: {  	[tilespmem:s21+$0x40] =	vst v6;
	v1 =	vmul.f32 $8.000000000e+00, v1  }
0x25a: {  	[tilespmem:s21+$0xFFFFFFD0] =	vst v7;
	v2 =	vmul.f32 $8.000000000e+00, v2  }
0x25b: {  	[tilespmem:s21+$0x50] =	vst v1;
	v1 =	vmul.f32 $8.000000000e+00, v3  }
0x25c: {  	[tilespmem:s21+$0xFFFFFFE0] =	vst v2;
	v2 =	vmul.f32 $8.000000000e+00, v4  }
0x25d: {  	v3 =	vmul.f32 $8.000000000e+00, v5;
	[tilespmem:s21+$0x60] =	vst v1  }
0x25e: {  	[tilespmem:s21+$0xFFFFFFF0] =	vst v2  }
0x25f: {  	[tilespmem:s21+$0xFFFFFF80] =	vst v3  }
0x260: {  	s22 =	simm.s32 $0x16000;
	s21 =	rddreg [dreg:$0x1f]  }
0x261: {  	[hbm4b:s21+s7] =	stream.strided.scatter [tilespmem:s22], [sflag:$0x18], $0x2000, s8, s7, $0x38;
	[tilespmem:$0x18000] =	vst v63  }
0x262: {  	_ =	swait.ge [sflag:s12], $0x2000  }
0x263: {  	[sflag:s12] =	ssyncset.done $0x0  }
0x264: {  	s21 =	simm.s32 $0x80;
	[sflag:s12] =	ssyncadd.s32 $0xFFFFE000  }
0x265: {  	v1 =	vld [tilespmem:s21+$0x70]  }
0x266: {  	v2 =	vld [tilespmem:s21+$0x0]  }
0x267: {  	v3 =	vld [tilespmem:s21+$0xFFFFFF90]  }
0x268: {  	v4 =	vld [tilespmem:s21+$0x10]  }
0x269: {  	v5 =	vld [tilespmem:s21+$0xFFFFFFA0]  }
0x26a: {  	v6 =	vld [tilespmem:s21+$0x20];
	v1 =	vmul.f32 $8.000000000e+00, v1  }
0x26b: {  	v7 =	vld [tilespmem:s21+$0xFFFFFFB0];
	v2 =	vmul.f32 $8.000000000e+00, v2  }
0x26c: {  	v8 =	vld [tilespmem:s21+$0x30];
	v3 =	vmul.f32 $8.000000000e+00, v3;
	[tilespmem:s21+$0x70] =	vst v1  }
0x26d: {  	[tilespmem:s21+$0x0] =	vst v2;
	v1 =	vmul.f32 $8.000000000e+00, v4;
	v4 =	vld [tilespmem:s21+$0xFFFFFFC0]  }
0x26e: {  	[tilespmem:s21+$0xFFFFFF90] =	vst v3;
	v2 =	vmul.f32 $8.000000000e+00, v5;
	v5 =	vld [tilespmem:s21+$0x40]  }
0x26f: {  	v9 =	vld [tilespmem:s21+$0xFFFFFFD0];
	v3 =	vmul.f32 $8.000000000e+00, v6;
	[tilespmem:s21+$0x10] =	vst v1  }
0x270: {  	v6 =	vmul.f32 $8.000000000e+00, v7;
	[tilespmem:s21+$0xFFFFFFA0] =	vst v2;
	v1 =	vld [tilespmem:s21+$0x50]  }
0x271: {  	v7 =	vmul.f32 $8.000000000e+00, v8;
	[tilespmem:s21+$0x20] =	vst v3;
	v2 =	vld [tilespmem:s21+$0xFFFFFFE0]  }
0x272: {  	[tilespmem:s21+$0xFFFFFFB0] =	vst v6;
	v3 =	vld [tilespmem:s21+$0x60];
	v8 =	vmul.f32 $8.000000000e+00, v4  }
0x273: {  	[tilespmem:s21+$0x30] =	vst v7;
	v4 =	vld [tilespmem:s21+$0xFFFFFFF0];
	v6 =	vmul.f32 $8.000000000e+00, v5  }
0x274: {  	s23 =	simm.s32 $0x180;
	s22 =	simm.s32 $0x0;
	v7 =	vmul.f32 $8.000000000e+00, v9;
	v5 =	vld [tilespmem:s21+$0xFFFFFF80];
	[tilespmem:s21+$0xFFFFFFC0] =	vst v8  }
.LBB2_26:
0x275: {  	v8 =	vld [tilespmem:s23+$0x70];
	s22 =	sadd.s32 $0x80, s22;
	[tilespmem:s21+$0x40] =	vst v6;
	v1 =	vmul.f32 $8.000000000e+00, v1  }
0x276: {  	v6 =	vld [tilespmem:s23+$0x0];
	p0 =	slt.u32 s22, $0xF80;
	[tilespmem:s21+$0xFFFFFFD0] =	vst v7;
	v2 =	vmul.f32 $8.000000000e+00, v2  }
0x277: {  	v7 =	vld [tilespmem:s23+$0xFFFFFF90];
	[tilespmem:s21+$0x50] =	vst v1;
	v1 =	vmul.f32 $8.000000000e+00, v3  }
0x278: {  	v3 =	vld [tilespmem:s23+$0x10];
	[tilespmem:s21+$0xFFFFFFE0] =	vst v2;
	v2 =	vmul.f32 $8.000000000e+00, v4  }
0x279: {  	v4 =	vld [tilespmem:s23+$0xFFFFFFA0];
	v5 =	vmul.f32 $8.000000000e+00, v5;
	[tilespmem:s21+$0x60] =	vst v1  }
0x27a: {  	v1 =	vld [tilespmem:s23+$0x20];
	v8 =	vmul.f32 $8.000000000e+00, v8;
	[tilespmem:s21+$0xFFFFFFF0] =	vst v2  }
0x27b: {  	v2 =	vmul.f32 $8.000000000e+00, v6;
	v6 =	vld [tilespmem:s23+$0xFFFFFFB0];
	[tilespmem:s21+$0xFFFFFF80] =	vst v5;
	s21 =	smov.u32 s23  }
0x27c: {  	v5 =	vmul.f32 $8.000000000e+00, v7;
	v7 =	vld [tilespmem:s23+$0x30];
	[tilespmem:s23+$0x70] =	vst v8  }
0x27d: {  	[tilespmem:s23+$0x0] =	vst v2;
	v2 =	vmul.f32 $8.000000000e+00, v3;
	v3 =	vld [tilespmem:s23+$0xFFFFFFC0]  }
0x27e: {  	[tilespmem:s23+$0xFFFFFF90] =	vst v5;
	v4 =	vmul.f32 $8.000000000e+00, v4;
	v5 =	vld [tilespmem:s23+$0x40]  }
0x27f: {  	[tilespmem:s23+$0x10] =	vst v2;
	v2 =	vmul.f32 $8.000000000e+00, v1;
	v8 =	vld [tilespmem:s23+$0xFFFFFFD0]  }
.Ltmp12:
0x280: {  	[tilespmem:s23+$0xFFFFFFA0] =	vst v4;
	v4 =	vmul.f32 $8.000000000e+00, v6;
	v1 =	vld [tilespmem:s23+$0x50];
	(pc) =	sbr.rel @p0 .LBB2_26-.Ltmp12, $4  }
0x281: {  	[tilespmem:s23+$0x20] =	vst v2;
	v6 =	vmul.f32 $8.000000000e+00, v7;
	v2 =	vld [tilespmem:s23+$0xFFFFFFE0]  }
0x282: {  	[tilespmem:s23+$0xFFFFFFB0] =	vst v4;
	v7 =	vmul.f32 $8.000000000e+00, v3;
	v3 =	vld [tilespmem:s23+$0x60]  }
0x283: {  	[tilespmem:s23+$0x30] =	vst v6;
	v6 =	vmul.f32 $8.000000000e+00, v5;
	v4 =	vld [tilespmem:s23+$0xFFFFFFF0]  }
0x284: {  	s23 =	sadd.s32 $0x100, s23;
	v5 =	vld [tilespmem:s21+$0xFFFFFF80];
	[tilespmem:s21+$0xFFFFFFC0] =	vst v7;
	v7 =	vmul.f32 $8.000000000e+00, v8  }
0x285: {  	[tilespmem:s21+$0x40] =	vst v6;
	v1 =	vmul.f32 $8.000000000e+00, v1  }
0x286: {  	[tilespmem:s21+$0xFFFFFFD0] =	vst v7;
	v2 =	vmul.f32 $8.000000000e+00, v2  }
0x287: {  	[tilespmem:s21+$0x50] =	vst v1;
	v1 =	vmul.f32 $8.000000000e+00, v3  }
0x288: {  	[tilespmem:s21+$0xFFFFFFE0] =	vst v2;
	v2 =	vmul.f32 $8.000000000e+00, v4  }
0x289: {  	v3 =	vmul.f32 $8.000000000e+00, v5;
	[tilespmem:s21+$0x60] =	vst v1  }
0x28a: {  	[tilespmem:s21+$0xFFFFFFF0] =	vst v2  }
0x28b: {  	[tilespmem:s21+$0xFFFFFF80] =	vst v3  }
0x28c: {  	s21 =	sld [smem:$0x7FA];
	_ =	sdelay $0x2  }
0x28d: {  	[hbm4b:s21+s7] =	stream.strided.scatter [tilespmem:s2], [sflag:$0xD], $0x2000, s8, s7, $0x38;
	[tilespmem:$0x18000] =	vst v63  }
0x28e: {  	_ =	swait.ge [sflag:s13], $0x2000  }
0x28f: {  	[sflag:s13] =	ssyncset.done $0x0  }
0x290: {  	s21 =	simm.s32 $0x2080;
	[sflag:s13] =	ssyncadd.s32 $0xFFFFE000  }
0x291: {  	v1 =	vld [tilespmem:s21+$0x70]  }
0x292: {  	v2 =	vld [tilespmem:s21+$0x0]  }
0x293: {  	v3 =	vld [tilespmem:s21+$0xFFFFFF90]  }
0x294: {  	v4 =	vld [tilespmem:s21+$0x10]  }
0x295: {  	v5 =	vld [tilespmem:s21+$0xFFFFFFA0]  }
0x296: {  	v6 =	vld [tilespmem:s21+$0x20];
	v1 =	vmul.f32 $8.000000000e+00, v1  }
0x297: {  	v7 =	vld [tilespmem:s21+$0xFFFFFFB0];
	v2 =	vmul.f32 $8.000000000e+00, v2  }
0x298: {  	v8 =	vld [tilespmem:s21+$0x30];
	v3 =	vmul.f32 $8.000000000e+00, v3;
	[tilespmem:s21+$0x70] =	vst v1  }
0x299: {  	[tilespmem:s21+$0x0] =	vst v2;
	v1 =	vmul.f32 $8.000000000e+00, v4;
	v4 =	vld [tilespmem:s21+$0xFFFFFFC0]  }
0x29a: {  	[tilespmem:s21+$0xFFFFFF90] =	vst v3;
	v2 =	vmul.f32 $8.000000000e+00, v5;
	v5 =	vld [tilespmem:s21+$0x40]  }
0x29b: {  	v9 =	vld [tilespmem:s21+$0xFFFFFFD0];
	v3 =	vmul.f32 $8.000000000e+00, v6;
	[tilespmem:s21+$0x10] =	vst v1  }
0x29c: {  	v6 =	vmul.f32 $8.000000000e+00, v7;
	[tilespmem:s21+$0xFFFFFFA0] =	vst v2;
	v1 =	vld [tilespmem:s21+$0x50]  }
0x29d: {  	v7 =	vmul.f32 $8.000000000e+00, v8;
	[tilespmem:s21+$0x20] =	vst v3;
	v2 =	vld [tilespmem:s21+$0xFFFFFFE0]  }
0x29e: {  	[tilespmem:s21+$0xFFFFFFB0] =	vst v6;
	v3 =	vld [tilespmem:s21+$0x60];
	v8 =	vmul.f32 $8.000000000e+00, v4  }
0x29f: {  	[tilespmem:s21+$0x30] =	vst v7;
	v4 =	vld [tilespmem:s21+$0xFFFFFFF0];
	v6 =	vmul.f32 $8.000000000e+00, v5  }
0x2a0: {  	s22 =	simm.s32 $0x0;
	s23 =	simm.s32 $0x2180;
	v7 =	vmul.f32 $8.000000000e+00, v9;
	v5 =	vld [tilespmem:s21+$0xFFFFFF80];
	[tilespmem:s21+$0xFFFFFFC0] =	vst v8  }
.LBB2_28:
0x2a1: {  	v8 =	vld [tilespmem:s23+$0x70];
	s22 =	sadd.s32 $0x80, s22;
	[tilespmem:s21+$0x40] =	vst v6;
	v1 =	vmul.f32 $8.000000000e+00, v1  }
0x2a2: {  	v6 =	vld [tilespmem:s23+$0x0];
	p0 =	slt.u32 s22, $0xF80;
	[tilespmem:s21+$0xFFFFFFD0] =	vst v7;
	v2 =	vmul.f32 $8.000000000e+00, v2  }
0x2a3: {  	v7 =	vld [tilespmem:s23+$0xFFFFFF90];
	[tilespmem:s21+$0x50] =	vst v1;
	v1 =	vmul.f32 $8.000000000e+00, v3  }
0x2a4: {  	v3 =	vld [tilespmem:s23+$0x10];
	[tilespmem:s21+$0xFFFFFFE0] =	vst v2;
	v2 =	vmul.f32 $8.000000000e+00, v4  }
0x2a5: {  	v4 =	vld [tilespmem:s23+$0xFFFFFFA0];
	v5 =	vmul.f32 $8.000000000e+00, v5;
	[tilespmem:s21+$0x60] =	vst v1  }
0x2a6: {  	v1 =	vld [tilespmem:s23+$0x20];
	v8 =	vmul.f32 $8.000000000e+00, v8;
	[tilespmem:s21+$0xFFFFFFF0] =	vst v2  }
0x2a7: {  	v2 =	vmul.f32 $8.000000000e+00, v6;
	v6 =	vld [tilespmem:s23+$0xFFFFFFB0];
	[tilespmem:s21+$0xFFFFFF80] =	vst v5;
	s21 =	smov.u32 s23  }
0x2a8: {  	v5 =	vmul.f32 $8.000000000e+00, v7;
	v7 =	vld [tilespmem:s23+$0x30];
	[tilespmem:s23+$0x70] =	vst v8  }
0x2a9: {  	[tilespmem:s23+$0x0] =	vst v2;
	v2 =	vmul.f32 $8.000000000e+00, v3;
	v3 =	vld [tilespmem:s23+$0xFFFFFFC0]  }
0x2aa: {  	[tilespmem:s23+$0xFFFFFF90] =	vst v5;
	v4 =	vmul.f32 $8.000000000e+00, v4;
	v5 =	vld [tilespmem:s23+$0x40]  }
0x2ab: {  	[tilespmem:s23+$0x10] =	vst v2;
	v2 =	vmul.f32 $8.000000000e+00, v1;
	v8 =	vld [tilespmem:s23+$0xFFFFFFD0]  }
.Ltmp13:
0x2ac: {  	[tilespmem:s23+$0xFFFFFFA0] =	vst v4;
	v4 =	vmul.f32 $8.000000000e+00, v6;
	v1 =	vld [tilespmem:s23+$0x50];
	(pc) =	sbr.rel @p0 .LBB2_28-.Ltmp13, $4  }
0x2ad: {  	[tilespmem:s23+$0x20] =	vst v2;
	v6 =	vmul.f32 $8.000000000e+00, v7;
	v2 =	vld [tilespmem:s23+$0xFFFFFFE0]  }
0x2ae: {  	[tilespmem:s23+$0xFFFFFFB0] =	vst v4;
	v7 =	vmul.f32 $8.000000000e+00, v3;
	v3 =	vld [tilespmem:s23+$0x60]  }
0x2af: {  	[tilespmem:s23+$0x30] =	vst v6;
	v6 =	vmul.f32 $8.000000000e+00, v5;
	v4 =	vld [tilespmem:s23+$0xFFFFFFF0]  }
0x2b0: {  	s23 =	sadd.s32 $0x100, s23;
	v5 =	vld [tilespmem:s21+$0xFFFFFF80];
	[tilespmem:s21+$0xFFFFFFC0] =	vst v7;
	v7 =	vmul.f32 $8.000000000e+00, v8  }
0x2b1: {  	[tilespmem:s21+$0x40] =	vst v6;
	v1 =	vmul.f32 $8.000000000e+00, v1  }
0x2b2: {  	[tilespmem:s21+$0xFFFFFFD0] =	vst v7;
	v2 =	vmul.f32 $8.000000000e+00, v2  }
0x2b3: {  	[tilespmem:s21+$0x50] =	vst v1;
	v1 =	vmul.f32 $8.000000000e+00, v3  }
0x2b4: {  	[tilespmem:s21+$0xFFFFFFE0] =	vst v2;
	v2 =	vmul.f32 $8.000000000e+00, v4  }
0x2b5: {  	v3 =	vmul.f32 $8.000000000e+00, v5;
	[tilespmem:s21+$0x60] =	vst v1  }
0x2b6: {  	[tilespmem:s21+$0xFFFFFFF0] =	vst v2  }
0x2b7: {  	[tilespmem:s21+$0xFFFFFF80] =	vst v3  }
0x2b8: {  	s21 =	sld [smem:$0x7FB];
	_ =	sdelay $0x2  }
0x2b9: {  	[hbm4b:s21+s7] =	stream.strided.scatter [tilespmem:s9], [sflag:$0xE], $0x2000, s8, s7, $0x38;
	[tilespmem:$0x18000] =	vst v63  }
0x2ba: {  	_ =	swait.ge [sflag:s17], $0x2000  }
0x2bb: {  	[sflag:s17] =	ssyncset.done $0x0  }
0x2bc: {  	s21 =	simm.s32 $0x4080;
	[sflag:s17] =	ssyncadd.s32 $0xFFFFE000  }
0x2bd: {  	v1 =	vld [tilespmem:s21+$0x70]  }
0x2be: {  	v2 =	vld [tilespmem:s21+$0x0]  }
0x2bf: {  	v3 =	vld [tilespmem:s21+$0xFFFFFF90]  }
0x2c0: {  	v4 =	vld [tilespmem:s21+$0x10]  }
0x2c1: {  	v5 =	vld [tilespmem:s21+$0xFFFFFFA0]  }
0x2c2: {  	v6 =	vld [tilespmem:s21+$0x20];
	v1 =	vmul.f32 $8.000000000e+00, v1  }
0x2c3: {  	v7 =	vld [tilespmem:s21+$0xFFFFFFB0];
	v2 =	vmul.f32 $8.000000000e+00, v2  }
0x2c4: {  	v8 =	vld [tilespmem:s21+$0x30];
	v3 =	vmul.f32 $8.000000000e+00, v3;
	[tilespmem:s21+$0x70] =	vst v1  }
0x2c5: {  	[tilespmem:s21+$0x0] =	vst v2;
	v1 =	vmul.f32 $8.000000000e+00, v4;
	v4 =	vld [tilespmem:s21+$0xFFFFFFC0]  }
0x2c6: {  	[tilespmem:s21+$0xFFFFFF90] =	vst v3;
	v2 =	vmul.f32 $8.000000000e+00, v5;
	v5 =	vld [tilespmem:s21+$0x40]  }
0x2c7: {  	v9 =	vld [tilespmem:s21+$0xFFFFFFD0];
	v3 =	vmul.f32 $8.000000000e+00, v6;
	[tilespmem:s21+$0x10] =	vst v1  }
0x2c8: {  	v6 =	vmul.f32 $8.000000000e+00, v7;
	[tilespmem:s21+$0xFFFFFFA0] =	vst v2;
	v1 =	vld [tilespmem:s21+$0x50]  }
0x2c9: {  	v7 =	vmul.f32 $8.000000000e+00, v8;
	[tilespmem:s21+$0x20] =	vst v3;
	v2 =	vld [tilespmem:s21+$0xFFFFFFE0]  }
0x2ca: {  	[tilespmem:s21+$0xFFFFFFB0] =	vst v6;
	v3 =	vld [tilespmem:s21+$0x60];
	v8 =	vmul.f32 $8.000000000e+00, v4  }
0x2cb: {  	[tilespmem:s21+$0x30] =	vst v7;
	v4 =	vld [tilespmem:s21+$0xFFFFFFF0];
	v6 =	vmul.f32 $8.000000000e+00, v5  }
0x2cc: {  	s22 =	simm.s32 $0x0;
	s23 =	simm.s32 $0x4180;
	v7 =	vmul.f32 $8.000000000e+00, v9;
	v5 =	vld [tilespmem:s21+$0xFFFFFF80];
	[tilespmem:s21+$0xFFFFFFC0] =	vst v8  }
.LBB2_30:
0x2cd: {  	v8 =	vld [tilespmem:s23+$0x70];
	s22 =	sadd.s32 $0x80, s22;
	[tilespmem:s21+$0x40] =	vst v6;
	v1 =	vmul.f32 $8.000000000e+00, v1  }
0x2ce: {  	v6 =	vld [tilespmem:s23+$0x0];
	p0 =	slt.u32 s22, $0xF80;
	[tilespmem:s21+$0xFFFFFFD0] =	vst v7;
	v2 =	vmul.f32 $8.000000000e+00, v2  }
0x2cf: {  	v7 =	vld [tilespmem:s23+$0xFFFFFF90];
	[tilespmem:s21+$0x50] =	vst v1;
	v1 =	vmul.f32 $8.000000000e+00, v3  }
0x2d0: {  	v3 =	vld [tilespmem:s23+$0x10];
	[tilespmem:s21+$0xFFFFFFE0] =	vst v2;
	v2 =	vmul.f32 $8.000000000e+00, v4  }
0x2d1: {  	v4 =	vld [tilespmem:s23+$0xFFFFFFA0];
	v5 =	vmul.f32 $8.000000000e+00, v5;
	[tilespmem:s21+$0x60] =	vst v1  }
0x2d2: {  	v1 =	vld [tilespmem:s23+$0x20];
	v8 =	vmul.f32 $8.000000000e+00, v8;
	[tilespmem:s21+$0xFFFFFFF0] =	vst v2  }
0x2d3: {  	v2 =	vmul.f32 $8.000000000e+00, v6;
	v6 =	vld [tilespmem:s23+$0xFFFFFFB0];
	[tilespmem:s21+$0xFFFFFF80] =	vst v5;
	s21 =	smov.u32 s23  }
0x2d4: {  	v5 =	vmul.f32 $8.000000000e+00, v7;
	v7 =	vld [tilespmem:s23+$0x30];
	[tilespmem:s23+$0x70] =	vst v8  }
0x2d5: {  	[tilespmem:s23+$0x0] =	vst v2;
	v2 =	vmul.f32 $8.000000000e+00, v3;
	v3 =	vld [tilespmem:s23+$0xFFFFFFC0]  }
0x2d6: {  	[tilespmem:s23+$0xFFFFFF90] =	vst v5;
	v4 =	vmul.f32 $8.000000000e+00, v4;
	v5 =	vld [tilespmem:s23+$0x40]  }
0x2d7: {  	[tilespmem:s23+$0x10] =	vst v2;
	v2 =	vmul.f32 $8.000000000e+00, v1;
	v8 =	vld [tilespmem:s23+$0xFFFFFFD0]  }
.Ltmp14:
0x2d8: {  	[tilespmem:s23+$0xFFFFFFA0] =	vst v4;
	v4 =	vmul.f32 $8.000000000e+00, v6;
	v1 =	vld [tilespmem:s23+$0x50];
	(pc) =	sbr.rel @p0 .LBB2_30-.Ltmp14, $4  }
0x2d9: {  	[tilespmem:s23+$0x20] =	vst v2;
	v6 =	vmul.f32 $8.000000000e+00, v7;
	v2 =	vld [tilespmem:s23+$0xFFFFFFE0]  }
0x2da: {  	[tilespmem:s23+$0xFFFFFFB0] =	vst v4;
	v7 =	vmul.f32 $8.000000000e+00, v3;
	v3 =	vld [tilespmem:s23+$0x60]  }
0x2db: {  	[tilespmem:s23+$0x30] =	vst v6;
	v6 =	vmul.f32 $8.000000000e+00, v5;
	v4 =	vld [tilespmem:s23+$0xFFFFFFF0]  }
0x2dc: {  	s23 =	sadd.s32 $0x100, s23;
	v5 =	vld [tilespmem:s21+$0xFFFFFF80];
	[tilespmem:s21+$0xFFFFFFC0] =	vst v7;
	v7 =	vmul.f32 $8.000000000e+00, v8  }
0x2dd: {  	[tilespmem:s21+$0x40] =	vst v6;
	v1 =	vmul.f32 $8.000000000e+00, v1  }
0x2de: {  	[tilespmem:s21+$0xFFFFFFD0] =	vst v7;
	v2 =	vmul.f32 $8.000000000e+00, v2  }
0x2df: {  	[tilespmem:s21+$0x50] =	vst v1;
	v1 =	vmul.f32 $8.000000000e+00, v3  }
0x2e0: {  	[tilespmem:s21+$0xFFFFFFE0] =	vst v2;
	v2 =	vmul.f32 $8.000000000e+00, v4  }
0x2e1: {  	v3 =	vmul.f32 $8.000000000e+00, v5;
	[tilespmem:s21+$0x60] =	vst v1  }
0x2e2: {  	[tilespmem:s21+$0xFFFFFFF0] =	vst v2  }
0x2e3: {  	[tilespmem:s21+$0xFFFFFF80] =	vst v3  }
0x2e4: {  	s21 =	sld [smem:$0x7FC];
	_ =	sdelay $0x2  }
0x2e5: {  	[hbm4b:s21+s7] =	stream.strided.scatter [tilespmem:s10], [sflag:$0xF], $0x2000, s8, s7, $0x38;
	[tilespmem:$0x18000] =	vst v63  }
0x2e6: {  	_ =	swait.ge [sflag:s19], $0x2000  }
0x2e7: {  	[sflag:s19] =	ssyncset.done $0x0  }
0x2e8: {  	s21 =	simm.s32 $0x6080;
	[sflag:s19] =	ssyncadd.s32 $0xFFFFE000  }
0x2e9: {  	v1 =	vld [tilespmem:s21+$0x70]  }
0x2ea: {  	v2 =	vld [tilespmem:s21+$0x0]  }
0x2eb: {  	v3 =	vld [tilespmem:s21+$0xFFFFFF90]  }
0x2ec: {  	v4 =	vld [tilespmem:s21+$0x10]  }
0x2ed: {  	v5 =	vld [tilespmem:s21+$0xFFFFFFA0]  }
0x2ee: {  	v6 =	vld [tilespmem:s21+$0x20];
	v1 =	vmul.f32 $8.000000000e+00, v1  }
0x2ef: {  	v7 =	vld [tilespmem:s21+$0xFFFFFFB0];
	v2 =	vmul.f32 $8.000000000e+00, v2  }
0x2f0: {  	v8 =	vld [tilespmem:s21+$0x30];
	v3 =	vmul.f32 $8.000000000e+00, v3;
	[tilespmem:s21+$0x70] =	vst v1  }
0x2f1: {  	[tilespmem:s21+$0x0] =	vst v2;
	v1 =	vmul.f32 $8.000000000e+00, v4;
	v4 =	vld [tilespmem:s21+$0xFFFFFFC0]  }
0x2f2: {  	[tilespmem:s21+$0xFFFFFF90] =	vst v3;
	v2 =	vmul.f32 $8.000000000e+00, v5;
	v5 =	vld [tilespmem:s21+$0x40]  }
0x2f3: {  	v9 =	vld [tilespmem:s21+$0xFFFFFFD0];
	v3 =	vmul.f32 $8.000000000e+00, v6;
	[tilespmem:s21+$0x10] =	vst v1  }
0x2f4: {  	v6 =	vmul.f32 $8.000000000e+00, v7;
	[tilespmem:s21+$0xFFFFFFA0] =	vst v2;
	v1 =	vld [tilespmem:s21+$0x50]  }
0x2f5: {  	v7 =	vmul.f32 $8.000000000e+00, v8;
	[tilespmem:s21+$0x20] =	vst v3;
	v2 =	vld [tilespmem:s21+$0xFFFFFFE0]  }
0x2f6: {  	[tilespmem:s21+$0xFFFFFFB0] =	vst v6;
	v3 =	vld [tilespmem:s21+$0x60];
	v8 =	vmul.f32 $8.000000000e+00, v4  }
0x2f7: {  	[tilespmem:s21+$0x30] =	vst v7;
	v4 =	vld [tilespmem:s21+$0xFFFFFFF0];
	v6 =	vmul.f32 $8.000000000e+00, v5  }
0x2f8: {  	s22 =	simm.s32 $0x0;
	s23 =	simm.s32 $0x6180;
	v7 =	vmul.f32 $8.000000000e+00, v9;
	v5 =	vld [tilespmem:s21+$0xFFFFFF80];
	[tilespmem:s21+$0xFFFFFFC0] =	vst v8  }
.LBB2_32:
0x2f9: {  	v8 =	vld [tilespmem:s23+$0x70];
	s22 =	sadd.s32 $0x80, s22;
	[tilespmem:s21+$0x40] =	vst v6;
	v1 =	vmul.f32 $8.000000000e+00, v1  }
0x2fa: {  	v6 =	vld [tilespmem:s23+$0x0];
	p0 =	slt.u32 s22, $0xF80;
	[tilespmem:s21+$0xFFFFFFD0] =	vst v7;
	v2 =	vmul.f32 $8.000000000e+00, v2  }
0x2fb: {  	v7 =	vld [tilespmem:s23+$0xFFFFFF90];
	[tilespmem:s21+$0x50] =	vst v1;
	v1 =	vmul.f32 $8.000000000e+00, v3  }
0x2fc: {  	v3 =	vld [tilespmem:s23+$0x10];
	[tilespmem:s21+$0xFFFFFFE0] =	vst v2;
	v2 =	vmul.f32 $8.000000000e+00, v4  }
0x2fd: {  	v4 =	vld [tilespmem:s23+$0xFFFFFFA0];
	v5 =	vmul.f32 $8.000000000e+00, v5;
	[tilespmem:s21+$0x60] =	vst v1  }
0x2fe: {  	v1 =	vld [tilespmem:s23+$0x20];
	v8 =	vmul.f32 $8.000000000e+00, v8;
	[tilespmem:s21+$0xFFFFFFF0] =	vst v2  }
0x2ff: {  	v2 =	vmul.f32 $8.000000000e+00, v6;
	v6 =	vld [tilespmem:s23+$0xFFFFFFB0];
	[tilespmem:s21+$0xFFFFFF80] =	vst v5;
	s21 =	smov.u32 s23  }
0x300: {  	v5 =	vmul.f32 $8.000000000e+00, v7;
	v7 =	vld [tilespmem:s23+$0x30];
	[tilespmem:s23+$0x70] =	vst v8  }
0x301: {  	[tilespmem:s23+$0x0] =	vst v2;
	v2 =	vmul.f32 $8.000000000e+00, v3;
	v3 =	vld [tilespmem:s23+$0xFFFFFFC0]  }
0x302: {  	[tilespmem:s23+$0xFFFFFF90] =	vst v5;
	v4 =	vmul.f32 $8.000000000e+00, v4;
	v5 =	vld [tilespmem:s23+$0x40]  }
0x303: {  	[tilespmem:s23+$0x10] =	vst v2;
	v2 =	vmul.f32 $8.000000000e+00, v1;
	v8 =	vld [tilespmem:s23+$0xFFFFFFD0]  }
.Ltmp15:
0x304: {  	[tilespmem:s23+$0xFFFFFFA0] =	vst v4;
	v4 =	vmul.f32 $8.000000000e+00, v6;
	v1 =	vld [tilespmem:s23+$0x50];
	(pc) =	sbr.rel @p0 .LBB2_32-.Ltmp15, $4  }
0x305: {  	[tilespmem:s23+$0x20] =	vst v2;
	v6 =	vmul.f32 $8.000000000e+00, v7;
	v2 =	vld [tilespmem:s23+$0xFFFFFFE0]  }
0x306: {  	[tilespmem:s23+$0xFFFFFFB0] =	vst v4;
	v7 =	vmul.f32 $8.000000000e+00, v3;
	v3 =	vld [tilespmem:s23+$0x60]  }
0x307: {  	[tilespmem:s23+$0x30] =	vst v6;
	v6 =	vmul.f32 $8.000000000e+00, v5;
	v4 =	vld [tilespmem:s23+$0xFFFFFFF0]  }
0x308: {  	s23 =	sadd.s32 $0x100, s23;
	v5 =	vld [tilespmem:s21+$0xFFFFFF80];
	[tilespmem:s21+$0xFFFFFFC0] =	vst v7;
	v7 =	vmul.f32 $8.000000000e+00, v8  }
0x309: {  	[tilespmem:s21+$0x40] =	vst v6;
	v1 =	vmul.f32 $8.000000000e+00, v1  }
0x30a: {  	[tilespmem:s21+$0xFFFFFFD0] =	vst v7;
	v2 =	vmul.f32 $8.000000000e+00, v2  }
0x30b: {  	[tilespmem:s21+$0x50] =	vst v1;
	v1 =	vmul.f32 $8.000000000e+00, v3  }
0x30c: {  	[tilespmem:s21+$0xFFFFFFE0] =	vst v2;
	v2 =	vmul.f32 $8.000000000e+00, v4  }
0x30d: {  	v3 =	vmul.f32 $8.000000000e+00, v5;
	[tilespmem:s21+$0x60] =	vst v1  }
0x30e: {  	[tilespmem:s21+$0xFFFFFFF0] =	vst v2  }
0x30f: {  	[tilespmem:s21+$0xFFFFFF80] =	vst v3  }
0x310: {  	s21 =	sld [smem:$0x7FD];
	_ =	sdelay $0x2  }
0x311: {  	[hbm4b:s21+s7] =	stream.strided.scatter [tilespmem:s11], [sflag:$0x10], $0x2000, s8, s7, $0x38;
	[tilespmem:$0x18000] =	vst v63  }
0x312: {  	_ =	swait.ge [sflag:s30], $0x2000  }
0x313: {  	[sflag:s30] =	ssyncset.done $0x0  }
0x314: {  	[sflag:s30] =	ssyncadd.s32 $0xFFFFE000  }
0x315: {  	_ =	swait.ge [sflag:s31], $0x2000  }
0x316: {  	[sflag:s31] =	ssyncset.done $0x0  }
0x317: {  	[sflag:s31] =	ssyncadd.s32 $0xFFFFE000  }
0x318: {  	_ =	swait.ge [sflag:s0], $0x2000  }
0x319: {  	[sflag:s0] =	ssyncset.done $0x0  }
0x31a: {  	[sflag:s0] =	ssyncadd.s32 $0xFFFFE000  }
0x31b: {  	_ =	swait.ge [sflag:s1], $0x2000  }
0x31c: {  	[sflag:s1] =	ssyncset.done $0x0  }
0x31d: {  	[sflag:s1] =	ssyncadd.s32 $0xFFFFE000  }
0x31e: {  	_ =	swait.ge [sflag:s4], $0x2000  }
0x31f: {  	[sflag:s4] =	ssyncset.done $0x0  }
0x320: {  	[sflag:s4] =	ssyncadd.s32 $0xFFFFE000  }
0x321: {  	_ =	swait.ge [sflag:s5], $0x2000  }
0x322: {  	[sflag:s5] =	ssyncset.done $0x0  }
0x323: {  	[sflag:s5] =	ssyncadd.s32 $0xFFFFE000  }
0x324: {  	_ =	swait.ge [sflag:s6], $0x2000  }
0x325: {  	[sflag:s6] =	ssyncset.done $0x0  }
0x326: {  	[sflag:s6] =	ssyncadd.s32 $0xFFFFE000  }
0x327: {  	_ =	swait.ge [sflag:s3], $0x2000  }
0x328: {  	[sflag:s3] =	ssyncset.done $0x0  }
0x329: {  	[sflag:s3] =	ssyncadd.s32 $0xFFFFE000  }
0x32a: {  	_ =	swait.ge [sflag:s14], $0x2000  }
0x32b: {  	[sflag:s14] =	ssyncset.done $0x0  }
0x32c: {  	[sflag:s14] =	ssyncadd.s32 $0xFFFFE000  }
0x32d: {  	_ =	swait.ge [sflag:s16], $0x2000  }
0x32e: {  	[sflag:s16] =	ssyncset.done $0x0  }
0x32f: {  	[sflag:s16] =	ssyncadd.s32 $0xFFFFE000  }
0x330: {  	_ =	swait.ge [sflag:s18], $0x2000  }
0x331: {  	[sflag:s18] =	ssyncset.done $0x0  }
0x332: {  	[sflag:s18] =	ssyncadd.s32 $0xFFFFE000  }
0x333: {  	_ =	swait.ge [sflag:s20], $0x2000  }
0x334: {  	s15 =	sadd.s32 $0x1, s15;
	s23 =	rddreg [dreg:$0x18]  }
0x335: {  	p0 =	sne.s32 s15, s23  }
.Ltmp16:
0x336: {  	_ = 	snop;
	(pc) =	sbr.rel @p0 .LBB2_1-.Ltmp16, $3  }
0x337: {  	_ =	sdelay $0x1  }
0x338: {  	[sflag:s20] =	ssyncset.done $0x0  }
0x339: {  	[sflag:s20] =	ssyncadd.s32 $0xFFFFE000  }
0x33a: {  	_ =	sfence.sel $0x180000  }
0x33b: {  	[bflag:$0x0] =	sbarrier.arrive $0xFFFF  }
0x33c: {  	_ =	strace $0x90000047  }
0x33d: {  	s0 =	stileid.u32;
	[bflag:$0x2] =	sbarrier.arrive $0xFFFF  }
0x33e: {  	p0 =	sne.s32 s0, $0x0;
	s0 =	rddreg [dreg:$0x2]  }
0x33f: {  	s0 =	sadd.s32 @!p0 $0x100000, s0  }
0x340: {  	[sflag:s0] =	ssyncadd.tile.s32 @!p0 $0x1;
	_ =	shalt  }
.Lfunc_end2:
_tile_overlayer_lowered:
.L_overlay_start_2:
0x341: {  	(tag) =	ssettag $0x2  }
0x342: {  	s0 =	rddreg [dreg:$0x0];
	s2 =	stileid.u32  }
0x343: {  	s1 =	rddreg [dreg:$0x1];
	p0 =	sne.s32 s2, $0x0  }
0x344: {  	s3 =	rddreg [dreg:$0x2];
	[bflag:$0x3] =	sbarrier.arrive $0xFFFF;
	s2 =	simm.s32 @!p0 $0x1C19  }
0x345: {  	[timem:s3], [sflag:s2] =	dma.local @!p0 [hbm:s0], s1  }
0x346: {  	s0 =	simm.s32 @!p0 $0x19  }
0x347: {  	_ =	swait.ge @!p0 [sflag:s0], s1  }
0x348: {  	s1 =	ssub.s32 @!p0 $0x0, s1;
	[sflag:s0] =	ssyncset.done @!p0 $0x0  }
0x349: {  	[sflag:s0] =	ssyncadd.s32 @!p0 s1  }
0x34a: {  	[bflag:$0x3] =	sbarrier.arrive $0xFFFF  }
0x34b: {  	_ =	shalt  }

</sc_bundles>
